<compile_context>
chip_gen: v7x
topology: tpu7x:2x2x1
jax: 0.10.2.dev20260603
libtpu: 0.0.44.dev20260713+nightly
codegen_flags: <defaults>
</compile_context>

<pallas_src>
import jax
import jax.numpy as jnp
from jax import lax
from jax.experimental import pallas as pl
from jax.experimental.pallas import tpu as pltpu
from jax.experimental.pallas import tpu_sc as plsc

N = 10000
E = 320000
D = 128
DH = D // 2

NC = 2
NS = 16
EPW = E // NS
K = 128
EPW_PAD = 20096
C = EPW_PAD // K
PADE = EPW_PAD - EPW
N_PAD = 10240
RPW = N_PAD // NS


def _sc_aggregate_body(x_hbm, src0_hbm, src1_hbm, dst_hbm, agg_out, cnt_out,
                       src_v, dst_v, rows0_v, rows1_v, rows2_v, rows3_v,
                       ones_v, shared_agg, shared_cnt,
                       gsem0, gsem1, gsem2, gsem3,
                       ssem0, ssem1, ssem2, ssem3, csem):
    cid = lax.axis_index("c")
    sid = lax.axis_index("s")

    def _zrow(r, carry):
        for c16 in range(DH // 16):
            rows0_v[r, pl.ds(c16 * 16, 16)] = jnp.zeros((16,), jnp.float32)
        return carry
    lax.fori_loop(0, K, _zrow, 0)
    for i in range(K // 16):
        ones_v[pl.ds(i * 16, 16)] = jnp.ones((16,), jnp.float32)

    base = sid * RPW
    for m in range(RPW // K):
        pltpu.sync_copy(rows0_v, shared_agg.at[pl.ds(base + m * K, K)])
    for m in range(RPW // DH):
        pltpu.sync_copy(rows0_v.at[0],
                        shared_cnt.at[pl.ds(base + m * DH, DH)])
    plsc.subcore_barrier()

    @pl.when(cid == 0)
    def _():
        pltpu.sync_copy(src0_hbm.at[sid], src_v)

    @pl.when(cid == 1)
    def _():
        pltpu.sync_copy(src1_hbm.at[sid], src_v)
    pltpu.sync_copy(dst_hbm.at[sid], dst_v)

    rows = (rows0_v, rows1_v, rows2_v, rows3_v)
    gsem = (gsem0, gsem1, gsem2, gsem3)
    ssem = (ssem0, ssem1, ssem2, ssem3)
    pltpu.async_copy(x_hbm.at[src_v.at[0]], rows[0], gsem[0])
    pltpu.async_copy(x_hbm.at[src_v.at[1]], rows[1], gsem[1])

    def _chunk(j, carry):
        for b in range(4):
            @pl.when(j % 4 == b)
            def _(b=b):
                b2 = (b + 2) % 4
                pltpu.make_async_copy(x_hbm.at[src_v.at[j]], rows[b],
                                      gsem[b]).wait()
                pltpu.async_copy(rows[b], shared_agg.at[dst_v.at[j]],
                                 ssem[b], add=True)

                @pl.when(j >= 2)
                def _():
                    pltpu.make_async_copy(rows[b2],
                                          shared_agg.at[dst_v.at[0]],
                                          ssem[b2]).wait()

                @pl.when(j + 2 < C)
                def _():
                    pltpu.async_copy(x_hbm.at[src_v.at[j + 2]], rows[b2],
                                     gsem[b2])

        @pl.when((j % 2) == cid)
        def _():
            pltpu.async_copy(ones_v, shared_cnt.at[dst_v.at[j]], csem,
                             add=True)
        return carry
    lax.fori_loop(0, C, _chunk, 0)

    pltpu.make_async_copy(rows[(C - 2) % 4], shared_agg.at[dst_v.at[0]],
                          ssem[(C - 2) % 4]).wait()
    pltpu.make_async_copy(rows[(C - 1) % 4], shared_agg.at[dst_v.at[0]],
                          ssem[(C - 1) % 4]).wait()

    n_counts = jnp.where(cid == 0, (C + 1) // 2, C // 2)

    def _drain(i, carry):
        pltpu.make_async_copy(ones_v, shared_cnt.at[dst_v.at[0]],
                              csem).wait()
        return carry
    lax.fori_loop(0, n_counts, _drain, 0)
    plsc.subcore_barrier()

    pltpu.sync_copy(shared_agg.at[pl.ds(base, RPW)],
                    agg_out.at[cid, pl.ds(base, RPW)])
    pltpu.sync_copy(shared_cnt.at[pl.ds(base, RPW)],
                    cnt_out.at[cid, pl.ds(base, RPW)])


def _sc_aggregate(xs, src0, src1, dst):
    mesh = plsc.VectorSubcoreMesh(core_axis_name="c", subcore_axis_name="s")
    kern = pl.kernel(
        _sc_aggregate_body,
        out_type=[
            jax.ShapeDtypeStruct((NC, N_PAD, DH), jnp.float32),
            jax.ShapeDtypeStruct((NC, N_PAD), jnp.float32),
        ],
        mesh=mesh,
        scratch_types=[
            pltpu.VMEM((C, K), jnp.int32),
            pltpu.VMEM((C, K), jnp.int32),
            pltpu.VMEM((K, DH), jnp.float32),
            pltpu.VMEM((K, DH), jnp.float32),
            pltpu.VMEM((K, DH), jnp.float32),
            pltpu.VMEM((K, DH), jnp.float32),
            pltpu.VMEM((K,), jnp.float32),
            pltpu.VMEM_SHARED((N_PAD, DH), jnp.float32),
            pltpu.VMEM_SHARED((N_PAD,), jnp.float32),
        ] + [pltpu.SemaphoreType.DMA] * 9,
        compiler_params=pltpu.CompilerParams(use_tc_tiling_on_sc=False),
    )
    return kern(xs, src0, src1, dst)


def _tc_layer1_body(p, c, x, wl, bl, wr, o_ref):
    cnt = jnp.maximum(c[0] + c[1], 1.0)
    mean = jnp.concatenate([p[0], p[1]], axis=1) / cnt
    h = (jnp.dot(mean, wl[...], preferred_element_type=jnp.float32)
         + bl[...]
         + jnp.dot(x[...], wr[...], preferred_element_type=jnp.float32))
    o_ref[...] = jnp.maximum(h, 0.0)


def _tc_layer2_body(p, c, x, wl, bl, wr, wlin, blin, o_ref):
    cnt = jnp.maximum(c[0] + c[1], 1.0)
    mean = jnp.concatenate([p[0], p[1]], axis=1) / cnt
    h = (jnp.dot(mean, wl[...], preferred_element_type=jnp.float32)
         + bl[...]
         + jnp.dot(x[...], wr[...], preferred_element_type=jnp.float32))
    h = jnp.maximum(h, 0.0)
    o_ref[...] = (jnp.dot(h, wlin[...], preferred_element_type=jnp.float32)
                  + blin[...])


_BN = 2000


def _row_spec():
    return pl.BlockSpec((_BN, D), lambda i: (i, 0))


def _agg_spec():
    return pl.BlockSpec((NC, _BN, DH), lambda i: (0, i, 0))


def _cnt_spec():
    return pl.BlockSpec((NC, _BN, 1), lambda i: (0, i, 0))


def _w_spec():
    return pl.BlockSpec((D, D), lambda i: (0, 0))


def _b_spec():
    return pl.BlockSpec((1, D), lambda i: (0, 0))


def _tc_layer1(p, c, x, wl, bl, wr):
    return pl.pallas_call(
        _tc_layer1_body,
        grid=(N // _BN,),
        in_specs=[_agg_spec(), _cnt_spec(),
                  _row_spec(), _w_spec(), _b_spec(), _w_spec()],
        out_specs=_row_spec(),
        out_shape=jax.ShapeDtypeStruct((N, D), jnp.float32),
    )(p, c, x, wl, bl, wr)


def _tc_layer2(p, c, x, wl, bl, wr, wlin, blin):
    return pl.pallas_call(
        _tc_layer2_body,
        grid=(N // _BN,),
        in_specs=[_agg_spec(), _cnt_spec(),
                  _row_spec(), _w_spec(), _b_spec(), _w_spec(),
                  _w_spec(), _b_spec()],
        out_specs=_row_spec(),
        out_shape=jax.ShapeDtypeStruct((N, D), jnp.float32),
    )(p, c, x, wl, bl, wr, wlin, blin)


def kernel(x, edge_index, W1l, b1l, W1r, W2l, b2l, W2r, Wlin, blin):
    x = x.astype(jnp.float32)

    srcf = edge_index[0].reshape(NS, EPW)
    dstf = edge_index[1].reshape(NS, EPW)
    pad_pos = jnp.arange(NS * PADE, dtype=jnp.int32).reshape(NS, PADE)
    pad_src = (pad_pos * 613) % N
    pad_dst = N + (pad_pos % (N_PAD - N))
    srcp = jnp.concatenate([srcf, pad_src], axis=1)
    src0 = (2 * srcp).reshape(NS, C, K)
    src1 = (2 * srcp + 1).reshape(NS, C, K)
    dst = jnp.concatenate([dstf, pad_dst], axis=1).reshape(NS, C, K)

    agg1, cnt1 = _sc_aggregate(x.reshape(2 * N, DH), src0, src1, dst)
    cnt1 = cnt1[..., None]

    h = _tc_layer1(agg1, cnt1, x, W1l, b1l[None, :], W1r)

    agg2, _ = _sc_aggregate(h.reshape(2 * N, DH), src0, src1, dst)
    return _tc_layer2(agg2, cnt1, h,
                      W2l, b2l[None, :], W2r, Wlin, blin[None, :])

# --- scband reference (transcript-rebuilt; emitter-appended) ---
"""Pipeline reference for scband-homo-gnn-20383914787254 (READ-ONLY COPY).

The authoritative reference and input builder live on the scoring server;
editing this copy changes nothing except your own understanding.
"""

import jax, jax.numpy as jnp
import numpy as np

N, E, D, H, O = 10000, 320000, 128, 128, 128

def setup_inputs(seed: int = 0) -> dict:
    key = jax.random.key(seed)
    ks = jax.random.split(key, 12)
    x = jax.random.normal(ks[0], (N, D), dtype=jnp.float32)
    edge_index = jax.random.randint(ks[1], (2, E), 0, N, dtype=jnp.int32)
    s = 0.05
    W1l = jax.random.normal(ks[2], (D, H), dtype=jnp.float32) * s
    b1l = jnp.zeros((H,), dtype=jnp.float32)
    W1r = jax.random.normal(ks[3], (D, H), dtype=jnp.float32) * s
    W2l = jax.random.normal(ks[4], (H, H), dtype=jnp.float32) * s
    b2l = jnp.zeros((H,), dtype=jnp.float32)
    W2r = jax.random.normal(ks[5], (H, H), dtype=jnp.float32) * s
    Wlin = jax.random.normal(ks[6], (H, O), dtype=jnp.float32) * s
    blin = jnp.zeros((O,), dtype=jnp.float32)
    return {"x": x, "edge_index": edge_index, "W1l": W1l, "b1l": b1l, "W1r": W1r,
            "W2l": W2l, "b2l": b2l, "W2r": W2r, "Wlin": Wlin, "blin": blin}

def _sage_conv(x, edge_index, Wl, bl, Wr):
    # PyG SAGEConv (mean aggr): out = lin_l(mean_{j in N(i)} x_j) + lin_r(x_i)
    src = edge_index[0]
    dst = edge_index[1]
    n = x.shape[0]
    msgs = jnp.take(x, src, axis=0)                      # gather source features
    agg = jax.ops.segment_sum(msgs, dst, num_segments=n) # scatter-add to dst
    cnt = jax.ops.segment_sum(jnp.ones((src.shape[0],), dtype=x.dtype), dst, num_segments=n)
    mean = agg / jnp.maximum(cnt, 1.0)[:, None]
    return mean @ Wl + bl + x @ Wr

def reference(x, edge_index, W1l, b1l, W1r, W2l, b2l, W2r, Wlin, blin):
    x = x.astype(jnp.float32)
    h = jax.nn.relu(_sage_conv(x, edge_index, W1l, b1l, W1r))
    # dropout is identity in eval mode
    h = jax.nn.relu(_sage_conv(h, edge_index, W2l, b2l, W2r))
    return h @ Wlin + blin

if __name__ == "__main__":
    import jax
    _d = setup_inputs()
    print(jax.jit(kernel)(*tuple(_d.values())))

</pallas_src>

<mosaic_0001>
#map = affine_map<(d0, d1) -> (0, 0)>
#map1 = affine_map<(d0, d1) -> (0, 0, 0)>
module attributes {stable_mosaic.version = 14 : i64} {
  func.func @_sc_aggregate_body(%arg0: i32, %arg1: i32, %arg2: memref<20000x64xf32, #tpu.memory_space<hbm>>, %arg3: memref<16x157x128xi32, #tpu.memory_space<hbm>>, %arg4: memref<16x157x128xi32, #tpu.memory_space<hbm>>, %arg5: memref<16x157x128xi32, #tpu.memory_space<hbm>>, %arg6: memref<2x10240x64xf32, #tpu.memory_space<hbm>>, %arg7: memref<2x10240xf32, #tpu.memory_space<hbm>>, %arg8: memref<157x128xi32, #tpu.memory_space<vmem>>, %arg9: memref<157x128xi32, #tpu.memory_space<vmem>>, %arg10: memref<128x64xf32, #tpu.memory_space<vmem>>, %arg11: memref<128x64xf32, #tpu.memory_space<vmem>>, %arg12: memref<128x64xf32, #tpu.memory_space<vmem>>, %arg13: memref<128x64xf32, #tpu.memory_space<vmem>>, %arg14: memref<128xf32, #tpu.memory_space<vmem>>, %arg15: memref<10240x64xf32, #tpu.memory_space<vmem_shared>>, %arg16: memref<10240xf32, #tpu.memory_space<vmem_shared>>, %arg17: memref<!tpu.dma_semaphore, #tpu.memory_space<semaphore_mem>>, %arg18: memref<!tpu.dma_semaphore, #tpu.memory_space<semaphore_mem>>, %arg19: memref<!tpu.dma_semaphore, #tpu.memory_space<semaphore_mem>>, %arg20: memref<!tpu.dma_semaphore, #tpu.memory_space<semaphore_mem>>, %arg21: memref<!tpu.dma_semaphore, #tpu.memory_space<semaphore_mem>>, %arg22: memref<!tpu.dma_semaphore, #tpu.memory_space<semaphore_mem>>, %arg23: memref<!tpu.dma_semaphore, #tpu.memory_space<semaphore_mem>>, %arg24: memref<!tpu.dma_semaphore, #tpu.memory_space<semaphore_mem>>, %arg25: memref<!tpu.dma_semaphore, #tpu.memory_space<semaphore_mem>>) attributes {dimension_semantics = [#tpu.dimension_semantics<core_parallel>, #tpu.dimension_semantics<subcore_parallel>], iteration_bounds = array<i64: 2, 16>, scalar_prefetch = 0 : i64, scratch_operands = 18 : i64, tpu.core_type = #tpu.core_type<sc_vector_subcore>, window_params = [{transform_indices = #map}, {transform_indices = #map1}, {transform_indices = #map1}, {transform_indices = #map1}, {transform_indices = #map1}, {transform_indices = #map}]} {
    %scan3A = arith.constant 0 : i32
    %scan3A_0 = arith.constant 0 : i32
    %scan3A_1 = arith.constant 128 : i32
    %scan3A_2 = arith.addi %scan3A_0, %scan3A_1 : i32
    %scan3A_3 = arith.constant 1 : i32
    scf.for %scan3A_142 = %scan3A_0 to %scan3A_2 step %scan3A_3  : i32 {
      %broadcast_in_dim3A_143 = arith.constant 0.000000e+00 : f32
      %broadcast_in_dim3A_144 = vector.broadcast %broadcast_in_dim3A_143 : f32 to vector<16xf32>
      %swap3A_145 = arith.index_cast %scan3A_142 : i32 to index
      %swap3A_146 = arith.constant 0 : index
      %swap3A_147 = tpu.vector_load %arg10[%swap3A_145, %swap3A_146] {strides = array<i32>} : memref<128x64xf32, #tpu.memory_space<vmem>>, vector<1x16xf32>,
      %swap3A_148 = vector.shape_cast %swap3A_147 : vector<1x16xf32> to vector<16xf32>
      %swap3A_149 = vector.shape_cast %broadcast_in_dim3A_144 : vector<16xf32> to vector<1x16xf32>
      tpu.vector_store %arg10[%swap3A_145, %swap3A_146], %swap3A_149 {strides = array<i32>} : memref<128x64xf32, #tpu.memory_space<vmem>>, vector<1x16xf32>,
      %broadcast_in_dim3A_150 = arith.constant 0.000000e+00 : f32
      %broadcast_in_dim3A_151 = vector.broadcast %broadcast_in_dim3A_150 : f32 to vector<16xf32>
      %swap3A_152 = arith.index_cast %scan3A_142 : i32 to index
      %swap3A_153 = arith.constant 16 : index
      %swap3A_154 = tpu.vector_load %arg10[%swap3A_152, %swap3A_153] {strides = array<i32>} : memref<128x64xf32, #tpu.memory_space<vmem>>, vector<1x16xf32>,
      %swap3A_155 = vector.shape_cast %swap3A_154 : vector<1x16xf32> to vector<16xf32>
      %swap3A_156 = vector.shape_cast %broadcast_in_dim3A_151 : vector<16xf32> to vector<1x16xf32>
      tpu.vector_store %arg10[%swap3A_152, %swap3A_153], %swap3A_156 {strides = array<i32>} : memref<128x64xf32, #tpu.memory_space<vmem>>, vector<1x16xf32>,
      %broadcast_in_dim3A_157 = arith.constant 0.000000e+00 : f32
      %broadcast_in_dim3A_158 = vector.broadcast %broadcast_in_dim3A_157 : f32 to vector<16xf32>
      %swap3A_159 = arith.index_cast %scan3A_142 : i32 to index
      %swap3A_160 = arith.constant 32 : index
      %swap3A_161 = tpu.vector_load %arg10[%swap3A_159, %swap3A_160] {strides = array<i32>} : memref<128x64xf32, #tpu.memory_space<vmem>>, vector<1x16xf32>,
      %swap3A_162 = vector.shape_cast %swap3A_161 : vector<1x16xf32> to vector<16xf32>
      %swap3A_163 = vector.shape_cast %broadcast_in_dim3A_158 : vector<16xf32> to vector<1x16xf32>
      tpu.vector_store %arg10[%swap3A_159, %swap3A_160], %swap3A_163 {strides = array<i32>} : memref<128x64xf32, #tpu.memory_space<vmem>>, vector<1x16xf32>,
      %broadcast_in_dim3A_164 = arith.constant 0.000000e+00 : f32
      %broadcast_in_dim3A_165 = vector.broadcast %broadcast_in_dim3A_164 : f32 to vector<16xf32>
      %swap3A_166 = arith.index_cast %scan3A_142 : i32 to index
      %swap3A_167 = arith.constant 48 : index
      %swap3A_168 = tpu.vector_load %arg10[%swap3A_166, %swap3A_167] {strides = array<i32>} : memref<128x64xf32, #tpu.memory_space<vmem>>, vector<1x16xf32>,
      %swap3A_169 = vector.shape_cast %swap3A_168 : vector<1x16xf32> to vector<16xf32>
      %swap3A_170 = vector.shape_cast %broadcast_in_dim3A_165 : vector<16xf32> to vector<1x16xf32>
      tpu.vector_store %arg10[%swap3A_166, %swap3A_167], %swap3A_170 {strides = array<i32>} : memref<128x64xf32, #tpu.memory_space<vmem>>, vector<1x16xf32>,
    }
    %scan3A_4 = arith.constant 128 : i32
    %broadcast_in_dim3A = arith.constant 1.000000e+00 : f32
    %broadcast_in_dim3A_5 = vector.broadcast %broadcast_in_dim3A : f32 to vector<16xf32>
    %swap3A = arith.constant 0 : index
    %swap3A_6 = tpu.vector_load %arg14[%swap3A] {strides = array<i32>} : memref<128xf32, #tpu.memory_space<vmem>>, vector<16xf32>,
    %swap3A_7 = vector.shape_cast %swap3A_6 : vector<16xf32> to vector<16xf32>
    %swap3A_8 = vector.shape_cast %broadcast_in_dim3A_5 : vector<16xf32> to vector<16xf32>
    tpu.vector_store %arg14[%swap3A], %swap3A_8 {strides = array<i32>} : memref<128xf32, #tpu.memory_space<vmem>>, vector<16xf32>,
    %broadcast_in_dim3A_9 = arith.constant 1.000000e+00 : f32
    %broadcast_in_dim3A_10 = vector.broadcast %broadcast_in_dim3A_9 : f32 to vector<16xf32>
    %swap3A_11 = arith.constant 16 : index
    %swap3A_12 = tpu.vector_load %arg14[%swap3A_11] {strides = array<i32>} : memref<128xf32, #tpu.memory_space<vmem>>, vector<16xf32>,
    %swap3A_13 = vector.shape_cast %swap3A_12 : vector<16xf32> to vector<16xf32>
    %swap3A_14 = vector.shape_cast %broadcast_in_dim3A_10 : vector<16xf32> to vector<16xf32>
    tpu.vector_store %arg14[%swap3A_11], %swap3A_14 {strides = array<i32>} : memref<128xf32, #tpu.memory_space<vmem>>, vector<16xf32>,
    %broadcast_in_dim3A_15 = arith.constant 1.000000e+00 : f32
    %broadcast_in_dim3A_16 = vector.broadcast %broadcast_in_dim3A_15 : f32 to vector<16xf32>
    %swap3A_17 = arith.constant 32 : index
    %swap3A_18 = tpu.vector_load %arg14[%swap3A_17] {strides = array<i32>} : memref<128xf32, #tpu.memory_space<vmem>>, vector<16xf32>,
    %swap3A_19 = vector.shape_cast %swap3A_18 : vector<16xf32> to vector<16xf32>
    %swap3A_20 = vector.shape_cast %broadcast_in_dim3A_16 : vector<16xf32> to vector<16xf32>
    tpu.vector_store %arg14[%swap3A_17], %swap3A_20 {strides = array<i32>} : memref<128xf32, #tpu.memory_space<vmem>>, vector<16xf32>,
    %broadcast_in_dim3A_21 = arith.constant 1.000000e+00 : f32
    %broadcast_in_dim3A_22 = vector.broadcast %broadcast_in_dim3A_21 : f32 to vector<16xf32>
    %swap3A_23 = arith.constant 48 : index
    %swap3A_24 = tpu.vector_load %arg14[%swap3A_23] {strides = array<i32>} : memref<128xf32, #tpu.memory_space<vmem>>, vector<16xf32>,
    %swap3A_25 = vector.shape_cast %swap3A_24 : vector<16xf32> to vector<16xf32>
    %swap3A_26 = vector.shape_cast %broadcast_in_dim3A_22 : vector<16xf32> to vector<16xf32>
    tpu.vector_store %arg14[%swap3A_23], %swap3A_26 {strides = array<i32>} : memref<128xf32, #tpu.memory_space<vmem>>, vector<16xf32>,
    %broadcast_in_dim3A_27 = arith.constant 1.000000e+00 : f32
    %broadcast_in_dim3A_28 = vector.broadcast %broadcast_in_dim3A_27 : f32 to vector<16xf32>
    %swap3A_29 = arith.constant 64 : index
    %swap3A_30 = tpu.vector_load %arg14[%swap3A_29] {strides = array<i32>} : memref<128xf32, #tpu.memory_space<vmem>>, vector<16xf32>,
    %swap3A_31 = vector.shape_cast %swap3A_30 : vector<16xf32> to vector<16xf32>
    %swap3A_32 = vector.shape_cast %broadcast_in_dim3A_28 : vector<16xf32> to vector<16xf32>
    tpu.vector_store %arg14[%swap3A_29], %swap3A_32 {strides = array<i32>} : memref<128xf32, #tpu.memory_space<vmem>>, vector<16xf32>,
    %broadcast_in_dim3A_33 = arith.constant 1.000000e+00 : f32
    %broadcast_in_dim3A_34 = vector.broadcast %broadcast_in_dim3A_33 : f32 to vector<16xf32>
    %swap3A_35 = arith.constant 80 : index
    %swap3A_36 = tpu.vector_load %arg14[%swap3A_35] {strides = array<i32>} : memref<128xf32, #tpu.memory_space<vmem>>, vector<16xf32>,
    %swap3A_37 = vector.shape_cast %swap3A_36 : vector<16xf32> to vector<16xf32>
    %swap3A_38 = vector.shape_cast %broadcast_in_dim3A_34 : vector<16xf32> to vector<16xf32>
    tpu.vector_store %arg14[%swap3A_35], %swap3A_38 {strides = array<i32>} : memref<128xf32, #tpu.memory_space<vmem>>, vector<16xf32>,
    %broadcast_in_dim3A_39 = arith.constant 1.000000e+00 : f32
    %broadcast_in_dim3A_40 = vector.broadcast %broadcast_in_dim3A_39 : f32 to vector<16xf32>
    %swap3A_41 = arith.constant 96 : index
    %swap3A_42 = tpu.vector_load %arg14[%swap3A_41] {strides = array<i32>} : memref<128xf32, #tpu.memory_space<vmem>>, vector<16xf32>,
    %swap3A_43 = vector.shape_cast %swap3A_42 : vector<16xf32> to vector<16xf32>
    %swap3A_44 = vector.shape_cast %broadcast_in_dim3A_40 : vector<16xf32> to vector<16xf32>
    tpu.vector_store %arg14[%swap3A_41], %swap3A_44 {strides = array<i32>} : memref<128xf32, #tpu.memory_space<vmem>>, vector<16xf32>,
    %broadcast_in_dim3A_45 = arith.constant 1.000000e+00 : f32
    %broadcast_in_dim3A_46 = vector.broadcast %broadcast_in_dim3A_45 : f32 to vector<16xf32>
    %swap3A_47 = arith.constant 112 : index
    %swap3A_48 = tpu.vector_load %arg14[%swap3A_47] {strides = array<i32>} : memref<128xf32, #tpu.memory_space<vmem>>, vector<16xf32>,
    %swap3A_49 = vector.shape_cast %swap3A_48 : vector<16xf32> to vector<16xf32>
    %swap3A_50 = vector.shape_cast %broadcast_in_dim3A_46 : vector<16xf32> to vector<16xf32>
    tpu.vector_store %arg14[%swap3A_47], %swap3A_50 {strides = array<i32>} : memref<128xf32, #tpu.memory_space<vmem>>, vector<16xf32>,
    %mul3A = arith.constant 640 : i32
    %mul3A_51 = arith.muli %arg1, %mul3A : i32
    %add3A = arith.constant 0 : i32
    %add3A_52 = arith.addi %mul3A_51, %add3A : i32
    "tpu.region"() ({
      %run_scoped3A_142 = tpu.sem_alloc : memref<!tpu.dma_semaphore, #tpu.memory_space<semaphore_mem>>
      %dma_start3A_143 = arith.constant 0 : i32
      %dma_start3A_144 = tpu.memref_slice %arg15[%add3A_52, %dma_start3A_143] : memref<10240x64xf32, #tpu.memory_space<vmem_shared>> -> memref<128x64xf32, #tpu.memory_space<vmem_shared>>
      %dma_start3A_145 = arith.constant 0 : i32
      %dma_start3A_146 = tpu.memref_slice %arg15[%add3A_52, %dma_start3A_145] : memref<10240x64xf32, #tpu.memory_space<vmem_shared>> -> memref<128x64xf32, #tpu.memory_space<vmem_shared>>
      tpu.enqueue_dma source(%arg10 : memref<128x64xf32, #tpu.memory_space<vmem>>) target(%dma_start3A_146 : memref<128x64xf32, #tpu.memory_space<vmem_shared>>) target_semaphore(%run_scoped3A_142 : memref<!tpu.dma_semaphore, #tpu.memory_space<semaphore_mem>>)
      %dma_wait3A_147 = arith.constant 0 : i32
      %dma_wait3A_148 = tpu.memref_slice %arg15[%add3A_52, %dma_wait3A_147] : memref<10240x64xf32, #tpu.memory_space<vmem_shared>> -> memref<128x64xf32, #tpu.memory_space<vmem_shared>>
      %dma_wait3A_149 = arith.constant 0 : i32
      %dma_wait3A_150 = tpu.memref_slice %arg15[%add3A_52, %dma_wait3A_149] : memref<10240x64xf32, #tpu.memory_space<vmem_shared>> -> memref<128x64xf32, #tpu.memory_space<vmem_shared>>
      tpu.wait_dma2 semaphore(%run_scoped3A_142 : memref<!tpu.dma_semaphore, #tpu.memory_space<semaphore_mem>>) src(%arg10 : memref<128x64xf32, #tpu.memory_space<vmem>>) dst(%dma_wait3A_150 : memref<128x64xf32, #tpu.memory_space<vmem_shared>>)
      tpu.yield
    }) : () -> ()
    %add3A_53 = arith.constant 128 : i32
    %add3A_54 = arith.addi %mul3A_51, %add3A_53 : i32
    "tpu.region"() ({
      %run_scoped3A_142 = tpu.sem_alloc : memref<!tpu.dma_semaphore, #tpu.memory_space<semaphore_mem>>
      %dma_start3A_143 = arith.constant 0 : i32
      %dma_start3A_144 = tpu.memref_slice %arg15[%add3A_54, %dma_start3A_143] : memref<10240x64xf32, #tpu.memory_space<vmem_shared>> -> memref<128x64xf32, #tpu.memory_space<vmem_shared>>
      %dma_start3A_145 = arith.constant 0 : i32
      %dma_start3A_146 = tpu.memref_slice %arg15[%add3A_54, %dma_start3A_145] : memref<10240x64xf32, #tpu.memory_space<vmem_shared>> -> memref<128x64xf32, #tpu.memory_space<vmem_shared>>
      tpu.enqueue_dma source(%arg10 : memref<128x64xf32, #tpu.memory_space<vmem>>) target(%dma_start3A_146 : memref<128x64xf32, #tpu.memory_space<vmem_shared>>) target_semaphore(%run_scoped3A_142 : memref<!tpu.dma_semaphore, #tpu.memory_space<semaphore_mem>>)
      %dma_wait3A_147 = arith.constant 0 : i32
      %dma_wait3A_148 = tpu.memref_slice %arg15[%add3A_54, %dma_wait3A_147] : memref<10240x64xf32, #tpu.memory_space<vmem_shared>> -> memref<128x64xf32, #tpu.memory_space<vmem_shared>>
      %dma_wait3A_149 = arith.constant 0 : i32
      %dma_wait3A_150 = tpu.memref_slice %arg15[%add3A_54, %dma_wait3A_149] : memref<10240x64xf32, #tpu.memory_space<vmem_shared>> -> memref<128x64xf32, #tpu.memory_space<vmem_shared>>
      tpu.wait_dma2 semaphore(%run_scoped3A_142 : memref<!tpu.dma_semaphore, #tpu.memory_space<semaphore_mem>>) src(%arg10 : memref<128x64xf32, #tpu.memory_space<vmem>>) dst(%dma_wait3A_150 : memref<128x64xf32, #tpu.memory_space<vmem_shared>>)
      tpu.yield
    }) : () -> ()
    %add3A_55 = arith.constant 256 : i32
    %add3A_56 = arith.addi %mul3A_51, %add3A_55 : i32
    "tpu.region"() ({
      %run_scoped3A_142 = tpu.sem_alloc : memref<!tpu.dma_semaphore, #tpu.memory_space<semaphore_mem>>
      %dma_start3A_143 = arith.constant 0 : i32
      %dma_start3A_144 = tpu.memref_slice %arg15[%add3A_56, %dma_start3A_143] : memref<10240x64xf32, #tpu.memory_space<vmem_shared>> -> memref<128x64xf32, #tpu.memory_space<vmem_shared>>
      %dma_start3A_145 = arith.constant 0 : i32
      %dma_start3A_146 = tpu.memref_slice %arg15[%add3A_56, %dma_start3A_145] : memref<10240x64xf32, #tpu.memory_space<vmem_shared>> -> memref<128x64xf32, #tpu.memory_space<vmem_shared>>
      tpu.enqueue_dma source(%arg10 : memref<128x64xf32, #tpu.memory_space<vmem>>) target(%dma_start3A_146 : memref<128x64xf32, #tpu.memory_space<vmem_shared>>) target_semaphore(%run_scoped3A_142 : memref<!tpu.dma_semaphore, #tpu.memory_space<semaphore_mem>>)
      %dma_wait3A_147 = arith.constant 0 : i32
      %dma_wait3A_148 = tpu.memref_slice %arg15[%add3A_56, %dma_wait3A_147] : memref<10240x64xf32, #tpu.memory_space<vmem_shared>> -> memref<128x64xf32, #tpu.memory_space<vmem_shared>>
      %dma_wait3A_149 = arith.constant 0 : i32
      %dma_wait3A_150 = tpu.memref_slice %arg15[%add3A_56, %dma_wait3A_149] : memref<10240x64xf32, #tpu.memory_space<vmem_shared>> -> memref<128x64xf32, #tpu.memory_space<vmem_shared>>
      tpu.wait_dma2 semaphore(%run_scoped3A_142 : memref<!tpu.dma_semaphore, #tpu.memory_space<semaphore_mem>>) src(%arg10 : memref<128x64xf32, #tpu.memory_space<vmem>>) dst(%dma_wait3A_150 : memref<128x64xf32, #tpu.memory_space<vmem_shared>>)
      tpu.yield
    }) : () -> ()
    %add3A_57 = arith.constant 384 : i32
    %add3A_58 = arith.addi %mul3A_51, %add3A_57 : i32
    "tpu.region"() ({
      %run_scoped3A_142 = tpu.sem_alloc : memref<!tpu.dma_semaphore, #tpu.memory_space<semaphore_mem>>
      %dma_start3A_143 = arith.constant 0 : i32
      %dma_start3A_144 = tpu.memref_slice %arg15[%add3A_58, %dma_start3A_143] : memref<10240x64xf32, #tpu.memory_space<vmem_shared>> -> memref<128x64xf32, #tpu.memory_space<vmem_shared>>
      %dma_start3A_145 = arith.constant 0 : i32
      %dma_start3A_146 = tpu.memref_slice %arg15[%add3A_58, %dma_start3A_145] : memref<10240x64xf32, #tpu.memory_space<vmem_shared>> -> memref<128x64xf32, #tpu.memory_space<vmem_shared>>
      tpu.enqueue_dma source(%arg10 : memref<128x64xf32, #tpu.memory_space<vmem>>) target(%dma_start3A_146 : memref<128x64xf32, #tpu.memory_space<vmem_shared>>) target_semaphore(%run_scoped3A_142 : memref<!tpu.dma_semaphore, #tpu.memory_space<semaphore_mem>>)
      %dma_wait3A_147 = arith.constant 0 : i32
      %dma_wait3A_148 = tpu.memref_slice %arg15[%add3A_58, %dma_wait3A_147] : memref<10240x64xf32, #tpu.memory_space<vmem_shared>> -> memref<128x64xf32, #tpu.memory_space<vmem_shared>>
      %dma_wait3A_149 = arith.constant 0 : i32
      %dma_wait3A_150 = tpu.memref_slice %arg15[%add3A_58, %dma_wait3A_149] : memref<10240x64xf32, #tpu.memory_space<vmem_shared>> -> memref<128x64xf32, #tpu.memory_space<vmem_shared>>
      tpu.wait_dma2 semaphore(%run_scoped3A_142 : memref<!tpu.dma_semaphore, #tpu.memory_space<semaphore_mem>>) src(%arg10 : memref<128x64xf32, #tpu.memory_space<vmem>>) dst(%dma_wait3A_150 : memref<128x64xf32, #tpu.memory_space<vmem_shared>>)
      tpu.yield
    }) : () -> ()
    %add3A_59 = arith.constant 512 : i32
    %add3A_60 = arith.addi %mul3A_51, %add3A_59 : i32
    "tpu.region"() ({
      %run_scoped3A_142 = tpu.sem_alloc : memref<!tpu.dma_semaphore, #tpu.memory_space<semaphore_mem>>
      %dma_start3A_143 = arith.constant 0 : i32
      %dma_start3A_144 = tpu.memref_slice %arg15[%add3A_60, %dma_start3A_143] : memref<10240x64xf32, #tpu.memory_space<vmem_shared>> -> memref<128x64xf32, #tpu.memory_space<vmem_shared>>
      %dma_start3A_145 = arith.constant 0 : i32
      %dma_start3A_146 = tpu.memref_slice %arg15[%add3A_60, %dma_start3A_145] : memref<10240x64xf32, #tpu.memory_space<vmem_shared>> -> memref<128x64xf32, #tpu.memory_space<vmem_shared>>
      tpu.enqueue_dma source(%arg10 : memref<128x64xf32, #tpu.memory_space<vmem>>) target(%dma_start3A_146 : memref<128x64xf32, #tpu.memory_space<vmem_shared>>) target_semaphore(%run_scoped3A_142 : memref<!tpu.dma_semaphore, #tpu.memory_space<semaphore_mem>>)
      %dma_wait3A_147 = arith.constant 0 : i32
      %dma_wait3A_148 = tpu.memref_slice %arg15[%add3A_60, %dma_wait3A_147] : memref<10240x64xf32, #tpu.memory_space<vmem_shared>> -> memref<128x64xf32, #tpu.memory_space<vmem_shared>>
      %dma_wait3A_149 = arith.constant 0 : i32
      %dma_wait3A_150 = tpu.memref_slice %arg15[%add3A_60, %dma_wait3A_149] : memref<10240x64xf32, #tpu.memory_space<vmem_shared>> -> memref<128x64xf32, #tpu.memory_space<vmem_shared>>
      tpu.wait_dma2 semaphore(%run_scoped3A_142 : memref<!tpu.dma_semaphore, #tpu.memory_space<semaphore_mem>>) src(%arg10 : memref<128x64xf32, #tpu.memory_space<vmem>>) dst(%dma_wait3A_150 : memref<128x64xf32, #tpu.memory_space<vmem_shared>>)
      tpu.yield
    }) : () -> ()
    %add3A_61 = arith.constant 0 : i32
    %add3A_62 = arith.addi %mul3A_51, %add3A_61 : i32
    %run_scoped3A = arith.constant 0 : i32
    "tpu.region"() ({
      %run_scoped3A_142 = tpu.sem_alloc : memref<!tpu.dma_semaphore, #tpu.memory_space<semaphore_mem>>
      %dma_start3A_143 = arith.constant 0 : i32
      %dma_start3A_144 = tpu.memref_slice %arg10[%run_scoped3A, %dma_start3A_143] : memref<128x64xf32, #tpu.memory_space<vmem>> -> memref<1x64xf32, #tpu.memory_space<vmem>>
      %dma_start3A_145 = tpu.memref_squeeze %dma_start3A_144 : memref<1x64xf32, #tpu.memory_space<vmem>> -> memref<64xf32, #tpu.memory_space<vmem>>
      %dma_start3A_146 = tpu.memref_slice %arg16[%add3A_62] : memref<10240xf32, #tpu.memory_space<vmem_shared>> -> memref<64xf32, #tpu.memory_space<vmem_shared>>
      %dma_start3A_147 = tpu.memref_slice %arg16[%add3A_62] : memref<10240xf32, #tpu.memory_space<vmem_shared>> -> memref<64xf32, #tpu.memory_space<vmem_shared>>
      %dma_start3A_148 = arith.constant 0 : i32
      %dma_start3A_149 = tpu.memref_slice %arg10[%run_scoped3A, %dma_start3A_148] : memref<128x64xf32, #tpu.memory_space<vmem>> -> memref<1x64xf32, #tpu.memory_space<vmem>>
      %dma_start3A_150 = tpu.memref_squeeze %dma_start3A_149 : memref<1x64xf32, #tpu.memory_space<vmem>> -> memref<64xf32, #tpu.memory_space<vmem>>
      tpu.enqueue_dma source(%dma_start3A_150 : memref<64xf32, #tpu.memory_space<vmem>>) target(%dma_start3A_147 : memref<64xf32, #tpu.memory_space<vmem_shared>>) target_semaphore(%run_scoped3A_142 : memref<!tpu.dma_semaphore, #tpu.memory_space<semaphore_mem>>)
      %dma_wait3A_151 = arith.constant 0 : i32
      %dma_wait3A_152 = tpu.memref_slice %arg10[%run_scoped3A, %dma_wait3A_151] : memref<128x64xf32, #tpu.memory_space<vmem>> -> memref<1x64xf32, #tpu.memory_space<vmem>>
      %dma_wait3A_153 = tpu.memref_squeeze %dma_wait3A_152 : memref<1x64xf32, #tpu.memory_space<vmem>> -> memref<64xf32, #tpu.memory_space<vmem>>
      %dma_wait3A_154 = tpu.memref_slice %arg16[%add3A_62] : memref<10240xf32, #tpu.memory_space<vmem_shared>> -> memref<64xf32, #tpu.memory_space<vmem_shared>>
      %dma_wait3A_155 = tpu.memref_slice %arg16[%add3A_62] : memref<10240xf32, #tpu.memory_space<vmem_shared>> -> memref<64xf32, #tpu.memory_space<vmem_shared>>
      %dma_wait3A_156 = arith.constant 0 : i32
      %dma_wait3A_157 = tpu.memref_slice %arg10[%run_scoped3A, %dma_wait3A_156] : memref<128x64xf32, #tpu.memory_space<vmem>> -> memref<1x64xf32, #tpu.memory_space<vmem>>
      %dma_wait3A_158 = tpu.memref_squeeze %dma_wait3A_157 : memref<1x64xf32, #tpu.memory_space<vmem>> -> memref<64xf32, #tpu.memory_space<vmem>>
      tpu.wait_dma2 semaphore(%run_scoped3A_142 : memref<!tpu.dma_semaphore, #tpu.memory_space<semaphore_mem>>) src(%dma_wait3A_158 : memref<64xf32, #tpu.memory_space<vmem>>) dst(%dma_wait3A_155 : memref<64xf32, #tpu.memory_space<vmem_shared>>)
      tpu.yield
    }) : () -> ()
    %add3A_63 = arith.constant 64 : i32
    %add3A_64 = arith.addi %mul3A_51, %add3A_63 : i32
    %run_scoped3A_65 = arith.constant 0 : i32
    "tpu.region"() ({
      %run_scoped3A_142 = tpu.sem_alloc : memref<!tpu.dma_semaphore, #tpu.memory_space<semaphore_mem>>
      %dma_start3A_143 = arith.constant 0 : i32
      %dma_start3A_144 = tpu.memref_slice %arg10[%run_scoped3A_65, %dma_start3A_143] : memref<128x64xf32, #tpu.memory_space<vmem>> -> memref<1x64xf32, #tpu.memory_space<vmem>>
      %dma_start3A_145 = tpu.memref_squeeze %dma_start3A_144 : memref<1x64xf32, #tpu.memory_space<vmem>> -> memref<64xf32, #tpu.memory_space<vmem>>
      %dma_start3A_146 = tpu.memref_slice %arg16[%add3A_64] : memref<10240xf32, #tpu.memory_space<vmem_shared>> -> memref<64xf32, #tpu.memory_space<vmem_shared>>
      %dma_start3A_147 = tpu.memref_slice %arg16[%add3A_64] : memref<10240xf32, #tpu.memory_space<vmem_shared>> -> memref<64xf32, #tpu.memory_space<vmem_shared>>
      %dma_start3A_148 = arith.constant 0 : i32
      %dma_start3A_149 = tpu.memref_slice %arg10[%run_scoped3A_65, %dma_start3A_148] : memref<128x64xf32, #tpu.memory_space<vmem>> -> memref<1x64xf32, #tpu.memory_space<vmem>>
      %dma_start3A_150 = tpu.memref_squeeze %dma_start3A_149 : memref<1x64xf32, #tpu.memory_space<vmem>> -> memref<64xf32, #tpu.memory_space<vmem>>
      tpu.enqueue_dma source(%dma_start3A_150 : memref<64xf32, #tpu.memory_space<vmem>>) target(%dma_start3A_147 : memref<64xf32, #tpu.memory_space<vmem_shared>>) target_semaphore(%run_scoped3A_142 : memref<!tpu.dma_semaphore, #tpu.memory_space<semaphore_mem>>)
      %dma_wait3A_151 = arith.constant 0 : i32
      %dma_wait3A_152 = tpu.memref_slice %arg10[%run_scoped3A_65, %dma_wait3A_151] : memref<128x64xf32, #tpu.memory_space<vmem>> -> memref<1x64xf32, #tpu.memory_space<vmem>>
      %dma_wait3A_153 = tpu.memref_squeeze %dma_wait3A_152 : memref<1x64xf32, #tpu.memory_space<vmem>> -> memref<64xf32, #tpu.memory_space<vmem>>
      %dma_wait3A_154 = tpu.memref_slice %arg16[%add3A_64] : memref<10240xf32, #tpu.memory_space<vmem_shared>> -> memref<64xf32, #tpu.memory_space<vmem_shared>>
      %dma_wait3A_155 = tpu.memref_slice %arg16[%add3A_64] : memref<10240xf32, #tpu.memory_space<vmem_shared>> -> memref<64xf32, #tpu.memory_space<vmem_shared>>
      %dma_wait3A_156 = arith.constant 0 : i32
      %dma_wait3A_157 = tpu.memref_slice %arg10[%run_scoped3A_65, %dma_wait3A_156] : memref<128x64xf32, #tpu.memory_space<vmem>> -> memref<1x64xf32, #tpu.memory_space<vmem>>
      %dma_wait3A_158 = tpu.memref_squeeze %dma_wait3A_157 : memref<1x64xf32, #tpu.memory_space<vmem>> -> memref<64xf32, #tpu.memory_space<vmem>>
      tpu.wait_dma2 semaphore(%run_scoped3A_142 : memref<!tpu.dma_semaphore, #tpu.memory_space<semaphore_mem>>) src(%dma_wait3A_158 : memref<64xf32, #tpu.memory_space<vmem>>) dst(%dma_wait3A_155 : memref<64xf32, #tpu.memory_space<vmem_shared>>)
      tpu.yield
    }) : () -> ()
    %add3A_66 = arith.constant 128 : i32
    %add3A_67 = arith.addi %mul3A_51, %add3A_66 : i32
    %run_scoped3A_68 = arith.constant 0 : i32
    "tpu.region"() ({
      %run_scoped3A_142 = tpu.sem_alloc : memref<!tpu.dma_semaphore, #tpu.memory_space<semaphore_mem>>
      %dma_start3A_143 = arith.constant 0 : i32
      %dma_start3A_144 = tpu.memref_slice %arg10[%run_scoped3A_68, %dma_start3A_143] : memref<128x64xf32, #tpu.memory_space<vmem>> -> memref<1x64xf32, #tpu.memory_space<vmem>>
      %dma_start3A_145 = tpu.memref_squeeze %dma_start3A_144 : memref<1x64xf32, #tpu.memory_space<vmem>> -> memref<64xf32, #tpu.memory_space<vmem>>
      %dma_start3A_146 = tpu.memref_slice %arg16[%add3A_67] : memref<10240xf32, #tpu.memory_space<vmem_shared>> -> memref<64xf32, #tpu.memory_space<vmem_shared>>
      %dma_start3A_147 = tpu.memref_slice %arg16[%add3A_67] : memref<10240xf32, #tpu.memory_space<vmem_shared>> -> memref<64xf32, #tpu.memory_space<vmem_shared>>
      %dma_start3A_148 = arith.constant 0 : i32
      %dma_start3A_149 = tpu.memref_slice %arg10[%run_scoped3A_68, %dma_start3A_148] : memref<128x64xf32, #tpu.memory_space<vmem>> -> memref<1x64xf32, #tpu.memory_space<vmem>>
      %dma_start3A_150 = tpu.memref_squeeze %dma_start3A_149 : memref<1x64xf32, #tpu.memory_space<vmem>> -> memref<64xf32, #tpu.memory_space<vmem>>
      tpu.enqueue_dma source(%dma_start3A_150 : memref<64xf32, #tpu.memory_space<vmem>>) target(%dma_start3A_147 : memref<64xf32, #tpu.memory_space<vmem_shared>>) target_semaphore(%run_scoped3A_142 : memref<!tpu.dma_semaphore, #tpu.memory_space<semaphore_mem>>)
      %dma_wait3A_151 = arith.constant 0 : i32
      %dma_wait3A_152 = tpu.memref_slice %arg10[%run_scoped3A_68, %dma_wait3A_151] : memref<128x64xf32, #tpu.memory_space<vmem>> -> memref<1x64xf32, #tpu.memory_space<vmem>>
      %dma_wait3A_153 = tpu.memref_squeeze %dma_wait3A_152 : memref<1x64xf32, #tpu.memory_space<vmem>> -> memref<64xf32, #tpu.memory_space<vmem>>
      %dma_wait3A_154 = tpu.memref_slice %arg16[%add3A_67] : memref<10240xf32, #tpu.memory_space<vmem_shared>> -> memref<64xf32, #tpu.memory_space<vmem_shared>>
      %dma_wait3A_155 = tpu.memref_slice %arg16[%add3A_67] : memref<10240xf32, #tpu.memory_space<vmem_shared>> -> memref<64xf32, #tpu.memory_space<vmem_shared>>
      %dma_wait3A_156 = arith.constant 0 : i32
      %dma_wait3A_157 = tpu.memref_slice %arg10[%run_scoped3A_68, %dma_wait3A_156] : memref<128x64xf32, #tpu.memory_space<vmem>> -> memref<1x64xf32, #tpu.memory_space<vmem>>
      %dma_wait3A_158 = tpu.memref_squeeze %dma_wait3A_157 : memref<1x64xf32, #tpu.memory_space<vmem>> -> memref<64xf32, #tpu.memory_space<vmem>>
      tpu.wait_dma2 semaphore(%run_scoped3A_142 : memref<!tpu.dma_semaphore, #tpu.memory_space<semaphore_mem>>) src(%dma_wait3A_158 : memref<64xf32, #tpu.memory_space<vmem>>) dst(%dma_wait3A_155 : memref<64xf32, #tpu.memory_space<vmem_shared>>)
      tpu.yield
    }) : () -> ()
    %add3A_69 = arith.constant 192 : i32
    %add3A_70 = arith.addi %mul3A_51, %add3A_69 : i32
    %run_scoped3A_71 = arith.constant 0 : i32
    "tpu.region"() ({
      %run_scoped3A_142 = tpu.sem_alloc : memref<!tpu.dma_semaphore, #tpu.memory_space<semaphore_mem>>
      %dma_start3A_143 = arith.constant 0 : i32
      %dma_start3A_144 = tpu.memref_slice %arg10[%run_scoped3A_71, %dma_start3A_143] : memref<128x64xf32, #tpu.memory_space<vmem>> -> memref<1x64xf32, #tpu.memory_space<vmem>>
      %dma_start3A_145 = tpu.memref_squeeze %dma_start3A_144 : memref<1x64xf32, #tpu.memory_space<vmem>> -> memref<64xf32, #tpu.memory_space<vmem>>
      %dma_start3A_146 = tpu.memref_slice %arg16[%add3A_70] : memref<10240xf32, #tpu.memory_space<vmem_shared>> -> memref<64xf32, #tpu.memory_space<vmem_shared>>
      %dma_start3A_147 = tpu.memref_slice %arg16[%add3A_70] : memref<10240xf32, #tpu.memory_space<vmem_shared>> -> memref<64xf32, #tpu.memory_space<vmem_shared>>
      %dma_start3A_148 = arith.constant 0 : i32
      %dma_start3A_149 = tpu.memref_slice %arg10[%run_scoped3A_71, %dma_start3A_148] : memref<128x64xf32, #tpu.memory_space<vmem>> -> memref<1x64xf32, #tpu.memory_space<vmem>>
      %dma_start3A_150 = tpu.memref_squeeze %dma_start3A_149 : memref<1x64xf32, #tpu.memory_space<vmem>> -> memref<64xf32, #tpu.memory_space<vmem>>
      tpu.enqueue_dma source(%dma_start3A_150 : memref<64xf32, #tpu.memory_space<vmem>>) target(%dma_start3A_147 : memref<64xf32, #tpu.memory_space<vmem_shared>>) target_semaphore(%run_scoped3A_142 : memref<!tpu.dma_semaphore, #tpu.memory_space<semaphore_mem>>)
      %dma_wait3A_151 = arith.constant 0 : i32
      %dma_wait3A_152 = tpu.memref_slice %arg10[%run_scoped3A_71, %dma_wait3A_151] : memref<128x64xf32, #tpu.memory_space<vmem>> -> memref<1x64xf32, #tpu.memory_space<vmem>>
      %dma_wait3A_153 = tpu.memref_squeeze %dma_wait3A_152 : memref<1x64xf32, #tpu.memory_space<vmem>> -> memref<64xf32, #tpu.memory_space<vmem>>
      %dma_wait3A_154 = tpu.memref_slice %arg16[%add3A_70] : memref<10240xf32, #tpu.memory_space<vmem_shared>> -> memref<64xf32, #tpu.memory_space<vmem_shared>>
      %dma_wait3A_155 = tpu.memref_slice %arg16[%add3A_70] : memref<10240xf32, #tpu.memory_space<vmem_shared>> -> memref<64xf32, #tpu.memory_space<vmem_shared>>
      %dma_wait3A_156 = arith.constant 0 : i32
      %dma_wait3A_157 = tpu.memref_slice %arg10[%run_scoped3A_71, %dma_wait3A_156] : memref<128x64xf32, #tpu.memory_space<vmem>> -> memref<1x64xf32, #tpu.memory_space<vmem>>
      %dma_wait3A_158 = tpu.memref_squeeze %dma_wait3A_157 : memref<1x64xf32, #tpu.memory_space<vmem>> -> memref<64xf32, #tpu.memory_space<vmem>>
      tpu.wait_dma2 semaphore(%run_scoped3A_142 : memref<!tpu.dma_semaphore, #tpu.memory_space<semaphore_mem>>) src(%dma_wait3A_158 : memref<64xf32, #tpu.memory_space<vmem>>) dst(%dma_wait3A_155 : memref<64xf32, #tpu.memory_space<vmem_shared>>)
      tpu.yield
    }) : () -> ()
    %add3A_72 = arith.constant 256 : i32
    %add3A_73 = arith.addi %mul3A_51, %add3A_72 : i32
    %run_scoped3A_74 = arith.constant 0 : i32
    "tpu.region"() ({
      %run_scoped3A_142 = tpu.sem_alloc : memref<!tpu.dma_semaphore, #tpu.memory_space<semaphore_mem>>
      %dma_start3A_143 = arith.constant 0 : i32
      %dma_start3A_144 = tpu.memref_slice %arg10[%run_scoped3A_74, %dma_start3A_143] : memref<128x64xf32, #tpu.memory_space<vmem>> -> memref<1x64xf32, #tpu.memory_space<vmem>>
      %dma_start3A_145 = tpu.memref_squeeze %dma_start3A_144 : memref<1x64xf32, #tpu.memory_space<vmem>> -> memref<64xf32, #tpu.memory_space<vmem>>
      %dma_start3A_146 = tpu.memref_slice %arg16[%add3A_73] : memref<10240xf32, #tpu.memory_space<vmem_shared>> -> memref<64xf32, #tpu.memory_space<vmem_shared>>
      %dma_start3A_147 = tpu.memref_slice %arg16[%add3A_73] : memref<10240xf32, #tpu.memory_space<vmem_shared>> -> memref<64xf32, #tpu.memory_space<vmem_shared>>
      %dma_start3A_148 = arith.constant 0 : i32
      %dma_start3A_149 = tpu.memref_slice %arg10[%run_scoped3A_74, %dma_start3A_148] : memref<128x64xf32, #tpu.memory_space<vmem>> -> memref<1x64xf32, #tpu.memory_space<vmem>>
      %dma_start3A_150 = tpu.memref_squeeze %dma_start3A_149 : memref<1x64xf32, #tpu.memory_space<vmem>> -> memref<64xf32, #tpu.memory_space<vmem>>
      tpu.enqueue_dma source(%dma_start3A_150 : memref<64xf32, #tpu.memory_space<vmem>>) target(%dma_start3A_147 : memref<64xf32, #tpu.memory_space<vmem_shared>>) target_semaphore(%run_scoped3A_142 : memref<!tpu.dma_semaphore, #tpu.memory_space<semaphore_mem>>)
      %dma_wait3A_151 = arith.constant 0 : i32
      %dma_wait3A_152 = tpu.memref_slice %arg10[%run_scoped3A_74, %dma_wait3A_151] : memref<128x64xf32, #tpu.memory_space<vmem>> -> memref<1x64xf32, #tpu.memory_space<vmem>>
      %dma_wait3A_153 = tpu.memref_squeeze %dma_wait3A_152 : memref<1x64xf32, #tpu.memory_space<vmem>> -> memref<64xf32, #tpu.memory_space<vmem>>
      %dma_wait3A_154 = tpu.memref_slice %arg16[%add3A_73] : memref<10240xf32, #tpu.memory_space<vmem_shared>> -> memref<64xf32, #tpu.memory_space<vmem_shared>>
      %dma_wait3A_155 = tpu.memref_slice %arg16[%add3A_73] : memref<10240xf32, #tpu.memory_space<vmem_shared>> -> memref<64xf32, #tpu.memory_space<vmem_shared>>
      %dma_wait3A_156 = arith.constant 0 : i32
      %dma_wait3A_157 = tpu.memref_slice %arg10[%run_scoped3A_74, %dma_wait3A_156] : memref<128x64xf32, #tpu.memory_space<vmem>> -> memref<1x64xf32, #tpu.memory_space<vmem>>
      %dma_wait3A_158 = tpu.memref_squeeze %dma_wait3A_157 : memref<1x64xf32, #tpu.memory_space<vmem>> -> memref<64xf32, #tpu.memory_space<vmem>>
      tpu.wait_dma2 semaphore(%run_scoped3A_142 : memref<!tpu.dma_semaphore, #tpu.memory_space<semaphore_mem>>) src(%dma_wait3A_158 : memref<64xf32, #tpu.memory_space<vmem>>) dst(%dma_wait3A_155 : memref<64xf32, #tpu.memory_space<vmem_shared>>)
      tpu.yield
    }) : () -> ()
    %add3A_75 = arith.constant 320 : i32
    %add3A_76 = arith.addi %mul3A_51, %add3A_75 : i32
    %run_scoped3A_77 = arith.constant 0 : i32
    "tpu.region"() ({
      %run_scoped3A_142 = tpu.sem_alloc : memref<!tpu.dma_semaphore, #tpu.memory_space<semaphore_mem>>
      %dma_start3A_143 = arith.constant 0 : i32
      %dma_start3A_144 = tpu.memref_slice %arg10[%run_scoped3A_77, %dma_start3A_143] : memref<128x64xf32, #tpu.memory_space<vmem>> -> memref<1x64xf32, #tpu.memory_space<vmem>>
      %dma_start3A_145 = tpu.memref_squeeze %dma_start3A_144 : memref<1x64xf32, #tpu.memory_space<vmem>> -> memref<64xf32, #tpu.memory_space<vmem>>
      %dma_start3A_146 = tpu.memref_slice %arg16[%add3A_76] : memref<10240xf32, #tpu.memory_space<vmem_shared>> -> memref<64xf32, #tpu.memory_space<vmem_shared>>
      %dma_start3A_147 = tpu.memref_slice %arg16[%add3A_76] : memref<10240xf32, #tpu.memory_space<vmem_shared>> -> memref<64xf32, #tpu.memory_space<vmem_shared>>
      %dma_start3A_148 = arith.constant 0 : i32
      %dma_start3A_149 = tpu.memref_slice %arg10[%run_scoped3A_77, %dma_start3A_148] : memref<128x64xf32, #tpu.memory_space<vmem>> -> memref<1x64xf32, #tpu.memory_space<vmem>>
      %dma_start3A_150 = tpu.memref_squeeze %dma_start3A_149 : memref<1x64xf32, #tpu.memory_space<vmem>> -> memref<64xf32, #tpu.memory_space<vmem>>
      tpu.enqueue_dma source(%dma_start3A_150 : memref<64xf32, #tpu.memory_space<vmem>>) target(%dma_start3A_147 : memref<64xf32, #tpu.memory_space<vmem_shared>>) target_semaphore(%run_scoped3A_142 : memref<!tpu.dma_semaphore, #tpu.memory_space<semaphore_mem>>)
      %dma_wait3A_151 = arith.constant 0 : i32
      %dma_wait3A_152 = tpu.memref_slice %arg10[%run_scoped3A_77, %dma_wait3A_151] : memref<128x64xf32, #tpu.memory_space<vmem>> -> memref<1x64xf32, #tpu.memory_space<vmem>>
      %dma_wait3A_153 = tpu.memref_squeeze %dma_wait3A_152 : memref<1x64xf32, #tpu.memory_space<vmem>> -> memref<64xf32, #tpu.memory_space<vmem>>
      %dma_wait3A_154 = tpu.memref_slice %arg16[%add3A_76] : memref<10240xf32, #tpu.memory_space<vmem_shared>> -> memref<64xf32, #tpu.memory_space<vmem_shared>>
      %dma_wait3A_155 = tpu.memref_slice %arg16[%add3A_76] : memref<10240xf32, #tpu.memory_space<vmem_shared>> -> memref<64xf32, #tpu.memory_space<vmem_shared>>
      %dma_wait3A_156 = arith.constant 0 : i32
      %dma_wait3A_157 = tpu.memref_slice %arg10[%run_scoped3A_77, %dma_wait3A_156] : memref<128x64xf32, #tpu.memory_space<vmem>> -> memref<1x64xf32, #tpu.memory_space<vmem>>
      %dma_wait3A_158 = tpu.memref_squeeze %dma_wait3A_157 : memref<1x64xf32, #tpu.memory_space<vmem>> -> memref<64xf32, #tpu.memory_space<vmem>>
      tpu.wait_dma2 semaphore(%run_scoped3A_142 : memref<!tpu.dma_semaphore, #tpu.memory_space<semaphore_mem>>) src(%dma_wait3A_158 : memref<64xf32, #tpu.memory_space<vmem>>) dst(%dma_wait3A_155 : memref<64xf32, #tpu.memory_space<vmem_shared>>)
      tpu.yield
    }) : () -> ()
    %add3A_78 = arith.constant 384 : i32
    %add3A_79 = arith.addi %mul3A_51, %add3A_78 : i32
    %run_scoped3A_80 = arith.constant 0 : i32
    "tpu.region"() ({
      %run_scoped3A_142 = tpu.sem_alloc : memref<!tpu.dma_semaphore, #tpu.memory_space<semaphore_mem>>
      %dma_start3A_143 = arith.constant 0 : i32
      %dma_start3A_144 = tpu.memref_slice %arg10[%run_scoped3A_80, %dma_start3A_143] : memref<128x64xf32, #tpu.memory_space<vmem>> -> memref<1x64xf32, #tpu.memory_space<vmem>>
      %dma_start3A_145 = tpu.memref_squeeze %dma_start3A_144 : memref<1x64xf32, #tpu.memory_space<vmem>> -> memref<64xf32, #tpu.memory_space<vmem>>
      %dma_start3A_146 = tpu.memref_slice %arg16[%add3A_79] : memref<10240xf32, #tpu.memory_space<vmem_shared>> -> memref<64xf32, #tpu.memory_space<vmem_shared>>
      %dma_start3A_147 = tpu.memref_slice %arg16[%add3A_79] : memref<10240xf32, #tpu.memory_space<vmem_shared>> -> memref<64xf32, #tpu.memory_space<vmem_shared>>
      %dma_start3A_148 = arith.constant 0 : i32
      %dma_start3A_149 = tpu.memref_slice %arg10[%run_scoped3A_80, %dma_start3A_148] : memref<128x64xf32, #tpu.memory_space<vmem>> -> memref<1x64xf32, #tpu.memory_space<vmem>>
      %dma_start3A_150 = tpu.memref_squeeze %dma_start3A_149 : memref<1x64xf32, #tpu.memory_space<vmem>> -> memref<64xf32, #tpu.memory_space<vmem>>
      tpu.enqueue_dma source(%dma_start3A_150 : memref<64xf32, #tpu.memory_space<vmem>>) target(%dma_start3A_147 : memref<64xf32, #tpu.memory_space<vmem_shared>>) target_semaphore(%run_scoped3A_142 : memref<!tpu.dma_semaphore, #tpu.memory_space<semaphore_mem>>)
      %dma_wait3A_151 = arith.constant 0 : i32
      %dma_wait3A_152 = tpu.memref_slice %arg10[%run_scoped3A_80, %dma_wait3A_151] : memref<128x64xf32, #tpu.memory_space<vmem>> -> memref<1x64xf32, #tpu.memory_space<vmem>>
      %dma_wait3A_153 = tpu.memref_squeeze %dma_wait3A_152 : memref<1x64xf32, #tpu.memory_space<vmem>> -> memref<64xf32, #tpu.memory_space<vmem>>
      %dma_wait3A_154 = tpu.memref_slice %arg16[%add3A_79] : memref<10240xf32, #tpu.memory_space<vmem_shared>> -> memref<64xf32, #tpu.memory_space<vmem_shared>>
      %dma_wait3A_155 = tpu.memref_slice %arg16[%add3A_79] : memref<10240xf32, #tpu.memory_space<vmem_shared>> -> memref<64xf32, #tpu.memory_space<vmem_shared>>
      %dma_wait3A_156 = arith.constant 0 : i32
      %dma_wait3A_157 = tpu.memref_slice %arg10[%run_scoped3A_80, %dma_wait3A_156] : memref<128x64xf32, #tpu.memory_space<vmem>> -> memref<1x64xf32, #tpu.memory_space<vmem>>
      %dma_wait3A_158 = tpu.memref_squeeze %dma_wait3A_157 : memref<1x64xf32, #tpu.memory_space<vmem>> -> memref<64xf32, #tpu.memory_space<vmem>>
      tpu.wait_dma2 semaphore(%run_scoped3A_142 : memref<!tpu.dma_semaphore, #tpu.memory_space<semaphore_mem>>) src(%dma_wait3A_158 : memref<64xf32, #tpu.memory_space<vmem>>) dst(%dma_wait3A_155 : memref<64xf32, #tpu.memory_space<vmem_shared>>)
      tpu.yield
    }) : () -> ()
    %add3A_81 = arith.constant 448 : i32
    %add3A_82 = arith.addi %mul3A_51, %add3A_81 : i32
    %run_scoped3A_83 = arith.constant 0 : i32
    "tpu.region"() ({
      %run_scoped3A_142 = tpu.sem_alloc : memref<!tpu.dma_semaphore, #tpu.memory_space<semaphore_mem>>
      %dma_start3A_143 = arith.constant 0 : i32
      %dma_start3A_144 = tpu.memref_slice %arg10[%run_scoped3A_83, %dma_start3A_143] : memref<128x64xf32, #tpu.memory_space<vmem>> -> memref<1x64xf32, #tpu.memory_space<vmem>>
      %dma_start3A_145 = tpu.memref_squeeze %dma_start3A_144 : memref<1x64xf32, #tpu.memory_space<vmem>> -> memref<64xf32, #tpu.memory_space<vmem>>
      %dma_start3A_146 = tpu.memref_slice %arg16[%add3A_82] : memref<10240xf32, #tpu.memory_space<vmem_shared>> -> memref<64xf32, #tpu.memory_space<vmem_shared>>
      %dma_start3A_147 = tpu.memref_slice %arg16[%add3A_82] : memref<10240xf32, #tpu.memory_space<vmem_shared>> -> memref<64xf32, #tpu.memory_space<vmem_shared>>
      %dma_start3A_148 = arith.constant 0 : i32
      %dma_start3A_149 = tpu.memref_slice %arg10[%run_scoped3A_83, %dma_start3A_148] : memref<128x64xf32, #tpu.memory_space<vmem>> -> memref<1x64xf32, #tpu.memory_space<vmem>>
      %dma_start3A_150 = tpu.memref_squeeze %dma_start3A_149 : memref<1x64xf32, #tpu.memory_space<vmem>> -> memref<64xf32, #tpu.memory_space<vmem>>
      tpu.enqueue_dma source(%dma_start3A_150 : memref<64xf32, #tpu.memory_space<vmem>>) target(%dma_start3A_147 : memref<64xf32, #tpu.memory_space<vmem_shared>>) target_semaphore(%run_scoped3A_142 : memref<!tpu.dma_semaphore, #tpu.memory_space<semaphore_mem>>)
      %dma_wait3A_151 = arith.constant 0 : i32
      %dma_wait3A_152 = tpu.memref_slice %arg10[%run_scoped3A_83, %dma_wait3A_151] : memref<128x64xf32, #tpu.memory_space<vmem>> -> memref<1x64xf32, #tpu.memory_space<vmem>>
      %dma_wait3A_153 = tpu.memref_squeeze %dma_wait3A_152 : memref<1x64xf32, #tpu.memory_space<vmem>> -> memref<64xf32, #tpu.memory_space<vmem>>
      %dma_wait3A_154 = tpu.memref_slice %arg16[%add3A_82] : memref<10240xf32, #tpu.memory_space<vmem_shared>> -> memref<64xf32, #tpu.memory_space<vmem_shared>>
      %dma_wait3A_155 = tpu.memref_slice %arg16[%add3A_82] : memref<10240xf32, #tpu.memory_space<vmem_shared>> -> memref<64xf32, #tpu.memory_space<vmem_shared>>
      %dma_wait3A_156 = arith.constant 0 : i32
      %dma_wait3A_157 = tpu.memref_slice %arg10[%run_scoped3A_83, %dma_wait3A_156] : memref<128x64xf32, #tpu.memory_space<vmem>> -> memref<1x64xf32, #tpu.memory_space<vmem>>
      %dma_wait3A_158 = tpu.memref_squeeze %dma_wait3A_157 : memref<1x64xf32, #tpu.memory_space<vmem>> -> memref<64xf32, #tpu.memory_space<vmem>>
      tpu.wait_dma2 semaphore(%run_scoped3A_142 : memref<!tpu.dma_semaphore, #tpu.memory_space<semaphore_mem>>) src(%dma_wait3A_158 : memref<64xf32, #tpu.memory_space<vmem>>) dst(%dma_wait3A_155 : memref<64xf32, #tpu.memory_space<vmem_shared>>)
      tpu.yield
    }) : () -> ()
    %add3A_84 = arith.constant 512 : i32
    %add3A_85 = arith.addi %mul3A_51, %add3A_84 : i32
    %run_scoped3A_86 = arith.constant 0 : i32
    "tpu.region"() ({
      %run_scoped3A_142 = tpu.sem_alloc : memref<!tpu.dma_semaphore, #tpu.memory_space<semaphore_mem>>
      %dma_start3A_143 = arith.constant 0 : i32
      %dma_start3A_144 = tpu.memref_slice %arg10[%run_scoped3A_86, %dma_start3A_143] : memref<128x64xf32, #tpu.memory_space<vmem>> -> memref<1x64xf32, #tpu.memory_space<vmem>>
      %dma_start3A_145 = tpu.memref_squeeze %dma_start3A_144 : memref<1x64xf32, #tpu.memory_space<vmem>> -> memref<64xf32, #tpu.memory_space<vmem>>
      %dma_start3A_146 = tpu.memref_slice %arg16[%add3A_85] : memref<10240xf32, #tpu.memory_space<vmem_shared>> -> memref<64xf32, #tpu.memory_space<vmem_shared>>
      %dma_start3A_147 = tpu.memref_slice %arg16[%add3A_85] : memref<10240xf32, #tpu.memory_space<vmem_shared>> -> memref<64xf32, #tpu.memory_space<vmem_shared>>
      %dma_start3A_148 = arith.constant 0 : i32
      %dma_start3A_149 = tpu.memref_slice %arg10[%run_scoped3A_86, %dma_start3A_148] : memref<128x64xf32, #tpu.memory_space<vmem>> -> memref<1x64xf32, #tpu.memory_space<vmem>>
      %dma_start3A_150 = tpu.memref_squeeze %dma_start3A_149 : memref<1x64xf32, #tpu.memory_space<vmem>> -> memref<64xf32, #tpu.memory_space<vmem>>
      tpu.enqueue_dma source(%dma_start3A_150 : memref<64xf32, #tpu.memory_space<vmem>>) target(%dma_start3A_147 : memref<64xf32, #tpu.memory_space<vmem_shared>>) target_semaphore(%run_scoped3A_142 : memref<!tpu.dma_semaphore, #tpu.memory_space<semaphore_mem>>)
      %dma_wait3A_151 = arith.constant 0 : i32
      %dma_wait3A_152 = tpu.memref_slice %arg10[%run_scoped3A_86, %dma_wait3A_151] : memref<128x64xf32, #tpu.memory_space<vmem>> -> memref<1x64xf32, #tpu.memory_space<vmem>>
      %dma_wait3A_153 = tpu.memref_squeeze %dma_wait3A_152 : memref<1x64xf32, #tpu.memory_space<vmem>> -> memref<64xf32, #tpu.memory_space<vmem>>
      %dma_wait3A_154 = tpu.memref_slice %arg16[%add3A_85] : memref<10240xf32, #tpu.memory_space<vmem_shared>> -> memref<64xf32, #tpu.memory_space<vmem_shared>>
      %dma_wait3A_155 = tpu.memref_slice %arg16[%add3A_85] : memref<10240xf32, #tpu.memory_space<vmem_shared>> -> memref<64xf32, #tpu.memory_space<vmem_shared>>
      %dma_wait3A_156 = arith.constant 0 : i32
      %dma_wait3A_157 = tpu.memref_slice %arg10[%run_scoped3A_86, %dma_wait3A_156] : memref<128x64xf32, #tpu.memory_space<vmem>> -> memref<1x64xf32, #tpu.memory_space<vmem>>
      %dma_wait3A_158 = tpu.memref_squeeze %dma_wait3A_157 : memref<1x64xf32, #tpu.memory_space<vmem>> -> memref<64xf32, #tpu.memory_space<vmem>>
      tpu.wait_dma2 semaphore(%run_scoped3A_142 : memref<!tpu.dma_semaphore, #tpu.memory_space<semaphore_mem>>) src(%dma_wait3A_158 : memref<64xf32, #tpu.memory_space<vmem>>) dst(%dma_wait3A_155 : memref<64xf32, #tpu.memory_space<vmem_shared>>)
      tpu.yield
    }) : () -> ()
    %add3A_87 = arith.constant 576 : i32
    %add3A_88 = arith.addi %mul3A_51, %add3A_87 : i32
    %run_scoped3A_89 = arith.constant 0 : i32
    "tpu.region"() ({
      %run_scoped3A_142 = tpu.sem_alloc : memref<!tpu.dma_semaphore, #tpu.memory_space<semaphore_mem>>
      %dma_start3A_143 = arith.constant 0 : i32
      %dma_start3A_144 = tpu.memref_slice %arg10[%run_scoped3A_89, %dma_start3A_143] : memref<128x64xf32, #tpu.memory_space<vmem>> -> memref<1x64xf32, #tpu.memory_space<vmem>>
      %dma_start3A_145 = tpu.memref_squeeze %dma_start3A_144 : memref<1x64xf32, #tpu.memory_space<vmem>> -> memref<64xf32, #tpu.memory_space<vmem>>
      %dma_start3A_146 = tpu.memref_slice %arg16[%add3A_88] : memref<10240xf32, #tpu.memory_space<vmem_shared>> -> memref<64xf32, #tpu.memory_space<vmem_shared>>
      %dma_start3A_147 = tpu.memref_slice %arg16[%add3A_88] : memref<10240xf32, #tpu.memory_space<vmem_shared>> -> memref<64xf32, #tpu.memory_space<vmem_shared>>
      %dma_start3A_148 = arith.constant 0 : i32
      %dma_start3A_149 = tpu.memref_slice %arg10[%run_scoped3A_89, %dma_start3A_148] : memref<128x64xf32, #tpu.memory_space<vmem>> -> memref<1x64xf32, #tpu.memory_space<vmem>>
      %dma_start3A_150 = tpu.memref_squeeze %dma_start3A_149 : memref<1x64xf32, #tpu.memory_space<vmem>> -> memref<64xf32, #tpu.memory_space<vmem>>
      tpu.enqueue_dma source(%dma_start3A_150 : memref<64xf32, #tpu.memory_space<vmem>>) target(%dma_start3A_147 : memref<64xf32, #tpu.memory_space<vmem_shared>>) target_semaphore(%run_scoped3A_142 : memref<!tpu.dma_semaphore, #tpu.memory_space<semaphore_mem>>)
      %dma_wait3A_151 = arith.constant 0 : i32
      %dma_wait3A_152 = tpu.memref_slice %arg10[%run_scoped3A_89, %dma_wait3A_151] : memref<128x64xf32, #tpu.memory_space<vmem>> -> memref<1x64xf32, #tpu.memory_space<vmem>>
      %dma_wait3A_153 = tpu.memref_squeeze %dma_wait3A_152 : memref<1x64xf32, #tpu.memory_space<vmem>> -> memref<64xf32, #tpu.memory_space<vmem>>
      %dma_wait3A_154 = tpu.memref_slice %arg16[%add3A_88] : memref<10240xf32, #tpu.memory_space<vmem_shared>> -> memref<64xf32, #tpu.memory_space<vmem_shared>>
      %dma_wait3A_155 = tpu.memref_slice %arg16[%add3A_88] : memref<10240xf32, #tpu.memory_space<vmem_shared>> -> memref<64xf32, #tpu.memory_space<vmem_shared>>
      %dma_wait3A_156 = arith.constant 0 : i32
      %dma_wait3A_157 = tpu.memref_slice %arg10[%run_scoped3A_89, %dma_wait3A_156] : memref<128x64xf32, #tpu.memory_space<vmem>> -> memref<1x64xf32, #tpu.memory_space<vmem>>
      %dma_wait3A_158 = tpu.memref_squeeze %dma_wait3A_157 : memref<1x64xf32, #tpu.memory_space<vmem>> -> memref<64xf32, #tpu.memory_space<vmem>>
      tpu.wait_dma2 semaphore(%run_scoped3A_142 : memref<!tpu.dma_semaphore, #tpu.memory_space<semaphore_mem>>) src(%dma_wait3A_158 : memref<64xf32, #tpu.memory_space<vmem>>) dst(%dma_wait3A_155 : memref<64xf32, #tpu.memory_space<vmem_shared>>)
      tpu.yield
    }) : () -> ()
    %barrier3A = arith.constant 0 : index
    tpu.barrier barrier_id(%barrier3A)
    %eq3A = arith.constant 0 : i32
    %eq3A_90 = arith.cmpi eq, %arg0, %eq3A : i32
    %convert_element_type3A = arith.extui %eq3A_90 : i1 to i32
    %cond3A = arith.constant 0 : i32
    %cond3A_91 = arith.cmpi ne, %convert_element_type3A, %cond3A : i32
    scf.if %cond3A_91 {
      "tpu.region"() ({
        %run_scoped3A_142 = tpu.sem_alloc : memref<!tpu.dma_semaphore, #tpu.memory_space<semaphore_mem>>
        %dma_start3A_143 = arith.constant 0 : i32
        %dma_start3A_144 = arith.constant 0 : i32
        %dma_start3A_145 = tpu.memref_slice %arg3[%arg1, %dma_start3A_143, %dma_start3A_144] : memref<16x157x128xi32, #tpu.memory_space<hbm>> -> memref<1x157x128xi32, #tpu.memory_space<hbm>>
        %dma_start3A_146 = tpu.memref_squeeze %dma_start3A_145 : memref<1x157x128xi32, #tpu.memory_space<hbm>> -> memref<157x128xi32, #tpu.memory_space<hbm>>
        %dma_start3A_147 = arith.constant 0 : i32
        %dma_start3A_148 = arith.constant 0 : i32
        %dma_start3A_149 = tpu.memref_slice %arg3[%arg1, %dma_start3A_147, %dma_start3A_148] : memref<16x157x128xi32, #tpu.memory_space<hbm>> -> memref<1x157x128xi32, #tpu.memory_space<hbm>>
        %dma_start3A_150 = tpu.memref_squeeze %dma_start3A_149 : memref<1x157x128xi32, #tpu.memory_space<hbm>> -> memref<157x128xi32, #tpu.memory_space<hbm>>
        tpu.enqueue_dma source(%dma_start3A_150 : memref<157x128xi32, #tpu.memory_space<hbm>>) target(%arg8 : memref<157x128xi32, #tpu.memory_space<vmem>>) target_semaphore(%run_scoped3A_142 : memref<!tpu.dma_semaphore, #tpu.memory_space<semaphore_mem>>)
        %dma_wait3A_151 = arith.constant 0 : i32
        %dma_wait3A_152 = arith.constant 0 : i32
        %dma_wait3A_153 = tpu.memref_slice %arg3[%arg1, %dma_wait3A_151, %dma_wait3A_152] : memref<16x157x128xi32, #tpu.memory_space<hbm>> -> memref<1x157x128xi32, #tpu.memory_space<hbm>>
        %dma_wait3A_154 = tpu.memref_squeeze %dma_wait3A_153 : memref<1x157x128xi32, #tpu.memory_space<hbm>> -> memref<157x128xi32, #tpu.memory_space<hbm>>
        %dma_wait3A_155 = arith.constant 0 : i32
        %dma_wait3A_156 = arith.constant 0 : i32
        %dma_wait3A_157 = tpu.memref_slice %arg3[%arg1, %dma_wait3A_155, %dma_wait3A_156] : memref<16x157x128xi32, #tpu.memory_space<hbm>> -> memref<1x157x128xi32, #tpu.memory_space<hbm>>
        %dma_wait3A_158 = tpu.memref_squeeze %dma_wait3A_157 : memref<1x157x128xi32, #tpu.memory_space<hbm>> -> memref<157x128xi32, #tpu.memory_space<hbm>>
        tpu.wait_dma2 semaphore(%run_scoped3A_142 : memref<!tpu.dma_semaphore, #tpu.memory_space<semaphore_mem>>) src(%dma_wait3A_158 : memref<157x128xi32, #tpu.memory_space<hbm>>) dst(%arg8 : memref<157x128xi32, #tpu.memory_space<vmem>>)
        tpu.yield
      }) : () -> ()
    } else {
    }
    %eq3A_92 = arith.constant 1 : i32
    %eq3A_93 = arith.cmpi eq, %arg0, %eq3A_92 : i32
    %convert_element_type3A_94 = arith.extui %eq3A_93 : i1 to i32
    %cond3A_95 = arith.constant 0 : i32
    %cond3A_96 = arith.cmpi ne, %convert_element_type3A_94, %cond3A_95 : i32
    scf.if %cond3A_96 {
      "tpu.region"() ({
        %run_scoped3A_142 = tpu.sem_alloc : memref<!tpu.dma_semaphore, #tpu.memory_space<semaphore_mem>>
        %dma_start3A_143 = arith.constant 0 : i32
        %dma_start3A_144 = arith.constant 0 : i32
        %dma_start3A_145 = tpu.memref_slice %arg4[%arg1, %dma_start3A_143, %dma_start3A_144] : memref<16x157x128xi32, #tpu.memory_space<hbm>> -> memref<1x157x128xi32, #tpu.memory_space<hbm>>
        %dma_start3A_146 = tpu.memref_squeeze %dma_start3A_145 : memref<1x157x128xi32, #tpu.memory_space<hbm>> -> memref<157x128xi32, #tpu.memory_space<hbm>>
        %dma_start3A_147 = arith.constant 0 : i32
        %dma_start3A_148 = arith.constant 0 : i32
        %dma_start3A_149 = tpu.memref_slice %arg4[%arg1, %dma_start3A_147, %dma_start3A_148] : memref<16x157x128xi32, #tpu.memory_space<hbm>> -> memref<1x157x128xi32, #tpu.memory_space<hbm>>
        %dma_start3A_150 = tpu.memref_squeeze %dma_start3A_149 : memref<1x157x128xi32, #tpu.memory_space<hbm>> -> memref<157x128xi32, #tpu.memory_space<hbm>>
        tpu.enqueue_dma source(%dma_start3A_150 : memref<157x128xi32, #tpu.memory_space<hbm>>) target(%arg8 : memref<157x128xi32, #tpu.memory_space<vmem>>) target_semaphore(%run_scoped3A_142 : memref<!tpu.dma_semaphore, #tpu.memory_space<semaphore_mem>>)
        %dma_wait3A_151 = arith.constant 0 : i32
        %dma_wait3A_152 = arith.constant 0 : i32
        %dma_wait3A_153 = tpu.memref_slice %arg4[%arg1, %dma_wait3A_151, %dma_wait3A_152] : memref<16x157x128xi32, #tpu.memory_space<hbm>> -> memref<1x157x128xi32, #tpu.memory_space<hbm>>
        %dma_wait3A_154 = tpu.memref_squeeze %dma_wait3A_153 : memref<1x157x128xi32, #tpu.memory_space<hbm>> -> memref<157x128xi32, #tpu.memory_space<hbm>>
        %dma_wait3A_155 = arith.constant 0 : i32
        %dma_wait3A_156 = arith.constant 0 : i32
        %dma_wait3A_157 = tpu.memref_slice %arg4[%arg1, %dma_wait3A_155, %dma_wait3A_156] : memref<16x157x128xi32, #tpu.memory_space<hbm>> -> memref<1x157x128xi32, #tpu.memory_space<hbm>>
        %dma_wait3A_158 = tpu.memref_squeeze %dma_wait3A_157 : memref<1x157x128xi32, #tpu.memory_space<hbm>> -> memref<157x128xi32, #tpu.memory_space<hbm>>
        tpu.wait_dma2 semaphore(%run_scoped3A_142 : memref<!tpu.dma_semaphore, #tpu.memory_space<semaphore_mem>>) src(%dma_wait3A_158 : memref<157x128xi32, #tpu.memory_space<hbm>>) dst(%arg8 : memref<157x128xi32, #tpu.memory_space<vmem>>)
        tpu.yield
      }) : () -> ()
    } else {
    }
    "tpu.region"() ({
      %run_scoped3A_142 = tpu.sem_alloc : memref<!tpu.dma_semaphore, #tpu.memory_space<semaphore_mem>>
      %dma_start3A_143 = arith.constant 0 : i32
      %dma_start3A_144 = arith.constant 0 : i32
      %dma_start3A_145 = tpu.memref_slice %arg5[%arg1, %dma_start3A_143, %dma_start3A_144] : memref<16x157x128xi32, #tpu.memory_space<hbm>> -> memref<1x157x128xi32, #tpu.memory_space<hbm>>
      %dma_start3A_146 = tpu.memref_squeeze %dma_start3A_145 : memref<1x157x128xi32, #tpu.memory_space<hbm>> -> memref<157x128xi32, #tpu.memory_space<hbm>>
      %dma_start3A_147 = arith.constant 0 : i32
      %dma_start3A_148 = arith.constant 0 : i32
      %dma_start3A_149 = tpu.memref_slice %arg5[%arg1, %dma_start3A_147, %dma_start3A_148] : memref<16x157x128xi32, #tpu.memory_space<hbm>> -> memref<1x157x128xi32, #tpu.memory_space<hbm>>
      %dma_start3A_150 = tpu.memref_squeeze %dma_start3A_149 : memref<1x157x128xi32, #tpu.memory_space<hbm>> -> memref<157x128xi32, #tpu.memory_space<hbm>>
      tpu.enqueue_dma source(%dma_start3A_150 : memref<157x128xi32, #tpu.memory_space<hbm>>) target(%arg9 : memref<157x128xi32, #tpu.memory_space<vmem>>) target_semaphore(%run_scoped3A_142 : memref<!tpu.dma_semaphore, #tpu.memory_space<semaphore_mem>>)
      %dma_wait3A_151 = arith.constant 0 : i32
      %dma_wait3A_152 = arith.constant 0 : i32
      %dma_wait3A_153 = tpu.memref_slice %arg5[%arg1, %dma_wait3A_151, %dma_wait3A_152] : memref<16x157x128xi32, #tpu.memory_space<hbm>> -> memref<1x157x128xi32, #tpu.memory_space<hbm>>
      %dma_wait3A_154 = tpu.memref_squeeze %dma_wait3A_153 : memref<1x157x128xi32, #tpu.memory_space<hbm>> -> memref<157x128xi32, #tpu.memory_space<hbm>>
      %dma_wait3A_155 = arith.constant 0 : i32
      %dma_wait3A_156 = arith.constant 0 : i32
      %dma_wait3A_157 = tpu.memref_slice %arg5[%arg1, %dma_wait3A_155, %dma_wait3A_156] : memref<16x157x128xi32, #tpu.memory_space<hbm>> -> memref<1x157x128xi32, #tpu.memory_space<hbm>>
      %dma_wait3A_158 = tpu.memref_squeeze %dma_wait3A_157 : memref<1x157x128xi32, #tpu.memory_space<hbm>> -> memref<157x128xi32, #tpu.memory_space<hbm>>
      tpu.wait_dma2 semaphore(%run_scoped3A_142 : memref<!tpu.dma_semaphore, #tpu.memory_space<semaphore_mem>>) src(%dma_wait3A_158 : memref<157x128xi32, #tpu.memory_space<hbm>>) dst(%arg9 : memref<157x128xi32, #tpu.memory_space<vmem>>)
      tpu.yield
    }) : () -> ()
    %dma_start3A = arith.constant 0 : i32
    %dma_start3A_97 = arith.constant 0 : i32
    %dma_start3A_98 = tpu.memref_slice %arg8[%dma_start3A, %dma_start3A_97] : memref<157x128xi32, #tpu.memory_space<vmem>> -> memref<1x128xi32, #tpu.memory_space<vmem>>
    %dma_start3A_99 = tpu.memref_squeeze %dma_start3A_98 : memref<1x128xi32, #tpu.memory_space<vmem>> -> memref<128xi32, #tpu.memory_space<vmem>>
    %dma_start3A_100 = arith.constant 0 : i32
    %dma_start3A_101 = arith.constant 0 : i32
    %dma_start3A_102 = tpu.memref_slice %arg2[%dma_start3A_100, %dma_start3A_101] : memref<20000x64xf32, #tpu.memory_space<hbm>> -> memref<20000x64xf32, #tpu.memory_space<hbm>>
    tpu.enqueue_indirect_dma source(%dma_start3A_102 : memref<20000x64xf32, #tpu.memory_space<hbm>>) target(%arg10 : memref<128x64xf32, #tpu.memory_space<vmem>>) offsets(%dma_start3A_99 : memref<128xi32, #tpu.memory_space<vmem>>) semaphore(%arg17 : memref<!tpu.dma_semaphore, #tpu.memory_space<semaphore_mem>>)
    %dma_start3A_103 = arith.constant 1 : i32
    %dma_start3A_104 = arith.constant 0 : i32
    %dma_start3A_105 = tpu.memref_slice %arg8[%dma_start3A_103, %dma_start3A_104] : memref<157x128xi32, #tpu.memory_space<vmem>> -> memref<1x128xi32, #tpu.memory_space<vmem>>
    %dma_start3A_106 = tpu.memref_squeeze %dma_start3A_105 : memref<1x128xi32, #tpu.memory_space<vmem>> -> memref<128xi32, #tpu.memory_space<vmem>>
    %dma_start3A_107 = arith.constant 0 : i32
    %dma_start3A_108 = arith.constant 0 : i32
    %dma_start3A_109 = tpu.memref_slice %arg2[%dma_start3A_107, %dma_start3A_108] : memref<20000x64xf32, #tpu.memory_space<hbm>> -> memref<20000x64xf32, #tpu.memory_space<hbm>>
    tpu.enqueue_indirect_dma source(%dma_start3A_109 : memref<20000x64xf32, #tpu.memory_space<hbm>>) target(%arg11 : memref<128x64xf32, #tpu.memory_space<vmem>>) offsets(%dma_start3A_106 : memref<128xi32, #tpu.memory_space<vmem>>) semaphore(%arg18 : memref<!tpu.dma_semaphore, #tpu.memory_space<semaphore_mem>>)
    %scan3A_110 = arith.constant 0 : i32
    %scan3A_111 = arith.constant 0 : i32
    %scan3A_112 = arith.constant 157 : i32
    %scan3A_113 = arith.addi %scan3A_111, %scan3A_112 : i32
    %scan3A_114 = arith.constant 1 : i32
    scf.for %scan3A_142 = %scan3A_111 to %scan3A_113 step %scan3A_114  : i32 {
      %jit3A_143 = arith.constant 4 : i32
      %eq3A_144 = arith.constant 0 : i32
      %eq3A_145 = arith.cmpi eq, %jit3A_143, %eq3A_144 : i32
      %jit3A_146 = arith.constant 1 : i32
      %select_n3A_147 = arith.select %eq3A_145, %jit3A_146, %jit3A_143 : i32
      %rem3A = arith.remsi %scan3A_142, %select_n3A_147 : i32
      %ne3A = arith.constant 0 : i32
      %ne3A_148 = arith.cmpi ne, %rem3A, %ne3A : i32
      %lt3A = arith.constant 0 : i32
      %lt3A_149 = arith.cmpi slt, %rem3A, %lt3A : i32
      %lt3A_150 = arith.constant 0 : i32
      %lt3A_151 = arith.cmpi slt, %select_n3A_147, %lt3A_150 : i32
      %ne3A_152 = arith.xori %lt3A_149, %lt3A_151 : i1
      %and3A = arith.andi %ne3A_152, %ne3A_148 : i1
      %add3A_153 = arith.addi %rem3A, %select_n3A_147 : i32
      %select_n3A_154 = arith.select %and3A, %add3A_153, %rem3A : i32
      %eq3A_155 = arith.constant 0 : i32
      %eq3A_156 = arith.cmpi eq, %select_n3A_154, %eq3A_155 : i32
      %convert_element_type3A_157 = arith.extui %eq3A_156 : i1 to i32
      %cond3A_158 = arith.constant 0 : i32
      %cond3A_159 = arith.cmpi ne, %convert_element_type3A_157, %cond3A_158 : i32
      scf.if %cond3A_159 {
        %dma_wait3A_243 = arith.constant 0 : i32
        %dma_wait3A_244 = tpu.memref_slice %arg8[%scan3A_142, %dma_wait3A_243] : memref<157x128xi32, #tpu.memory_space<vmem>> -> memref<1x128xi32, #tpu.memory_space<vmem>>
        %dma_wait3A_245 = tpu.memref_squeeze %dma_wait3A_244 : memref<1x128xi32, #tpu.memory_space<vmem>> -> memref<128xi32, #tpu.memory_space<vmem>>
        %dma_wait3A_246 = arith.constant 0 : i32
        %dma_wait3A_247 = arith.constant 0 : i32
        %dma_wait3A_248 = tpu.memref_slice %arg2[%dma_wait3A_246, %dma_wait3A_247] : memref<20000x64xf32, #tpu.memory_space<hbm>> -> memref<20000x64xf32, #tpu.memory_space<hbm>>
        tpu.wait_indirect_dma semaphore(%arg17 : memref<!tpu.dma_semaphore, #tpu.memory_space<semaphore_mem>>) src(%dma_wait3A_248 : memref<20000x64xf32, #tpu.memory_space<hbm>>) dst(%arg10 : memref<128x64xf32, #tpu.memory_space<vmem>>)
        %dma_start3A_249 = arith.constant 0 : i32
        %dma_start3A_250 = tpu.memref_slice %arg9[%scan3A_142, %dma_start3A_249] : memref<157x128xi32, #tpu.memory_space<vmem>> -> memref<1x128xi32, #tpu.memory_space<vmem>>
        %dma_start3A_251 = tpu.memref_squeeze %dma_start3A_250 : memref<1x128xi32, #tpu.memory_space<vmem>> -> memref<128xi32, #tpu.memory_space<vmem>>
        %dma_start3A_252 = arith.constant 0 : i32
        %dma_start3A_253 = arith.constant 0 : i32
        %dma_start3A_254 = tpu.memref_slice %arg15[%dma_start3A_252, %dma_start3A_253] : memref<10240x64xf32, #tpu.memory_space<vmem_shared>> -> memref<10240x64xf32, #tpu.memory_space<vmem_shared>>
        tpu.enqueue_indirect_dma source(%arg10 : memref<128x64xf32, #tpu.memory_space<vmem>>) target(%dma_start3A_254 : memref<10240x64xf32, #tpu.memory_space<vmem_shared>>) offsets(%dma_start3A_251 : memref<128xi32, #tpu.memory_space<vmem>>) semaphore(%arg21 : memref<!tpu.dma_semaphore, #tpu.memory_space<semaphore_mem>>) {add = true}
        %ge3A = arith.constant 2 : i32
        %ge3A_255 = arith.cmpi sge, %scan3A_142, %ge3A : i32
        %convert_element_type3A_256 = arith.extui %ge3A_255 : i1 to i32
        %cond3A_257 = arith.constant 0 : i32
        %cond3A_258 = arith.cmpi ne, %convert_element_type3A_256, %cond3A_257 : i32
        scf.if %cond3A_258 {
          %dma_wait3A_266 = arith.constant 0 : i32
          %dma_wait3A_267 = arith.constant 0 : i32
          %dma_wait3A_268 = tpu.memref_slice %arg9[%dma_wait3A_266, %dma_wait3A_267] : memref<157x128xi32, #tpu.memory_space<vmem>> -> memref<1x128xi32, #tpu.memory_space<vmem>>
          %dma_wait3A_269 = tpu.memref_squeeze %dma_wait3A_268 : memref<1x128xi32, #tpu.memory_space<vmem>> -> memref<128xi32, #tpu.memory_space<vmem>>
          %dma_wait3A_270 = arith.constant 0 : i32
          %dma_wait3A_271 = arith.constant 0 : i32
          %dma_wait3A_272 = tpu.memref_slice %arg15[%dma_wait3A_270, %dma_wait3A_271] : memref<10240x64xf32, #tpu.memory_space<vmem_shared>> -> memref<10240x64xf32, #tpu.memory_space<vmem_shared>>
          tpu.wait_indirect_dma semaphore(%arg23 : memref<!tpu.dma_semaphore, #tpu.memory_space<semaphore_mem>>) src(%arg12 : memref<128x64xf32, #tpu.memory_space<vmem>>) dst(%dma_wait3A_272 : memref<10240x64xf32, #tpu.memory_space<vmem_shared>>)
        } else {
        }
        %add3A_259 = arith.constant 2 : i32
        %add3A_260 = arith.addi %scan3A_142, %add3A_259 : i32
        %lt3A_261 = arith.constant 157 : i32
        %lt3A_262 = arith.cmpi slt, %add3A_260, %lt3A_261 : i32
        %convert_element_type3A_263 = arith.extui %lt3A_262 : i1 to i32
        %cond3A_264 = arith.constant 0 : i32
        %cond3A_265 = arith.cmpi ne, %convert_element_type3A_263, %cond3A_264 : i32
        scf.if %cond3A_265 {
          %add3A_266 = arith.constant 2 : i32
          %add3A_267 = arith.addi %scan3A_142, %add3A_266 : i32
          %dma_start3A_268 = arith.constant 0 : i32
          %dma_start3A_269 = tpu.memref_slice %arg8[%add3A_267, %dma_start3A_268] : memref<157x128xi32, #tpu.memory_space<vmem>> -> memref<1x128xi32, #tpu.memory_space<vmem>>
          %dma_start3A_270 = tpu.memref_squeeze %dma_start3A_269 : memref<1x128xi32, #tpu.memory_space<vmem>> -> memref<128xi32, #tpu.memory_space<vmem>>
          %dma_start3A_271 = arith.constant 0 : i32
          %dma_start3A_272 = arith.constant 0 : i32
          %dma_start3A_273 = tpu.memref_slice %arg2[%dma_start3A_271, %dma_start3A_272] : memref<20000x64xf32, #tpu.memory_space<hbm>> -> memref<20000x64xf32, #tpu.memory_space<hbm>>
          tpu.enqueue_indirect_dma source(%dma_start3A_273 : memref<20000x64xf32, #tpu.memory_space<hbm>>) target(%arg12 : memref<128x64xf32, #tpu.memory_space<vmem>>) offsets(%dma_start3A_270 : memref<128xi32, #tpu.memory_space<vmem>>) semaphore(%arg19 : memref<!tpu.dma_semaphore, #tpu.memory_space<semaphore_mem>>)
        } else {
        }
      } else {
      }
      %jit3A_160 = arith.constant 4 : i32
      %eq3A_161 = arith.constant 0 : i32
      %eq3A_162 = arith.cmpi eq, %jit3A_160, %eq3A_161 : i32
      %jit3A_163 = arith.constant 1 : i32
      %select_n3A_164 = arith.select %eq3A_162, %jit3A_163, %jit3A_160 : i32
      %rem3A_165 = arith.remsi %scan3A_142, %select_n3A_164 : i32
      %ne3A_166 = arith.constant 0 : i32
      %ne3A_167 = arith.cmpi ne, %rem3A_165, %ne3A_166 : i32
      %lt3A_168 = arith.constant 0 : i32
      %lt3A_169 = arith.cmpi slt, %rem3A_165, %lt3A_168 : i32
      %lt3A_170 = arith.constant 0 : i32
      %lt3A_171 = arith.cmpi slt, %select_n3A_164, %lt3A_170 : i32
      %ne3A_172 = arith.xori %lt3A_169, %lt3A_171 : i1
      %and3A_173 = arith.andi %ne3A_172, %ne3A_167 : i1
      %add3A_174 = arith.addi %rem3A_165, %select_n3A_164 : i32
      %select_n3A_175 = arith.select %and3A_173, %add3A_174, %rem3A_165 : i32
      %eq3A_176 = arith.constant 1 : i32
      %eq3A_177 = arith.cmpi eq, %select_n3A_175, %eq3A_176 : i32
      %convert_element_type3A_178 = arith.extui %eq3A_177 : i1 to i32
      %cond3A_179 = arith.constant 0 : i32
      %cond3A_180 = arith.cmpi ne, %convert_element_type3A_178, %cond3A_179 : i32
      scf.if %cond3A_180 {
        %dma_wait3A_243 = arith.constant 0 : i32
        %dma_wait3A_244 = tpu.memref_slice %arg8[%scan3A_142, %dma_wait3A_243] : memref<157x128xi32, #tpu.memory_space<vmem>> -> memref<1x128xi32, #tpu.memory_space<vmem>>
        %dma_wait3A_245 = tpu.memref_squeeze %dma_wait3A_244 : memref<1x128xi32, #tpu.memory_space<vmem>> -> memref<128xi32, #tpu.memory_space<vmem>>
        %dma_wait3A_246 = arith.constant 0 : i32
        %dma_wait3A_247 = arith.constant 0 : i32
        %dma_wait3A_248 = tpu.memref_slice %arg2[%dma_wait3A_246, %dma_wait3A_247] : memref<20000x64xf32, #tpu.memory_space<hbm>> -> memref<20000x64xf32, #tpu.memory_space<hbm>>
        tpu.wait_indirect_dma semaphore(%arg18 : memref<!tpu.dma_semaphore, #tpu.memory_space<semaphore_mem>>) src(%dma_wait3A_248 : memref<20000x64xf32, #tpu.memory_space<hbm>>) dst(%arg11 : memref<128x64xf32, #tpu.memory_space<vmem>>)
        %dma_start3A_249 = arith.constant 0 : i32
        %dma_start3A_250 = tpu.memref_slice %arg9[%scan3A_142, %dma_start3A_249] : memref<157x128xi32, #tpu.memory_space<vmem>> -> memref<1x128xi32, #tpu.memory_space<vmem>>
        %dma_start3A_251 = tpu.memref_squeeze %dma_start3A_250 : memref<1x128xi32, #tpu.memory_space<vmem>> -> memref<128xi32, #tpu.memory_space<vmem>>
        %dma_start3A_252 = arith.constant 0 : i32
        %dma_start3A_253 = arith.constant 0 : i32
        %dma_start3A_254 = tpu.memref_slice %arg15[%dma_start3A_252, %dma_start3A_253] : memref<10240x64xf32, #tpu.memory_space<vmem_shared>> -> memref<10240x64xf32, #tpu.memory_space<vmem_shared>>
        tpu.enqueue_indirect_dma source(%arg11 : memref<128x64xf32, #tpu.memory_space<vmem>>) target(%dma_start3A_254 : memref<10240x64xf32, #tpu.memory_space<vmem_shared>>) offsets(%dma_start3A_251 : memref<128xi32, #tpu.memory_space<vmem>>) semaphore(%arg22 : memref<!tpu.dma_semaphore, #tpu.memory_space<semaphore_mem>>) {add = true}
        %ge3A = arith.constant 2 : i32
        %ge3A_255 = arith.cmpi sge, %scan3A_142, %ge3A : i32
        %convert_element_type3A_256 = arith.extui %ge3A_255 : i1 to i32
        %cond3A_257 = arith.constant 0 : i32
        %cond3A_258 = arith.cmpi ne, %convert_element_type3A_256, %cond3A_257 : i32
        scf.if %cond3A_258 {
          %dma_wait3A_266 = arith.constant 0 : i32
          %dma_wait3A_267 = arith.constant 0 : i32
          %dma_wait3A_268 = tpu.memref_slice %arg9[%dma_wait3A_266, %dma_wait3A_267] : memref<157x128xi32, #tpu.memory_space<vmem>> -> memref<1x128xi32, #tpu.memory_space<vmem>>
          %dma_wait3A_269 = tpu.memref_squeeze %dma_wait3A_268 : memref<1x128xi32, #tpu.memory_space<vmem>> -> memref<128xi32, #tpu.memory_space<vmem>>
          %dma_wait3A_270 = arith.constant 0 : i32
          %dma_wait3A_271 = arith.constant 0 : i32
          %dma_wait3A_272 = tpu.memref_slice %arg15[%dma_wait3A_270, %dma_wait3A_271] : memref<10240x64xf32, #tpu.memory_space<vmem_shared>> -> memref<10240x64xf32, #tpu.memory_space<vmem_shared>>
          tpu.wait_indirect_dma semaphore(%arg24 : memref<!tpu.dma_semaphore, #tpu.memory_space<semaphore_mem>>) src(%arg13 : memref<128x64xf32, #tpu.memory_space<vmem>>) dst(%dma_wait3A_272 : memref<10240x64xf32, #tpu.memory_space<vmem_shared>>)
        } else {
        }
        %add3A_259 = arith.constant 2 : i32
        %add3A_260 = arith.addi %scan3A_142, %add3A_259 : i32
        %lt3A_261 = arith.constant 157 : i32
        %lt3A_262 = arith.cmpi slt, %add3A_260, %lt3A_261 : i32
        %convert_element_type3A_263 = arith.extui %lt3A_262 : i1 to i32
        %cond3A_264 = arith.constant 0 : i32
        %cond3A_265 = arith.cmpi ne, %convert_element_type3A_263, %cond3A_264 : i32
        scf.if %cond3A_265 {
          %add3A_266 = arith.constant 2 : i32
          %add3A_267 = arith.addi %scan3A_142, %add3A_266 : i32
          %dma_start3A_268 = arith.constant 0 : i32
          %dma_start3A_269 = tpu.memref_slice %arg8[%add3A_267, %dma_start3A_268] : memref<157x128xi32, #tpu.memory_space<vmem>> -> memref<1x128xi32, #tpu.memory_space<vmem>>
          %dma_start3A_270 = tpu.memref_squeeze %dma_start3A_269 : memref<1x128xi32, #tpu.memory_space<vmem>> -> memref<128xi32, #tpu.memory_space<vmem>>
          %dma_start3A_271 = arith.constant 0 : i32
          %dma_start3A_272 = arith.constant 0 : i32
          %dma_start3A_273 = tpu.memref_slice %arg2[%dma_start3A_271, %dma_start3A_272] : memref<20000x64xf32, #tpu.memory_space<hbm>> -> memref<20000x64xf32, #tpu.memory_space<hbm>>
          tpu.enqueue_indirect_dma source(%dma_start3A_273 : memref<20000x64xf32, #tpu.memory_space<hbm>>) target(%arg13 : memref<128x64xf32, #tpu.memory_space<vmem>>) offsets(%dma_start3A_270 : memref<128xi32, #tpu.memory_space<vmem>>) semaphore(%arg20 : memref<!tpu.dma_semaphore, #tpu.memory_space<semaphore_mem>>)
        } else {
        }
      } else {
      }
      %jit3A_181 = arith.constant 4 : i32
      %eq3A_182 = arith.constant 0 : i32
      %eq3A_183 = arith.cmpi eq, %jit3A_181, %eq3A_182 : i32
      %jit3A_184 = arith.constant 1 : i32
      %select_n3A_185 = arith.select %eq3A_183, %jit3A_184, %jit3A_181 : i32
      %rem3A_186 = arith.remsi %scan3A_142, %select_n3A_185 : i32
      %ne3A_187 = arith.constant 0 : i32
      %ne3A_188 = arith.cmpi ne, %rem3A_186, %ne3A_187 : i32
      %lt3A_189 = arith.constant 0 : i32
      %lt3A_190 = arith.cmpi slt, %rem3A_186, %lt3A_189 : i32
      %lt3A_191 = arith.constant 0 : i32
      %lt3A_192 = arith.cmpi slt, %select_n3A_185, %lt3A_191 : i32
      %ne3A_193 = arith.xori %lt3A_190, %lt3A_192 : i1
      %and3A_194 = arith.andi %ne3A_193, %ne3A_188 : i1
      %add3A_195 = arith.addi %rem3A_186, %select_n3A_185 : i32
      %select_n3A_196 = arith.select %and3A_194, %add3A_195, %rem3A_186 : i32
      %eq3A_197 = arith.constant 2 : i32
      %eq3A_198 = arith.cmpi eq, %select_n3A_196, %eq3A_197 : i32
      %convert_element_type3A_199 = arith.extui %eq3A_198 : i1 to i32
      %cond3A_200 = arith.constant 0 : i32
      %cond3A_201 = arith.cmpi ne, %convert_element_type3A_199, %cond3A_200 : i32
      scf.if %cond3A_201 {
        %dma_wait3A_243 = arith.constant 0 : i32
        %dma_wait3A_244 = tpu.memref_slice %arg8[%scan3A_142, %dma_wait3A_243] : memref<157x128xi32, #tpu.memory_space<vmem>> -> memref<1x128xi32, #tpu.memory_space<vmem>>
        %dma_wait3A_245 = tpu.memref_squeeze %dma_wait3A_244 : memref<1x128xi32, #tpu.memory_space<vmem>> -> memref<128xi32, #tpu.memory_space<vmem>>
        %dma_wait3A_246 = arith.constant 0 : i32
        %dma_wait3A_247 = arith.constant 0 : i32
        %dma_wait3A_248 = tpu.memref_slice %arg2[%dma_wait3A_246, %dma_wait3A_247] : memref<20000x64xf32, #tpu.memory_space<hbm>> -> memref<20000x64xf32, #tpu.memory_space<hbm>>
        tpu.wait_indirect_dma semaphore(%arg19 : memref<!tpu.dma_semaphore, #tpu.memory_space<semaphore_mem>>) src(%dma_wait3A_248 : memref<20000x64xf32, #tpu.memory_space<hbm>>) dst(%arg12 : memref<128x64xf32, #tpu.memory_space<vmem>>)
        %dma_start3A_249 = arith.constant 0 : i32
        %dma_start3A_250 = tpu.memref_slice %arg9[%scan3A_142, %dma_start3A_249] : memref<157x128xi32, #tpu.memory_space<vmem>> -> memref<1x128xi32, #tpu.memory_space<vmem>>
        %dma_start3A_251 = tpu.memref_squeeze %dma_start3A_250 : memref<1x128xi32, #tpu.memory_space<vmem>> -> memref<128xi32, #tpu.memory_space<vmem>>
        %dma_start3A_252 = arith.constant 0 : i32
        %dma_start3A_253 = arith.constant 0 : i32
        %dma_start3A_254 = tpu.memref_slice %arg15[%dma_start3A_252, %dma_start3A_253] : memref<10240x64xf32, #tpu.memory_space<vmem_shared>> -> memref<10240x64xf32, #tpu.memory_space<vmem_shared>>
        tpu.enqueue_indirect_dma source(%arg12 : memref<128x64xf32, #tpu.memory_space<vmem>>) target(%dma_start3A_254 : memref<10240x64xf32, #tpu.memory_space<vmem_shared>>) offsets(%dma_start3A_251 : memref<128xi32, #tpu.memory_space<vmem>>) semaphore(%arg23 : memref<!tpu.dma_semaphore, #tpu.memory_space<semaphore_mem>>) {add = true}
        %ge3A = arith.constant 2 : i32
        %ge3A_255 = arith.cmpi sge, %scan3A_142, %ge3A : i32
        %convert_element_type3A_256 = arith.extui %ge3A_255 : i1 to i32
        %cond3A_257 = arith.constant 0 : i32
        %cond3A_258 = arith.cmpi ne, %convert_element_type3A_256, %cond3A_257 : i32
        scf.if %cond3A_258 {
          %dma_wait3A_266 = arith.constant 0 : i32
          %dma_wait3A_267 = arith.constant 0 : i32
          %dma_wait3A_268 = tpu.memref_slice %arg9[%dma_wait3A_266, %dma_wait3A_267] : memref<157x128xi32, #tpu.memory_space<vmem>> -> memref<1x128xi32, #tpu.memory_space<vmem>>
          %dma_wait3A_269 = tpu.memref_squeeze %dma_wait3A_268 : memref<1x128xi32, #tpu.memory_space<vmem>> -> memref<128xi32, #tpu.memory_space<vmem>>
          %dma_wait3A_270 = arith.constant 0 : i32
          %dma_wait3A_271 = arith.constant 0 : i32
          %dma_wait3A_272 = tpu.memref_slice %arg15[%dma_wait3A_270, %dma_wait3A_271] : memref<10240x64xf32, #tpu.memory_space<vmem_shared>> -> memref<10240x64xf32, #tpu.memory_space<vmem_shared>>
          tpu.wait_indirect_dma semaphore(%arg21 : memref<!tpu.dma_semaphore, #tpu.memory_space<semaphore_mem>>) src(%arg10 : memref<128x64xf32, #tpu.memory_space<vmem>>) dst(%dma_wait3A_272 : memref<10240x64xf32, #tpu.memory_space<vmem_shared>>)
        } else {
        }
        %add3A_259 = arith.constant 2 : i32
        %add3A_260 = arith.addi %scan3A_142, %add3A_259 : i32
        %lt3A_261 = arith.constant 157 : i32
        %lt3A_262 = arith.cmpi slt, %add3A_260, %lt3A_261 : i32
        %convert_element_type3A_263 = arith.extui %lt3A_262 : i1 to i32
        %cond3A_264 = arith.constant 0 : i32
        %cond3A_265 = arith.cmpi ne, %convert_element_type3A_263, %cond3A_264 : i32
        scf.if %cond3A_265 {
          %add3A_266 = arith.constant 2 : i32
          %add3A_267 = arith.addi %scan3A_142, %add3A_266 : i32
          %dma_start3A_268 = arith.constant 0 : i32
          %dma_start3A_269 = tpu.memref_slice %arg8[%add3A_267, %dma_start3A_268] : memref<157x128xi32, #tpu.memory_space<vmem>> -> memref<1x128xi32, #tpu.memory_space<vmem>>
          %dma_start3A_270 = tpu.memref_squeeze %dma_start3A_269 : memref<1x128xi32, #tpu.memory_space<vmem>> -> memref<128xi32, #tpu.memory_space<vmem>>
          %dma_start3A_271 = arith.constant 0 : i32
          %dma_start3A_272 = arith.constant 0 : i32
          %dma_start3A_273 = tpu.memref_slice %arg2[%dma_start3A_271, %dma_start3A_272] : memref<20000x64xf32, #tpu.memory_space<hbm>> -> memref<20000x64xf32, #tpu.memory_space<hbm>>
          tpu.enqueue_indirect_dma source(%dma_start3A_273 : memref<20000x64xf32, #tpu.memory_space<hbm>>) target(%arg10 : memref<128x64xf32, #tpu.memory_space<vmem>>) offsets(%dma_start3A_270 : memref<128xi32, #tpu.memory_space<vmem>>) semaphore(%arg17 : memref<!tpu.dma_semaphore, #tpu.memory_space<semaphore_mem>>)
        } else {
        }
      } else {
      }
      %jit3A_202 = arith.constant 4 : i32
      %eq3A_203 = arith.constant 0 : i32
      %eq3A_204 = arith.cmpi eq, %jit3A_202, %eq3A_203 : i32
      %jit3A_205 = arith.constant 1 : i32
      %select_n3A_206 = arith.select %eq3A_204, %jit3A_205, %jit3A_202 : i32
      %rem3A_207 = arith.remsi %scan3A_142, %select_n3A_206 : i32
      %ne3A_208 = arith.constant 0 : i32
      %ne3A_209 = arith.cmpi ne, %rem3A_207, %ne3A_208 : i32
      %lt3A_210 = arith.constant 0 : i32
      %lt3A_211 = arith.cmpi slt, %rem3A_207, %lt3A_210 : i32
      %lt3A_212 = arith.constant 0 : i32
      %lt3A_213 = arith.cmpi slt, %select_n3A_206, %lt3A_212 : i32
      %ne3A_214 = arith.xori %lt3A_211, %lt3A_213 : i1
      %and3A_215 = arith.andi %ne3A_214, %ne3A_209 : i1
      %add3A_216 = arith.addi %rem3A_207, %select_n3A_206 : i32
      %select_n3A_217 = arith.select %and3A_215, %add3A_216, %rem3A_207 : i32
      %eq3A_218 = arith.constant 3 : i32
      %eq3A_219 = arith.cmpi eq, %select_n3A_217, %eq3A_218 : i32
      %convert_element_type3A_220 = arith.extui %eq3A_219 : i1 to i32
      %cond3A_221 = arith.constant 0 : i32
      %cond3A_222 = arith.cmpi ne, %convert_element_type3A_220, %cond3A_221 : i32
      scf.if %cond3A_222 {
        %dma_wait3A_243 = arith.constant 0 : i32
        %dma_wait3A_244 = tpu.memref_slice %arg8[%scan3A_142, %dma_wait3A_243] : memref<157x128xi32, #tpu.memory_space<vmem>> -> memref<1x128xi32, #tpu.memory_space<vmem>>
        %dma_wait3A_245 = tpu.memref_squeeze %dma_wait3A_244 : memref<1x128xi32, #tpu.memory_space<vmem>> -> memref<128xi32, #tpu.memory_space<vmem>>
        %dma_wait3A_246 = arith.constant 0 : i32
        %dma_wait3A_247 = arith.constant 0 : i32
        %dma_wait3A_248 = tpu.memref_slice %arg2[%dma_wait3A_246, %dma_wait3A_247] : memref<20000x64xf32, #tpu.memory_space<hbm>> -> memref<20000x64xf32, #tpu.memory_space<hbm>>
        tpu.wait_indirect_dma semaphore(%arg20 : memref<!tpu.dma_semaphore, #tpu.memory_space<semaphore_mem>>) src(%dma_wait3A_248 : memref<20000x64xf32, #tpu.memory_space<hbm>>) dst(%arg13 : memref<128x64xf32, #tpu.memory_space<vmem>>)
        %dma_start3A_249 = arith.constant 0 : i32
        %dma_start3A_250 = tpu.memref_slice %arg9[%scan3A_142, %dma_start3A_249] : memref<157x128xi32, #tpu.memory_space<vmem>> -> memref<1x128xi32, #tpu.memory_space<vmem>>
        %dma_start3A_251 = tpu.memref_squeeze %dma_start3A_250 : memref<1x128xi32, #tpu.memory_space<vmem>> -> memref<128xi32, #tpu.memory_space<vmem>>
        %dma_start3A_252 = arith.constant 0 : i32
        %dma_start3A_253 = arith.constant 0 : i32
        %dma_start3A_254 = tpu.memref_slice %arg15[%dma_start3A_252, %dma_start3A_253] : memref<10240x64xf32, #tpu.memory_space<vmem_shared>> -> memref<10240x64xf32, #tpu.memory_space<vmem_shared>>
        tpu.enqueue_indirect_dma source(%arg13 : memref<128x64xf32, #tpu.memory_space<vmem>>) target(%dma_start3A_254 : memref<10240x64xf32, #tpu.memory_space<vmem_shared>>) offsets(%dma_start3A_251 : memref<128xi32, #tpu.memory_space<vmem>>) semaphore(%arg24 : memref<!tpu.dma_semaphore, #tpu.memory_space<semaphore_mem>>) {add = true}
        %ge3A = arith.constant 2 : i32
        %ge3A_255 = arith.cmpi sge, %scan3A_142, %ge3A : i32
        %convert_element_type3A_256 = arith.extui %ge3A_255 : i1 to i32
        %cond3A_257 = arith.constant 0 : i32
        %cond3A_258 = arith.cmpi ne, %convert_element_type3A_256, %cond3A_257 : i32
        scf.if %cond3A_258 {
          %dma_wait3A_266 = arith.constant 0 : i32
          %dma_wait3A_267 = arith.constant 0 : i32
          %dma_wait3A_268 = tpu.memref_slice %arg9[%dma_wait3A_266, %dma_wait3A_267] : memref<157x128xi32, #tpu.memory_space<vmem>> -> memref<1x128xi32, #tpu.memory_space<vmem>>
          %dma_wait3A_269 = tpu.memref_squeeze %dma_wait3A_268 : memref<1x128xi32, #tpu.memory_space<vmem>> -> memref<128xi32, #tpu.memory_space<vmem>>
          %dma_wait3A_270 = arith.constant 0 : i32
          %dma_wait3A_271 = arith.constant 0 : i32
          %dma_wait3A_272 = tpu.memref_slice %arg15[%dma_wait3A_270, %dma_wait3A_271] : memref<10240x64xf32, #tpu.memory_space<vmem_shared>> -> memref<10240x64xf32, #tpu.memory_space<vmem_shared>>
          tpu.wait_indirect_dma semaphore(%arg22 : memref<!tpu.dma_semaphore, #tpu.memory_space<semaphore_mem>>) src(%arg11 : memref<128x64xf32, #tpu.memory_space<vmem>>) dst(%dma_wait3A_272 : memref<10240x64xf32, #tpu.memory_space<vmem_shared>>)
        } else {
        }
        %add3A_259 = arith.constant 2 : i32
        %add3A_260 = arith.addi %scan3A_142, %add3A_259 : i32
        %lt3A_261 = arith.constant 157 : i32
        %lt3A_262 = arith.cmpi slt, %add3A_260, %lt3A_261 : i32
        %convert_element_type3A_263 = arith.extui %lt3A_262 : i1 to i32
        %cond3A_264 = arith.constant 0 : i32
        %cond3A_265 = arith.cmpi ne, %convert_element_type3A_263, %cond3A_264 : i32
        scf.if %cond3A_265 {
          %add3A_266 = arith.constant 2 : i32
          %add3A_267 = arith.addi %scan3A_142, %add3A_266 : i32
          %dma_start3A_268 = arith.constant 0 : i32
          %dma_start3A_269 = tpu.memref_slice %arg8[%add3A_267, %dma_start3A_268] : memref<157x128xi32, #tpu.memory_space<vmem>> -> memref<1x128xi32, #tpu.memory_space<vmem>>
          %dma_start3A_270 = tpu.memref_squeeze %dma_start3A_269 : memref<1x128xi32, #tpu.memory_space<vmem>> -> memref<128xi32, #tpu.memory_space<vmem>>
          %dma_start3A_271 = arith.constant 0 : i32
          %dma_start3A_272 = arith.constant 0 : i32
          %dma_start3A_273 = tpu.memref_slice %arg2[%dma_start3A_271, %dma_start3A_272] : memref<20000x64xf32, #tpu.memory_space<hbm>> -> memref<20000x64xf32, #tpu.memory_space<hbm>>
          tpu.enqueue_indirect_dma source(%dma_start3A_273 : memref<20000x64xf32, #tpu.memory_space<hbm>>) target(%arg11 : memref<128x64xf32, #tpu.memory_space<vmem>>) offsets(%dma_start3A_270 : memref<128xi32, #tpu.memory_space<vmem>>) semaphore(%arg18 : memref<!tpu.dma_semaphore, #tpu.memory_space<semaphore_mem>>)
        } else {
        }
      } else {
      }
      %jit3A_223 = arith.constant 2 : i32
      %eq3A_224 = arith.constant 0 : i32
      %eq3A_225 = arith.cmpi eq, %jit3A_223, %eq3A_224 : i32
      %jit3A_226 = arith.constant 1 : i32
      %select_n3A_227 = arith.select %eq3A_225, %jit3A_226, %jit3A_223 : i32
      %rem3A_228 = arith.remsi %scan3A_142, %select_n3A_227 : i32
      %ne3A_229 = arith.constant 0 : i32
      %ne3A_230 = arith.cmpi ne, %rem3A_228, %ne3A_229 : i32
      %lt3A_231 = arith.constant 0 : i32
      %lt3A_232 = arith.cmpi slt, %rem3A_228, %lt3A_231 : i32
      %lt3A_233 = arith.constant 0 : i32
      %lt3A_234 = arith.cmpi slt, %select_n3A_227, %lt3A_233 : i32
      %ne3A_235 = arith.xori %lt3A_232, %lt3A_234 : i1
      %and3A_236 = arith.andi %ne3A_235, %ne3A_230 : i1
      %add3A_237 = arith.addi %rem3A_228, %select_n3A_227 : i32
      %select_n3A_238 = arith.select %and3A_236, %add3A_237, %rem3A_228 : i32
      %eq3A_239 = arith.cmpi eq, %select_n3A_238, %arg0 : i32
      %convert_element_type3A_240 = arith.extui %eq3A_239 : i1 to i32
      %cond3A_241 = arith.constant 0 : i32
      %cond3A_242 = arith.cmpi ne, %convert_element_type3A_240, %cond3A_241 : i32
      scf.if %cond3A_242 {
        %dma_start3A_243 = arith.constant 0 : i32
        %dma_start3A_244 = tpu.memref_slice %arg9[%scan3A_142, %dma_start3A_243] : memref<157x128xi32, #tpu.memory_space<vmem>> -> memref<1x128xi32, #tpu.memory_space<vmem>>
        %dma_start3A_245 = tpu.memref_squeeze %dma_start3A_244 : memref<1x128xi32, #tpu.memory_space<vmem>> -> memref<128xi32, #tpu.memory_space<vmem>>
        %dma_start3A_246 = arith.constant 0 : i32
        %dma_start3A_247 = tpu.memref_slice %arg16[%dma_start3A_246] : memref<10240xf32, #tpu.memory_space<vmem_shared>> -> memref<10240xf32, #tpu.memory_space<vmem_shared>>
        tpu.enqueue_indirect_dma source(%arg14 : memref<128xf32, #tpu.memory_space<vmem>>) target(%dma_start3A_247 : memref<10240xf32, #tpu.memory_space<vmem_shared>>) offsets(%dma_start3A_245 : memref<128xi32, #tpu.memory_space<vmem>>) semaphore(%arg25 : memref<!tpu.dma_semaphore, #tpu.memory_space<semaphore_mem>>) {add = true}
      } else {
      }
    }
    %scan3A_115 = arith.constant 157 : i32
    %dma_wait3A = arith.constant 0 : i32
    %dma_wait3A_116 = arith.constant 0 : i32
    %dma_wait3A_117 = tpu.memref_slice %arg9[%dma_wait3A, %dma_wait3A_116] : memref<157x128xi32, #tpu.memory_space<vmem>> -> memref<1x128xi32, #tpu.memory_space<vmem>>
    %dma_wait3A_118 = tpu.memref_squeeze %dma_wait3A_117 : memref<1x128xi32, #tpu.memory_space<vmem>> -> memref<128xi32, #tpu.memory_space<vmem>>
    %dma_wait3A_119 = arith.constant 0 : i32
    %dma_wait3A_120 = arith.constant 0 : i32
    %dma_wait3A_121 = tpu.memref_slice %arg15[%dma_wait3A_119, %dma_wait3A_120] : memref<10240x64xf32, #tpu.memory_space<vmem_shared>> -> memref<10240x64xf32, #tpu.memory_space<vmem_shared>>
    tpu.wait_indirect_dma semaphore(%arg24 : memref<!tpu.dma_semaphore, #tpu.memory_space<semaphore_mem>>) src(%arg13 : memref<128x64xf32, #tpu.memory_space<vmem>>) dst(%dma_wait3A_121 : memref<10240x64xf32, #tpu.memory_space<vmem_shared>>)
    %dma_wait3A_122 = arith.constant 0 : i32
    %dma_wait3A_123 = arith.constant 0 : i32
    %dma_wait3A_124 = tpu.memref_slice %arg9[%dma_wait3A_122, %dma_wait3A_123] : memref<157x128xi32, #tpu.memory_space<vmem>> -> memref<1x128xi32, #tpu.memory_space<vmem>>
    %dma_wait3A_125 = tpu.memref_squeeze %dma_wait3A_124 : memref<1x128xi32, #tpu.memory_space<vmem>> -> memref<128xi32, #tpu.memory_space<vmem>>
    %dma_wait3A_126 = arith.constant 0 : i32
    %dma_wait3A_127 = arith.constant 0 : i32
    %dma_wait3A_128 = tpu.memref_slice %arg15[%dma_wait3A_126, %dma_wait3A_127] : memref<10240x64xf32, #tpu.memory_space<vmem_shared>> -> memref<10240x64xf32, #tpu.memory_space<vmem_shared>>
    tpu.wait_indirect_dma semaphore(%arg21 : memref<!tpu.dma_semaphore, #tpu.memory_space<semaphore_mem>>) src(%arg10 : memref<128x64xf32, #tpu.memory_space<vmem>>) dst(%dma_wait3A_128 : memref<10240x64xf32, #tpu.memory_space<vmem_shared>>)
    %eq3A_129 = arith.constant 0 : i32
    %eq3A_130 = arith.cmpi eq, %arg0, %eq3A_129 : i32
    %jit3A = arith.constant 79 : i32
    %jit3A_131 = arith.constant 78 : i32
    %select_n3A = arith.select %eq3A_130, %jit3A, %jit3A_131 : i32
    %while3A = arith.constant 0 : i32
    %while3A_132 = arith.constant 0 : i32
    %while3A_133 = arith.subi %select_n3A, %while3A_132 : i32
    %while3A_134 = arith.addi %while3A_132, %while3A_133 : i32
    %while3A_135 = arith.constant 1 : i32
    %while3A_136 = arith.divsi %while3A_133, %while3A_135 : i32
    %while3A_137 = arith.muli %while3A_136, %while3A_135 : i32
    %while3A_138 = arith.addi %while3A_132, %while3A_137 : i32
    %while3A_139 = arith.constant 1 : i32
    scf.for %while3A_142 = %while3A_132 to %while3A_138 step %while3A_139  : i32 {
      %dma_wait3A_143 = arith.constant 0 : i32
      %dma_wait3A_144 = arith.constant 0 : i32
      %dma_wait3A_145 = tpu.memref_slice %arg9[%dma_wait3A_143, %dma_wait3A_144] : memref<157x128xi32, #tpu.memory_space<vmem>> -> memref<1x128xi32, #tpu.memory_space<vmem>>
      %dma_wait3A_146 = tpu.memref_squeeze %dma_wait3A_145 : memref<1x128xi32, #tpu.memory_space<vmem>> -> memref<128xi32, #tpu.memory_space<vmem>>
      %dma_wait3A_147 = arith.constant 0 : i32
      %dma_wait3A_148 = tpu.memref_slice %arg16[%dma_wait3A_147] : memref<10240xf32, #tpu.memory_space<vmem_shared>> -> memref<10240xf32, #tpu.memory_space<vmem_shared>>
      tpu.wait_indirect_dma semaphore(%arg25 : memref<!tpu.dma_semaphore, #tpu.memory_space<semaphore_mem>>) src(%arg14 : memref<128xf32, #tpu.memory_space<vmem>>) dst(%dma_wait3A_148 : memref<10240xf32, #tpu.memory_space<vmem_shared>>)
    }
    %while3A_140 = arith.constant 1 : i32
    scf.for %while3A_142 = %while3A_138 to %while3A_134 step %while3A_140  : i32 {
      %dma_wait3A_143 = arith.constant 0 : i32
      %dma_wait3A_144 = arith.constant 0 : i32
      %dma_wait3A_145 = tpu.memref_slice %arg9[%dma_wait3A_143, %dma_wait3A_144] : memref<157x128xi32, #tpu.memory_space<vmem>> -> memref<1x128xi32, #tpu.memory_space<vmem>>
      %dma_wait3A_146 = tpu.memref_squeeze %dma_wait3A_145 : memref<1x128xi32, #tpu.memory_space<vmem>> -> memref<128xi32, #tpu.memory_space<vmem>>
      %dma_wait3A_147 = arith.constant 0 : i32
      %dma_wait3A_148 = tpu.memref_slice %arg16[%dma_wait3A_147] : memref<10240xf32, #tpu.memory_space<vmem_shared>> -> memref<10240xf32, #tpu.memory_space<vmem_shared>>
      tpu.wait_indirect_dma semaphore(%arg25 : memref<!tpu.dma_semaphore, #tpu.memory_space<semaphore_mem>>) src(%arg14 : memref<128xf32, #tpu.memory_space<vmem>>) dst(%dma_wait3A_148 : memref<10240xf32, #tpu.memory_space<vmem_shared>>)
    }
    %barrier3A_141 = arith.constant 0 : index
    tpu.barrier barrier_id(%barrier3A_141)
    "tpu.region"() ({
      %run_scoped3A_142 = tpu.sem_alloc : memref<!tpu.dma_semaphore, #tpu.memory_space<semaphore_mem>>
      %dma_start3A_143 = arith.constant 0 : i32
      %dma_start3A_144 = tpu.memref_slice %arg6[%arg0, %mul3A_51, %dma_start3A_143] : memref<2x10240x64xf32, #tpu.memory_space<hbm>> -> memref<1x640x64xf32, #tpu.memory_space<hbm>>
      %dma_start3A_145 = tpu.memref_squeeze %dma_start3A_144 : memref<1x640x64xf32, #tpu.memory_space<hbm>> -> memref<640x64xf32, #tpu.memory_space<hbm>>
      %dma_start3A_146 = arith.constant 0 : i32
      %dma_start3A_147 = tpu.memref_slice %arg15[%mul3A_51, %dma_start3A_146] : memref<10240x64xf32, #tpu.memory_space<vmem_shared>> -> memref<640x64xf32, #tpu.memory_space<vmem_shared>>
      tpu.enqueue_dma source(%dma_start3A_147 : memref<640x64xf32, #tpu.memory_space<vmem_shared>>) target(%dma_start3A_145 : memref<640x64xf32, #tpu.memory_space<hbm>>) target_semaphore(%run_scoped3A_142 : memref<!tpu.dma_semaphore, #tpu.memory_space<semaphore_mem>>)
      %dma_wait3A_148 = arith.constant 0 : i32
      %dma_wait3A_149 = tpu.memref_slice %arg6[%arg0, %mul3A_51, %dma_wait3A_148] : memref<2x10240x64xf32, #tpu.memory_space<hbm>> -> memref<1x640x64xf32, #tpu.memory_space<hbm>>
      %dma_wait3A_150 = tpu.memref_squeeze %dma_wait3A_149 : memref<1x640x64xf32, #tpu.memory_space<hbm>> -> memref<640x64xf32, #tpu.memory_space<hbm>>
      %dma_wait3A_151 = arith.constant 0 : i32
      %dma_wait3A_152 = tpu.memref_slice %arg15[%mul3A_51, %dma_wait3A_151] : memref<10240x64xf32, #tpu.memory_space<vmem_shared>> -> memref<640x64xf32, #tpu.memory_space<vmem_shared>>
      tpu.wait_dma2 semaphore(%run_scoped3A_142 : memref<!tpu.dma_semaphore, #tpu.memory_space<semaphore_mem>>) src(%dma_wait3A_152 : memref<640x64xf32, #tpu.memory_space<vmem_shared>>) dst(%dma_wait3A_150 : memref<640x64xf32, #tpu.memory_space<hbm>>)
      tpu.yield
    }) : () -> ()
    "tpu.region"() ({
      %run_scoped3A_142 = tpu.sem_alloc : memref<!tpu.dma_semaphore, #tpu.memory_space<semaphore_mem>>
      %dma_start3A_143 = tpu.memref_slice %arg7[%arg0, %mul3A_51] : memref<2x10240xf32, #tpu.memory_space<hbm>> -> memref<1x640xf32, #tpu.memory_space<hbm>>
      %dma_start3A_144 = tpu.memref_squeeze %dma_start3A_143 : memref<1x640xf32, #tpu.memory_space<hbm>> -> memref<640xf32, #tpu.memory_space<hbm>>
      %dma_start3A_145 = tpu.memref_slice %arg16[%mul3A_51] : memref<10240xf32, #tpu.memory_space<vmem_shared>> -> memref<640xf32, #tpu.memory_space<vmem_shared>>
      tpu.enqueue_dma source(%dma_start3A_145 : memref<640xf32, #tpu.memory_space<vmem_shared>>) target(%dma_start3A_144 : memref<640xf32, #tpu.memory_space<hbm>>) target_semaphore(%run_scoped3A_142 : memref<!tpu.dma_semaphore, #tpu.memory_space<semaphore_mem>>)
      %dma_wait3A_146 = tpu.memref_slice %arg7[%arg0, %mul3A_51] : memref<2x10240xf32, #tpu.memory_space<hbm>> -> memref<1x640xf32, #tpu.memory_space<hbm>>
      %dma_wait3A_147 = tpu.memref_squeeze %dma_wait3A_146 : memref<1x640xf32, #tpu.memory_space<hbm>> -> memref<640xf32, #tpu.memory_space<hbm>>
      %dma_wait3A_148 = tpu.memref_slice %arg16[%mul3A_51] : memref<10240xf32, #tpu.memory_space<vmem_shared>> -> memref<640xf32, #tpu.memory_space<vmem_shared>>
      tpu.wait_dma2 semaphore(%run_scoped3A_142 : memref<!tpu.dma_semaphore, #tpu.memory_space<semaphore_mem>>) src(%dma_wait3A_148 : memref<640xf32, #tpu.memory_space<vmem_shared>>) dst(%dma_wait3A_147 : memref<640xf32, #tpu.memory_space<hbm>>)
      tpu.yield
    }) : () -> ()
    return
  }
}

#map = affine_map<(d0, d1) -> (0, 0)>
#map1 = affine_map<(d0, d1) -> (0, 0, 0)>
module attributes {stable_mosaic.version = 14 : i64} {
  func.func @_sc_aggregate_body(%arg0: i32, %arg1: i32, %arg2: memref<20000x64xf32, #tpu.memory_space<hbm>>, %arg3: memref<16x157x128xi32, #tpu.memory_space<hbm>>, %arg4: memref<16x157x128xi32, #tpu.memory_space<hbm>>, %arg5: memref<16x157x128xi32, #tpu.memory_space<hbm>>, %arg6: memref<2x10240x64xf32, #tpu.memory_space<hbm>>, %arg7: memref<2x10240xf32, #tpu.memory_space<hbm>>, %arg8: memref<157x128xi32, #tpu.memory_space<vmem>>, %arg9: memref<157x128xi32, #tpu.memory_space<vmem>>, %arg10: memref<128x64xf32, #tpu.memory_space<vmem>>, %arg11: memref<128x64xf32, #tpu.memory_space<vmem>>, %arg12: memref<128x64xf32, #tpu.memory_space<vmem>>, %arg13: memref<128x64xf32, #tpu.memory_space<vmem>>, %arg14: memref<128xf32, #tpu.memory_space<vmem>>, %arg15: memref<10240x64xf32, #tpu.memory_space<vmem_shared>>, %arg16: memref<10240xf32, #tpu.memory_space<vmem_shared>>, %arg17: memref<!tpu.dma_semaphore, #tpu.memory_space<semaphore_mem>>, %arg18: memref<!tpu.dma_semaphore, #tpu.memory_space<semaphore_mem>>, %arg19: memref<!tpu.dma_semaphore, #tpu.memory_space<semaphore_mem>>, %arg20: memref<!tpu.dma_semaphore, #tpu.memory_space<semaphore_mem>>, %arg21: memref<!tpu.dma_semaphore, #tpu.memory_space<semaphore_mem>>, %arg22: memref<!tpu.dma_semaphore, #tpu.memory_space<semaphore_mem>>, %arg23: memref<!tpu.dma_semaphore, #tpu.memory_space<semaphore_mem>>, %arg24: memref<!tpu.dma_semaphore, #tpu.memory_space<semaphore_mem>>, %arg25: memref<!tpu.dma_semaphore, #tpu.memory_space<semaphore_mem>>) attributes {dimension_semantics = [#tpu.dimension_semantics<core_parallel>, #tpu.dimension_semantics<subcore_parallel>], iteration_bounds = array<i64: 2, 16>, scalar_prefetch = 0 : i64, scratch_operands = 18 : i64, tpu.core_type = #tpu.core_type<sc_vector_subcore>, window_params = [{transform_indices = #map}, {transform_indices = #map1}, {transform_indices = #map1}, {transform_indices = #map1}, {transform_indices = #map1}, {transform_indices = #map}]} {
    %scan3A = arith.constant 0 : i32
    %scan3A_0 = arith.constant 0 : i32
    %scan3A_1 = arith.constant 128 : i32
    %scan3A_2 = arith.addi %scan3A_0, %scan3A_1 : i32
    %scan3A_3 = arith.constant 1 : i32
    scf.for %scan3A_142 = %scan3A_0 to %scan3A_2 step %scan3A_3  : i32 {
      %broadcast_in_dim3A_143 = arith.constant 0.000000e+00 : f32
      %broadcast_in_dim3A_144 = vector.broadcast %broadcast_in_dim3A_143 : f32 to vector<16xf32>
      %swap3A_145 = arith.index_cast %scan3A_142 : i32 to index
      %swap3A_146 = arith.constant 0 : index
      %swap3A_147 = tpu.vector_load %arg10[%swap3A_145, %swap3A_146] {strides = array<i32>} : memref<128x64xf32, #tpu.memory_space<vmem>>, vector<1x16xf32>,
      %swap3A_148 = vector.shape_cast %swap3A_147 : vector<1x16xf32> to vector<16xf32>
      %swap3A_149 = vector.shape_cast %broadcast_in_dim3A_144 : vector<16xf32> to vector<1x16xf32>
      tpu.vector_store %arg10[%swap3A_145, %swap3A_146], %swap3A_149 {strides = array<i32>} : memref<128x64xf32, #tpu.memory_space<vmem>>, vector<1x16xf32>,
      %broadcast_in_dim3A_150 = arith.constant 0.000000e+00 : f32
      %broadcast_in_dim3A_151 = vector.broadcast %broadcast_in_dim3A_150 : f32 to vector<16xf32>
      %swap3A_152 = arith.index_cast %scan3A_142 : i32 to index
      %swap3A_153 = arith.constant 16 : index
      %swap3A_154 = tpu.vector_load %arg10[%swap3A_152, %swap3A_153] {strides = array<i32>} : memref<128x64xf32, #tpu.memory_space<vmem>>, vector<1x16xf32>,
      %swap3A_155 = vector.shape_cast %swap3A_154 : vector<1x16xf32> to vector<16xf32>
      %swap3A_156 = vector.shape_cast %broadcast_in_dim3A_151 : vector<16xf32> to vector<1x16xf32>
      tpu.vector_store %arg10[%swap3A_152, %swap3A_153], %swap3A_156 {strides = array<i32>} : memref<128x64xf32, #tpu.memory_space<vmem>>, vector<1x16xf32>,
      %broadcast_in_dim3A_157 = arith.constant 0.000000e+00 : f32
      %broadcast_in_dim3A_158 = vector.broadcast %broadcast_in_dim3A_157 : f32 to vector<16xf32>
      %swap3A_159 = arith.index_cast %scan3A_142 : i32 to index
      %swap3A_160 = arith.constant 32 : index
      %swap3A_161 = tpu.vector_load %arg10[%swap3A_159, %swap3A_160] {strides = array<i32>} : memref<128x64xf32, #tpu.memory_space<vmem>>, vector<1x16xf32>,
      %swap3A_162 = vector.shape_cast %swap3A_161 : vector<1x16xf32> to vector<16xf32>
      %swap3A_163 = vector.shape_cast %broadcast_in_dim3A_158 : vector<16xf32> to vector<1x16xf32>
      tpu.vector_store %arg10[%swap3A_159, %swap3A_160], %swap3A_163 {strides = array<i32>} : memref<128x64xf32, #tpu.memory_space<vmem>>, vector<1x16xf32>,
      %broadcast_in_dim3A_164 = arith.constant 0.000000e+00 : f32
      %broadcast_in_dim3A_165 = vector.broadcast %broadcast_in_dim3A_164 : f32 to vector<16xf32>
      %swap3A_166 = arith.index_cast %scan3A_142 : i32 to index
      %swap3A_167 = arith.constant 48 : index
      %swap3A_168 = tpu.vector_load %arg10[%swap3A_166, %swap3A_167] {strides = array<i32>} : memref<128x64xf32, #tpu.memory_space<vmem>>, vector<1x16xf32>,
      %swap3A_169 = vector.shape_cast %swap3A_168 : vector<1x16xf32> to vector<16xf32>
      %swap3A_170 = vector.shape_cast %broadcast_in_dim3A_165 : vector<16xf32> to vector<1x16xf32>
      tpu.vector_store %arg10[%swap3A_166, %swap3A_167], %swap3A_170 {strides = array<i32>} : memref<128x64xf32, #tpu.memory_space<vmem>>, vector<1x16xf32>,
    }
    %scan3A_4 = arith.constant 128 : i32
    %broadcast_in_dim3A = arith.constant 1.000000e+00 : f32
    %broadcast_in_dim3A_5 = vector.broadcast %broadcast_in_dim3A : f32 to vector<16xf32>
    %swap3A = arith.constant 0 : index
    %swap3A_6 = tpu.vector_load %arg14[%swap3A] {strides = array<i32>} : memref<128xf32, #tpu.memory_space<vmem>>, vector<16xf32>,
    %swap3A_7 = vector.shape_cast %swap3A_6 : vector<16xf32> to vector<16xf32>
    %swap3A_8 = vector.shape_cast %broadcast_in_dim3A_5 : vector<16xf32> to vector<16xf32>
    tpu.vector_store %arg14[%swap3A], %swap3A_8 {strides = array<i32>} : memref<128xf32, #tpu.memory_space<vmem>>, vector<16xf32>,
    %broadcast_in_dim3A_9 = arith.constant 1.000000e+00 : f32
    %broadcast_in_dim3A_10 = vector.broadcast %broadcast_in_dim3A_9 : f32 to vector<16xf32>
    %swap3A_11 = arith.constant 16 : index
    %swap3A_12 = tpu.vector_load %arg14[%swap3A_11] {strides = array<i32>} : memref<128xf32, #tpu.memory_space<vmem>>, vector<16xf32>,
    %swap3A_13 = vector.shape_cast %swap3A_12 : vector<16xf32> to vector<16xf32>
    %swap3A_14 = vector.shape_cast %broadcast_in_dim3A_10 : vector<16xf32> to vector<16xf32>
    tpu.vector_store %arg14[%swap3A_11], %swap3A_14 {strides = array<i32>} : memref<128xf32, #tpu.memory_space<vmem>>, vector<16xf32>,
    %broadcast_in_dim3A_15 = arith.constant 1.000000e+00 : f32
    %broadcast_in_dim3A_16 = vector.broadcast %broadcast_in_dim3A_15 : f32 to vector<16xf32>
    %swap3A_17 = arith.constant 32 : index
    %swap3A_18 = tpu.vector_load %arg14[%swap3A_17] {strides = array<i32>} : memref<128xf32, #tpu.memory_space<vmem>>, vector<16xf32>,
    %swap3A_19 = vector.shape_cast %swap3A_18 : vector<16xf32> to vector<16xf32>
    %swap3A_20 = vector.shape_cast %broadcast_in_dim3A_16 : vector<16xf32> to vector<16xf32>
    tpu.vector_store %arg14[%swap3A_17], %swap3A_20 {strides = array<i32>} : memref<128xf32, #tpu.memory_space<vmem>>, vector<16xf32>,
    %broadcast_in_dim3A_21 = arith.constant 1.000000e+00 : f32
    %broadcast_in_dim3A_22 = vector.broadcast %broadcast_in_dim3A_21 : f32 to vector<16xf32>
    %swap3A_23 = arith.constant 48 : index
    %swap3A_24 = tpu.vector_load %arg14[%swap3A_23] {strides = array<i32>} : memref<128xf32, #tpu.memory_space<vmem>>, vector<16xf32>,
    %swap3A_25 = vector.shape_cast %swap3A_24 : vector<16xf32> to vector<16xf32>
    %swap3A_26 = vector.shape_cast %broadcast_in_dim3A_22 : vector<16xf32> to vector<16xf32>
    tpu.vector_store %arg14[%swap3A_23], %swap3A_26 {strides = array<i32>} : memref<128xf32, #tpu.memory_space<vmem>>, vector<16xf32>,
    %broadcast_in_dim3A_27 = arith.constant 1.000000e+00 : f32
    %broadcast_in_dim3A_28 = vector.broadcast %broadcast_in_dim3A_27 : f32 to vector<16xf32>
    %swap3A_29 = arith.constant 64 : index
    %swap3A_30 = tpu.vector_load %arg14[%swap3A_29] {strides = array<i32>} : memref<128xf32, #tpu.memory_space<vmem>>, vector<16xf32>,
    %swap3A_31 = vector.shape_cast %swap3A_30 : vector<16xf32> to vector<16xf32>
    %swap3A_32 = vector.shape_cast %broadcast_in_dim3A_28 : vector<16xf32> to vector<16xf32>
    tpu.vector_store %arg14[%swap3A_29], %swap3A_32 {strides = array<i32>} : memref<128xf32, #tpu.memory_space<vmem>>, vector<16xf32>,
    %broadcast_in_dim3A_33 = arith.constant 1.000000e+00 : f32
    %broadcast_in_dim3A_34 = vector.broadcast %broadcast_in_dim3A_33 : f32 to vector<16xf32>
    %swap3A_35 = arith.constant 80 : index
    %swap3A_36 = tpu.vector_load %arg14[%swap3A_35] {strides = array<i32>} : memref<128xf32, #tpu.memory_space<vmem>>, vector<16xf32>,
    %swap3A_37 = vector.shape_cast %swap3A_36 : vector<16xf32> to vector<16xf32>
    %swap3A_38 = vector.shape_cast %broadcast_in_dim3A_34 : vector<16xf32> to vector<16xf32>
    tpu.vector_store %arg14[%swap3A_35], %swap3A_38 {strides = array<i32>} : memref<128xf32, #tpu.memory_space<vmem>>, vector<16xf32>,
    %broadcast_in_dim3A_39 = arith.constant 1.000000e+00 : f32
    %broadcast_in_dim3A_40 = vector.broadcast %broadcast_in_dim3A_39 : f32 to vector<16xf32>
    %swap3A_41 = arith.constant 96 : index
    %swap3A_42 = tpu.vector_load %arg14[%swap3A_41] {strides = array<i32>} : memref<128xf32, #tpu.memory_space<vmem>>, vector<16xf32>,
    %swap3A_43 = vector.shape_cast %swap3A_42 : vector<16xf32> to vector<16xf32>
    %swap3A_44 = vector.shape_cast %broadcast_in_dim3A_40 : vector<16xf32> to vector<16xf32>
    tpu.vector_store %arg14[%swap3A_41], %swap3A_44 {strides = array<i32>} : memref<128xf32, #tpu.memory_space<vmem>>, vector<16xf32>,
    %broadcast_in_dim3A_45 = arith.constant 1.000000e+00 : f32
    %broadcast_in_dim3A_46 = vector.broadcast %broadcast_in_dim3A_45 : f32 to vector<16xf32>
    %swap3A_47 = arith.constant 112 : index
    %swap3A_48 = tpu.vector_load %arg14[%swap3A_47] {strides = array<i32>} : memref<128xf32, #tpu.memory_space<vmem>>, vector<16xf32>,
    %swap3A_49 = vector.shape_cast %swap3A_48 : vector<16xf32> to vector<16xf32>
    %swap3A_50 = vector.shape_cast %broadcast_in_dim3A_46 : vector<16xf32> to vector<16xf32>
    tpu.vector_store %arg14[%swap3A_47], %swap3A_50 {strides = array<i32>} : memref<128xf32, #tpu.memory_space<vmem>>, vector<16xf32>,
    %mul3A = arith.constant 640 : i32
    %mul3A_51 = arith.muli %arg1, %mul3A : i32
    %add3A = arith.constant 0 : i32
    %add3A_52 = arith.addi %mul3A_51, %add3A : i32
    "tpu.region"() ({
      %run_scoped3A_142 = tpu.sem_alloc : memref<!tpu.dma_semaphore, #tpu.memory_space<semaphore_mem>>
      %dma_start3A_143 = arith.constant 0 : i32
      %dma_start3A_144 = tpu.memref_slice %arg15[%add3A_52, %dma_start3A_143] : memref<10240x64xf32, #tpu.memory_space<vmem_shared>> -> memref<128x64xf32, #tpu.memory_space<vmem_shared>>
      %dma_start3A_145 = arith.constant 0 : i32
      %dma_start3A_146 = tpu.memref_slice %arg15[%add3A_52, %dma_start3A_145] : memref<10240x64xf32, #tpu.memory_space<vmem_shared>> -> memref<128x64xf32, #tpu.memory_space<vmem_shared>>
      tpu.enqueue_dma source(%arg10 : memref<128x64xf32, #tpu.memory_space<vmem>>) target(%dma_start3A_146 : memref<128x64xf32, #tpu.memory_space<vmem_shared>>) target_semaphore(%run_scoped3A_142 : memref<!tpu.dma_semaphore, #tpu.memory_space<semaphore_mem>>)
      %dma_wait3A_147 = arith.constant 0 : i32
      %dma_wait3A_148 = tpu.memref_slice %arg15[%add3A_52, %dma_wait3A_147] : memref<10240x64xf32, #tpu.memory_space<vmem_shared>> -> memref<128x64xf32, #tpu.memory_space<vmem_shared>>
      %dma_wait3A_149 = arith.constant 0 : i32
      %dma_wait3A_150 = tpu.memref_slice %arg15[%add3A_52, %dma_wait3A_149] : memref<10240x64xf32, #tpu.memory_space<vmem_shared>> -> memref<128x64xf32, #tpu.memory_space<vmem_shared>>
      tpu.wait_dma2 semaphore(%run_scoped3A_142 : memref<!tpu.dma_semaphore, #tpu.memory_space<semaphore_mem>>) src(%arg10 : memref<128x64xf32, #tpu.memory_space<vmem>>) dst(%dma_wait3A_150 : memref<128x64xf32, #tpu.memory_space<vmem_shared>>)
      tpu.yield
    }) : () -> ()
    %add3A_53 = arith.constant 128 : i32
    %add3A_54 = arith.addi %mul3A_51, %add3A_53 : i32
    "tpu.region"() ({
      %run_scoped3A_142 = tpu.sem_alloc : memref<!tpu.dma_semaphore, #tpu.memory_space<semaphore_mem>>
      %dma_start3A_143 = arith.constant 0 : i32
      %dma_start3A_144 = tpu.memref_slice %arg15[%add3A_54, %dma_start3A_143] : memref<10240x64xf32, #tpu.memory_space<vmem_shared>> -> memref<128x64xf32, #tpu.memory_space<vmem_shared>>
      %dma_start3A_145 = arith.constant 0 : i32
      %dma_start3A_146 = tpu.memref_slice %arg15[%add3A_54, %dma_start3A_145] : memref<10240x64xf32, #tpu.memory_space<vmem_shared>> -> memref<128x64xf32, #tpu.memory_space<vmem_shared>>
      tpu.enqueue_dma source(%arg10 : memref<128x64xf32, #tpu.memory_space<vmem>>) target(%dma_start3A_146 : memref<128x64xf32, #tpu.memory_space<vmem_shared>>) target_semaphore(%run_scoped3A_142 : memref<!tpu.dma_semaphore, #tpu.memory_space<semaphore_mem>>)
      %dma_wait3A_147 = arith.constant 0 : i32
      %dma_wait3A_148 = tpu.memref_slice %arg15[%add3A_54, %dma_wait3A_147] : memref<10240x64xf32, #tpu.memory_space<vmem_shared>> -> memref<128x64xf32, #tpu.memory_space<vmem_shared>>
      %dma_wait3A_149 = arith.constant 0 : i32
      %dma_wait3A_150 = tpu.memref_slice %arg15[%add3A_54, %dma_wait3A_149] : memref<10240x64xf32, #tpu.memory_space<vmem_shared>> -> memref<128x64xf32, #tpu.memory_space<vmem_shared>>
      tpu.wait_dma2 semaphore(%run_scoped3A_142 : memref<!tpu.dma_semaphore, #tpu.memory_space<semaphore_mem>>) src(%arg10 : memref<128x64xf32, #tpu.memory_space<vmem>>) dst(%dma_wait3A_150 : memref<128x64xf32, #tpu.memory_space<vmem_shared>>)
      tpu.yield
    }) : () -> ()
    %add3A_55 = arith.constant 256 : i32
    %add3A_56 = arith.addi %mul3A_51, %add3A_55 : i32
    "tpu.region"() ({
      %run_scoped3A_142 = tpu.sem_alloc : memref<!tpu.dma_semaphore, #tpu.memory_space<semaphore_mem>>
      %dma_start3A_143 = arith.constant 0 : i32
      %dma_start3A_144 = tpu.memref_slice %arg15[%add3A_56, %dma_start3A_143] : memref<10240x64xf32, #tpu.memory_space<vmem_shared>> -> memref<128x64xf32, #tpu.memory_space<vmem_shared>>
      %dma_start3A_145 = arith.constant 0 : i32
      %dma_start3A_146 = tpu.memref_slice %arg15[%add3A_56, %dma_start3A_145] : memref<10240x64xf32, #tpu.memory_space<vmem_shared>> -> memref<128x64xf32, #tpu.memory_space<vmem_shared>>
      tpu.enqueue_dma source(%arg10 : memref<128x64xf32, #tpu.memory_space<vmem>>) target(%dma_start3A_146 : memref<128x64xf32, #tpu.memory_space<vmem_shared>>) target_semaphore(%run_scoped3A_142 : memref<!tpu.dma_semaphore, #tpu.memory_space<semaphore_mem>>)
      %dma_wait3A_147 = arith.constant 0 : i32
      %dma_wait3A_148 = tpu.memref_slice %arg15[%add3A_56, %dma_wait3A_147] : memref<10240x64xf32, #tpu.memory_space<vmem_shared>> -> memref<128x64xf32, #tpu.memory_space<vmem_shared>>
      %dma_wait3A_149 = arith.constant 0 : i32
      %dma_wait3A_150 = tpu.memref_slice %arg15[%add3A_56, %dma_wait3A_149] : memref<10240x64xf32, #tpu.memory_space<vmem_shared>> -> memref<128x64xf32, #tpu.memory_space<vmem_shared>>
      tpu.wait_dma2 semaphore(%run_scoped3A_142 : memref<!tpu.dma_semaphore, #tpu.memory_space<semaphore_mem>>) src(%arg10 : memref<128x64xf32, #tpu.memory_space<vmem>>) dst(%dma_wait3A_150 : memref<128x64xf32, #tpu.memory_space<vmem_shared>>)
      tpu.yield
    }) : () -> ()
    %add3A_57 = arith.constant 384 : i32
    %add3A_58 = arith.addi %mul3A_51, %add3A_57 : i32
    "tpu.region"() ({
      %run_scoped3A_142 = tpu.sem_alloc : memref<!tpu.dma_semaphore, #tpu.memory_space<semaphore_mem>>
      %dma_start3A_143 = arith.constant 0 : i32
      %dma_start3A_144 = tpu.memref_slice %arg15[%add3A_58, %dma_start3A_143] : memref<10240x64xf32, #tpu.memory_space<vmem_shared>> -> memref<128x64xf32, #tpu.memory_space<vmem_shared>>
      %dma_start3A_145 = arith.constant 0 : i32
      %dma_start3A_146 = tpu.memref_slice %arg15[%add3A_58, %dma_start3A_145] : memref<10240x64xf32, #tpu.memory_space<vmem_shared>> -> memref<128x64xf32, #tpu.memory_space<vmem_shared>>
      tpu.enqueue_dma source(%arg10 : memref<128x64xf32, #tpu.memory_space<vmem>>) target(%dma_start3A_146 : memref<128x64xf32, #tpu.memory_space<vmem_shared>>) target_semaphore(%run_scoped3A_142 : memref<!tpu.dma_semaphore, #tpu.memory_space<semaphore_mem>>)
      %dma_wait3A_147 = arith.constant 0 : i32
      %dma_wait3A_148 = tpu.memref_slice %arg15[%add3A_58, %dma_wait3A_147] : memref<10240x64xf32, #tpu.memory_space<vmem_shared>> -> memref<128x64xf32, #tpu.memory_space<vmem_shared>>
      %dma_wait3A_149 = arith.constant 0 : i32
      %dma_wait3A_150 = tpu.memref_slice %arg15[%add3A_58, %dma_wait3A_149] : memref<10240x64xf32, #tpu.memory_space<vmem_shared>> -> memref<128x64xf32, #tpu.memory_space<vmem_shared>>
      tpu.wait_dma2 semaphore(%run_scoped3A_142 : memref<!tpu.dma_semaphore, #tpu.memory_space<semaphore_mem>>) src(%arg10 : memref<128x64xf32, #tpu.memory_space<vmem>>) dst(%dma_wait3A_150 : memref<128x64xf32, #tpu.memory_space<vmem_shared>>)
      tpu.yield
    }) : () -> ()
    %add3A_59 = arith.constant 512 : i32
    %add3A_60 = arith.addi %mul3A_51, %add3A_59 : i32
    "tpu.region"() ({
      %run_scoped3A_142 = tpu.sem_alloc : memref<!tpu.dma_semaphore, #tpu.memory_space<semaphore_mem>>
      %dma_start3A_143 = arith.constant 0 : i32
      %dma_start3A_144 = tpu.memref_slice %arg15[%add3A_60, %dma_start3A_143] : memref<10240x64xf32, #tpu.memory_space<vmem_shared>> -> memref<128x64xf32, #tpu.memory_space<vmem_shared>>
      %dma_start3A_145 = arith.constant 0 : i32
      %dma_start3A_146 = tpu.memref_slice %arg15[%add3A_60, %dma_start3A_145] : memref<10240x64xf32, #tpu.memory_space<vmem_shared>> -> memref<128x64xf32, #tpu.memory_space<vmem_shared>>
      tpu.enqueue_dma source(%arg10 : memref<128x64xf32, #tpu.memory_space<vmem>>) target(%dma_start3A_146 : memref<128x64xf32, #tpu.memory_space<vmem_shared>>) target_semaphore(%run_scoped3A_142 : memref<!tpu.dma_semaphore, #tpu.memory_space<semaphore_mem>>)
      %dma_wait3A_147 = arith.constant 0 : i32
      %dma_wait3A_148 = tpu.memref_slice %arg15[%add3A_60, %dma_wait3A_147] : memref<10240x64xf32, #tpu.memory_space<vmem_shared>> -> memref<128x64xf32, #tpu.memory_space<vmem_shared>>
      %dma_wait3A_149 = arith.constant 0 : i32
      %dma_wait3A_150 = tpu.memref_slice %arg15[%add3A_60, %dma_wait3A_149] : memref<10240x64xf32, #tpu.memory_space<vmem_shared>> -> memref<128x64xf32, #tpu.memory_space<vmem_shared>>
      tpu.wait_dma2 semaphore(%run_scoped3A_142 : memref<!tpu.dma_semaphore, #tpu.memory_space<semaphore_mem>>) src(%arg10 : memref<128x64xf32, #tpu.memory_space<vmem>>) dst(%dma_wait3A_150 : memref<128x64xf32, #tpu.memory_space<vmem_shared>>)
      tpu.yield
    }) : () -> ()
    %add3A_61 = arith.constant 0 : i32
    %add3A_62 = arith.addi %mul3A_51, %add3A_61 : i32
    %run_scoped3A = arith.constant 0 : i32
    "tpu.region"() ({
      %run_scoped3A_142 = tpu.sem_alloc : memref<!tpu.dma_semaphore, #tpu.memory_space<semaphore_mem>>
      %dma_start3A_143 = arith.constant 0 : i32
      %dma_start3A_144 = tpu.memref_slice %arg10[%run_scoped3A, %dma_start3A_143] : memref<128x64xf32, #tpu.memory_space<vmem>> -> memref<1x64xf32, #tpu.memory_space<vmem>>
      %dma_start3A_145 = tpu.memref_squeeze %dma_start3A_144 : memref<1x64xf32, #tpu.memory_space<vmem>> -> memref<64xf32, #tpu.memory_space<vmem>>
      %dma_start3A_146 = tpu.memref_slice %arg16[%add3A_62] : memref<10240xf32, #tpu.memory_space<vmem_shared>> -> memref<64xf32, #tpu.memory_space<vmem_shared>>
      %dma_start3A_147 = tpu.memref_slice %arg16[%add3A_62] : memref<10240xf32, #tpu.memory_space<vmem_shared>> -> memref<64xf32, #tpu.memory_space<vmem_shared>>
      %dma_start3A_148 = arith.constant 0 : i32
      %dma_start3A_149 = tpu.memref_slice %arg10[%run_scoped3A, %dma_start3A_148] : memref<128x64xf32, #tpu.memory_space<vmem>> -> memref<1x64xf32, #tpu.memory_space<vmem>>
      %dma_start3A_150 = tpu.memref_squeeze %dma_start3A_149 : memref<1x64xf32, #tpu.memory_space<vmem>> -> memref<64xf32, #tpu.memory_space<vmem>>
      tpu.enqueue_dma source(%dma_start3A_150 : memref<64xf32, #tpu.memory_space<vmem>>) target(%dma_start3A_147 : memref<64xf32, #tpu.memory_space<vmem_shared>>) target_semaphore(%run_scoped3A_142 : memref<!tpu.dma_semaphore, #tpu.memory_space<semaphore_mem>>)
      %dma_wait3A_151 = arith.constant 0 : i32
      %dma_wait3A_152 = tpu.memref_slice %arg10[%run_scoped3A, %dma_wait3A_151] : memref<128x64xf32, #tpu.memory_space<vmem>> -> memref<1x64xf32, #tpu.memory_space<vmem>>
      %dma_wait3A_153 = tpu.memref_squeeze %dma_wait3A_152 : memref<1x64xf32, #tpu.memory_space<vmem>> -> memref<64xf32, #tpu.memory_space<vmem>>
      %dma_wait3A_154 = tpu.memref_slice %arg16[%add3A_62] : memref<10240xf32, #tpu.memory_space<vmem_shared>> -> memref<64xf32, #tpu.memory_space<vmem_shared>>
      %dma_wait3A_155 = tpu.memref_slice %arg16[%add3A_62] : memref<10240xf32, #tpu.memory_space<vmem_shared>> -> memref<64xf32, #tpu.memory_space<vmem_shared>>
      %dma_wait3A_156 = arith.constant 0 : i32
      %dma_wait3A_157 = tpu.memref_slice %arg10[%run_scoped3A, %dma_wait3A_156] : memref<128x64xf32, #tpu.memory_space<vmem>> -> memref<1x64xf32, #tpu.memory_space<vmem>>
      %dma_wait3A_158 = tpu.memref_squeeze %dma_wait3A_157 : memref<1x64xf32, #tpu.memory_space<vmem>> -> memref<64xf32, #tpu.memory_space<vmem>>
      tpu.wait_dma2 semaphore(%run_scoped3A_142 : memref<!tpu.dma_semaphore, #tpu.memory_space<semaphore_mem>>) src(%dma_wait3A_158 : memref<64xf32, #tpu.memory_space<vmem>>) dst(%dma_wait3A_155 : memref<64xf32, #tpu.memory_space<vmem_shared>>)
      tpu.yield
    }) : () -> ()
    %add3A_63 = arith.constant 64 : i32
    %add3A_64 = arith.addi %mul3A_51, %add3A_63 : i32
    %run_scoped3A_65 = arith.constant 0 : i32
    "tpu.region"() ({
      %run_scoped3A_142 = tpu.sem_alloc : memref<!tpu.dma_semaphore, #tpu.memory_space<semaphore_mem>>
      %dma_start3A_143 = arith.constant 0 : i32
      %dma_start3A_144 = tpu.memref_slice %arg10[%run_scoped3A_65, %dma_start3A_143] : memref<128x64xf32, #tpu.memory_space<vmem>> -> memref<1x64xf32, #tpu.memory_space<vmem>>
      %dma_start3A_145 = tpu.memref_squeeze %dma_start3A_144 : memref<1x64xf32, #tpu.memory_space<vmem>> -> memref<64xf32, #tpu.memory_space<vmem>>
      %dma_start3A_146 = tpu.memref_slice %arg16[%add3A_64] : memref<10240xf32, #tpu.memory_space<vmem_shared>> -> memref<64xf32, #tpu.memory_space<vmem_shared>>
      %dma_start3A_147 = tpu.memref_slice %arg16[%add3A_64] : memref<10240xf32, #tpu.memory_space<vmem_shared>> -> memref<64xf32, #tpu.memory_space<vmem_shared>>
      %dma_start3A_148 = arith.constant 0 : i32
      %dma_start3A_149 = tpu.memref_slice %arg10[%run_scoped3A_65, %dma_start3A_148] : memref<128x64xf32, #tpu.memory_space<vmem>> -> memref<1x64xf32, #tpu.memory_space<vmem>>
      %dma_start3A_150 = tpu.memref_squeeze %dma_start3A_149 : memref<1x64xf32, #tpu.memory_space<vmem>> -> memref<64xf32, #tpu.memory_space<vmem>>
      tpu.enqueue_dma source(%dma_start3A_150 : memref<64xf32, #tpu.memory_space<vmem>>) target(%dma_start3A_147 : memref<64xf32, #tpu.memory_space<vmem_shared>>) target_semaphore(%run_scoped3A_142 : memref<!tpu.dma_semaphore, #tpu.memory_space<semaphore_mem>>)
      %dma_wait3A_151 = arith.constant 0 : i32
      %dma_wait3A_152 = tpu.memref_slice %arg10[%run_scoped3A_65, %dma_wait3A_151] : memref<128x64xf32, #tpu.memory_space<vmem>> -> memref<1x64xf32, #tpu.memory_space<vmem>>
      %dma_wait3A_153 = tpu.memref_squeeze %dma_wait3A_152 : memref<1x64xf32, #tpu.memory_space<vmem>> -> memref<64xf32, #tpu.memory_space<vmem>>
      %dma_wait3A_154 = tpu.memref_slice %arg16[%add3A_64] : memref<10240xf32, #tpu.memory_space<vmem_shared>> -> memref<64xf32, #tpu.memory_space<vmem_shared>>
      %dma_wait3A_155 = tpu.memref_slice %arg16[%add3A_64] : memref<10240xf32, #tpu.memory_space<vmem_shared>> -> memref<64xf32, #tpu.memory_space<vmem_shared>>
      %dma_wait3A_156 = arith.constant 0 : i32
      %dma_wait3A_157 = tpu.memref_slice %arg10[%run_scoped3A_65, %dma_wait3A_156] : memref<128x64xf32, #tpu.memory_space<vmem>> -> memref<1x64xf32, #tpu.memory_space<vmem>>
      %dma_wait3A_158 = tpu.memref_squeeze %dma_wait3A_157 : memref<1x64xf32, #tpu.memory_space<vmem>> -> memref<64xf32, #tpu.memory_space<vmem>>
      tpu.wait_dma2 semaphore(%run_scoped3A_142 : memref<!tpu.dma_semaphore, #tpu.memory_space<semaphore_mem>>) src(%dma_wait3A_158 : memref<64xf32, #tpu.memory_space<vmem>>) dst(%dma_wait3A_155 : memref<64xf32, #tpu.memory_space<vmem_shared>>)
      tpu.yield
    }) : () -> ()
    %add3A_66 = arith.constant 128 : i32
    %add3A_67 = arith.addi %mul3A_51, %add3A_66 : i32
    %run_scoped3A_68 = arith.constant 0 : i32
    "tpu.region"() ({
      %run_scoped3A_142 = tpu.sem_alloc : memref<!tpu.dma_semaphore, #tpu.memory_space<semaphore_mem>>
      %dma_start3A_143 = arith.constant 0 : i32
      %dma_start3A_144 = tpu.memref_slice %arg10[%run_scoped3A_68, %dma_start3A_143] : memref<128x64xf32, #tpu.memory_space<vmem>> -> memref<1x64xf32, #tpu.memory_space<vmem>>
      %dma_start3A_145 = tpu.memref_squeeze %dma_start3A_144 : memref<1x64xf32, #tpu.memory_space<vmem>> -> memref<64xf32, #tpu.memory_space<vmem>>
      %dma_start3A_146 = tpu.memref_slice %arg16[%add3A_67] : memref<10240xf32, #tpu.memory_space<vmem_shared>> -> memref<64xf32, #tpu.memory_space<vmem_shared>>
      %dma_start3A_147 = tpu.memref_slice %arg16[%add3A_67] : memref<10240xf32, #tpu.memory_space<vmem_shared>> -> memref<64xf32, #tpu.memory_space<vmem_shared>>
      %dma_start3A_148 = arith.constant 0 : i32
      %dma_start3A_149 = tpu.memref_slice %arg10[%run_scoped3A_68, %dma_start3A_148] : memref<128x64xf32, #tpu.memory_space<vmem>> -> memref<1x64xf32, #tpu.memory_space<vmem>>
      %dma_start3A_150 = tpu.memref_squeeze %dma_start3A_149 : memref<1x64xf32, #tpu.memory_space<vmem>> -> memref<64xf32, #tpu.memory_space<vmem>>
      tpu.enqueue_dma source(%dma_start3A_150 : memref<64xf32, #tpu.memory_space<vmem>>) target(%dma_start3A_147 : memref<64xf32, #tpu.memory_space<vmem_shared>>) target_semaphore(%run_scoped3A_142 : memref<!tpu.dma_semaphore, #tpu.memory_space<semaphore_mem>>)
      %dma_wait3A_151 = arith.constant 0 : i32
      %dma_wait3A_152 = tpu.memref_slice %arg10[%run_scoped3A_68, %dma_wait3A_151] : memref<128x64xf32, #tpu.memory_space<vmem>> -> memref<1x64xf32, #tpu.memory_space<vmem>>
      %dma_wait3A_153 = tpu.memref_squeeze %dma_wait3A_152 : memref<1x64xf32, #tpu.memory_space<vmem>> -> memref<64xf32, #tpu.memory_space<vmem>>
      %dma_wait3A_154 = tpu.memref_slice %arg16[%add3A_67] : memref<10240xf32, #tpu.memory_space<vmem_shared>> -> memref<64xf32, #tpu.memory_space<vmem_shared>>
      %dma_wait3A_155 = tpu.memref_slice %arg16[%add3A_67] : memref<10240xf32, #tpu.memory_space<vmem_shared>> -> memref<64xf32, #tpu.memory_space<vmem_shared>>
      %dma_wait3A_156 = arith.constant 0 : i32
      %dma_wait3A_157 = tpu.memref_slice %arg10[%run_scoped3A_68, %dma_wait3A_156] : memref<128x64xf32, #tpu.memory_space<vmem>> -> memref<1x64xf32, #tpu.memory_space<vmem>>
      %dma_wait3A_158 = tpu.memref_squeeze %dma_wait3A_157 : memref<1x64xf32, #tpu.memory_space<vmem>> -> memref<64xf32, #tpu.memory_space<vmem>>
      tpu.wait_dma2 semaphore(%run_scoped3A_142 : memref<!tpu.dma_semaphore, #tpu.memory_space<semaphore_mem>>) src(%dma_wait3A_158 : memref<64xf32, #tpu.memory_space<vmem>>) dst(%dma_wait3A_155 : memref<64xf32, #tpu.memory_space<vmem_shared>>)
      tpu.yield
    }) : () -> ()
    %add3A_69 = arith.constant 192 : i32
    %add3A_70 = arith.addi %mul3A_51, %add3A_69 : i32
    %run_scoped3A_71 = arith.constant 0 : i32
    "tpu.region"() ({
      %run_scoped3A_142 = tpu.sem_alloc : memref<!tpu.dma_semaphore, #tpu.memory_space<semaphore_mem>>
      %dma_start3A_143 = arith.constant 0 : i32
      %dma_start3A_144 = tpu.memref_slice %arg10[%run_scoped3A_71, %dma_start3A_143] : memref<128x64xf32, #tpu.memory_space<vmem>> -> memref<1x64xf32, #tpu.memory_space<vmem>>
      %dma_start3A_145 = tpu.memref_squeeze %dma_start3A_144 : memref<1x64xf32, #tpu.memory_space<vmem>> -> memref<64xf32, #tpu.memory_space<vmem>>
      %dma_start3A_146 = tpu.memref_slice %arg16[%add3A_70] : memref<10240xf32, #tpu.memory_space<vmem_shared>> -> memref<64xf32, #tpu.memory_space<vmem_shared>>
      %dma_start3A_147 = tpu.memref_slice %arg16[%add3A_70] : memref<10240xf32, #tpu.memory_space<vmem_shared>> -> memref<64xf32, #tpu.memory_space<vmem_shared>>
      %dma_start3A_148 = arith.constant 0 : i32
      %dma_start3A_149 = tpu.memref_slice %arg10[%run_scoped3A_71, %dma_start3A_148] : memref<128x64xf32, #tpu.memory_space<vmem>> -> memref<1x64xf32, #tpu.memory_space<vmem>>
      %dma_start3A_150 = tpu.memref_squeeze %dma_start3A_149 : memref<1x64xf32, #tpu.memory_space<vmem>> -> memref<64xf32, #tpu.memory_space<vmem>>
      tpu.enqueue_dma source(%dma_start3A_150 : memref<64xf32, #tpu.memory_space<vmem>>) target(%dma_start3A_147 : memref<64xf32, #tpu.memory_space<vmem_shared>>) target_semaphore(%run_scoped3A_142 : memref<!tpu.dma_semaphore, #tpu.memory_space<semaphore_mem>>)
      %dma_wait3A_151 = arith.constant 0 : i32
      %dma_wait3A_152 = tpu.memref_slice %arg10[%run_scoped3A_71, %dma_wait3A_151] : memref<128x64xf32, #tpu.memory_space<vmem>> -> memref<1x64xf32, #tpu.memory_space<vmem>>
      %dma_wait3A_153 = tpu.memref_squeeze %dma_wait3A_152 : memref<1x64xf32, #tpu.memory_space<vmem>> -> memref<64xf32, #tpu.memory_space<vmem>>
      %dma_wait3A_154 = tpu.memref_slice %arg16[%add3A_70] : memref<10240xf32, #tpu.memory_space<vmem_shared>> -> memref<64xf32, #tpu.memory_space<vmem_shared>>
      %dma_wait3A_155 = tpu.memref_slice %arg16[%add3A_70] : memref<10240xf32, #tpu.memory_space<vmem_shared>> -> memref<64xf32, #tpu.memory_space<vmem_shared>>
      %dma_wait3A_156 = arith.constant 0 : i32
      %dma_wait3A_157 = tpu.memref_slice %arg10[%run_scoped3A_71, %dma_wait3A_156] : memref<128x64xf32, #tpu.memory_space<vmem>> -> memref<1x64xf32, #tpu.memory_space<vmem>>
      %dma_wait3A_158 = tpu.memref_squeeze %dma_wait3A_157 : memref<1x64xf32, #tpu.memory_space<vmem>> -> memref<64xf32, #tpu.memory_space<vmem>>
      tpu.wait_dma2 semaphore(%run_scoped3A_142 : memref<!tpu.dma_semaphore, #tpu.memory_space<semaphore_mem>>) src(%dma_wait3A_158 : memref<64xf32, #tpu.memory_space<vmem>>) dst(%dma_wait3A_155 : memref<64xf32, #tpu.memory_space<vmem_shared>>)
      tpu.yield
    }) : () -> ()
    %add3A_72 = arith.constant 256 : i32
    %add3A_73 = arith.addi %mul3A_51, %add3A_72 : i32
    %run_scoped3A_74 = arith.constant 0 : i32
    "tpu.region"() ({
      %run_scoped3A_142 = tpu.sem_alloc : memref<!tpu.dma_semaphore, #tpu.memory_space<semaphore_mem>>
      %dma_start3A_143 = arith.constant 0 : i32
      %dma_start3A_144 = tpu.memref_slice %arg10[%run_scoped3A_74, %dma_start3A_143] : memref<128x64xf32, #tpu.memory_space<vmem>> -> memref<1x64xf32, #tpu.memory_space<vmem>>
      %dma_start3A_145 = tpu.memref_squeeze %dma_start3A_144 : memref<1x64xf32, #tpu.memory_space<vmem>> -> memref<64xf32, #tpu.memory_space<vmem>>
      %dma_start3A_146 = tpu.memref_slice %arg16[%add3A_73] : memref<10240xf32, #tpu.memory_space<vmem_shared>> -> memref<64xf32, #tpu.memory_space<vmem_shared>>
      %dma_start3A_147 = tpu.memref_slice %arg16[%add3A_73] : memref<10240xf32, #tpu.memory_space<vmem_shared>> -> memref<64xf32, #tpu.memory_space<vmem_shared>>
      %dma_start3A_148 = arith.constant 0 : i32
      %dma_start3A_149 = tpu.memref_slice %arg10[%run_scoped3A_74, %dma_start3A_148] : memref<128x64xf32, #tpu.memory_space<vmem>> -> memref<1x64xf32, #tpu.memory_space<vmem>>
      %dma_start3A_150 = tpu.memref_squeeze %dma_start3A_149 : memref<1x64xf32, #tpu.memory_space<vmem>> -> memref<64xf32, #tpu.memory_space<vmem>>
      tpu.enqueue_dma source(%dma_start3A_150 : memref<64xf32, #tpu.memory_space<vmem>>) target(%dma_start3A_147 : memref<64xf32, #tpu.memory_space<vmem_shared>>) target_semaphore(%run_scoped3A_142 : memref<!tpu.dma_semaphore, #tpu.memory_space<semaphore_mem>>)
      %dma_wait3A_151 = arith.constant 0 : i32
      %dma_wait3A_152 = tpu.memref_slice %arg10[%run_scoped3A_74, %dma_wait3A_151] : memref<128x64xf32, #tpu.memory_space<vmem>> -> memref<1x64xf32, #tpu.memory_space<vmem>>
      %dma_wait3A_153 = tpu.memref_squeeze %dma_wait3A_152 : memref<1x64xf32, #tpu.memory_space<vmem>> -> memref<64xf32, #tpu.memory_space<vmem>>
      %dma_wait3A_154 = tpu.memref_slice %arg16[%add3A_73] : memref<10240xf32, #tpu.memory_space<vmem_shared>> -> memref<64xf32, #tpu.memory_space<vmem_shared>>
      %dma_wait3A_155 = tpu.memref_slice %arg16[%add3A_73] : memref<10240xf32, #tpu.memory_space<vmem_shared>> -> memref<64xf32, #tpu.memory_space<vmem_shared>>
      %dma_wait3A_156 = arith.constant 0 : i32
      %dma_wait3A_157 = tpu.memref_slice %arg10[%run_scoped3A_74, %dma_wait3A_156] : memref<128x64xf32, #tpu.memory_space<vmem>> -> memref<1x64xf32, #tpu.memory_space<vmem>>
      %dma_wait3A_158 = tpu.memref_squeeze %dma_wait3A_157 : memref<1x64xf32, #tpu.memory_space<vmem>> -> memref<64xf32, #tpu.memory_space<vmem>>
      tpu.wait_dma2 semaphore(%run_scoped3A_142 : memref<!tpu.dma_semaphore, #tpu.memory_space<semaphore_mem>>) src(%dma_wait3A_158 : memref<64xf32, #tpu.memory_space<vmem>>) dst(%dma_wait3A_155 : memref<64xf32, #tpu.memory_space<vmem_shared>>)
      tpu.yield
    }) : () -> ()
    %add3A_75 = arith.constant 320 : i32
    %add3A_76 = arith.addi %mul3A_51, %add3A_75 : i32
    %run_scoped3A_77 = arith.constant 0 : i32
    "tpu.region"() ({
      %run_scoped3A_142 = tpu.sem_alloc : memref<!tpu.dma_semaphore, #tpu.memory_space<semaphore_mem>>
      %dma_start3A_143 = arith.constant 0 : i32
      %dma_start3A_144 = tpu.memref_slice %arg10[%run_scoped3A_77, %dma_start3A_143] : memref<128x64xf32, #tpu.memory_space<vmem>> -> memref<1x64xf32, #tpu.memory_space<vmem>>
      %dma_start3A_145 = tpu.memref_squeeze %dma_start3A_144 : memref<1x64xf32, #tpu.memory_space<vmem>> -> memref<64xf32, #tpu.memory_space<vmem>>
      %dma_start3A_146 = tpu.memref_slice %arg16[%add3A_76] : memref<10240xf32, #tpu.memory_space<vmem_shared>> -> memref<64xf32, #tpu.memory_space<vmem_shared>>
      %dma_start3A_147 = tpu.memref_slice %arg16[%add3A_76] : memref<10240xf32, #tpu.memory_space<vmem_shared>> -> memref<64xf32, #tpu.memory_space<vmem_shared>>
      %dma_start3A_148 = arith.constant 0 : i32
      %dma_start3A_149 = tpu.memref_slice %arg10[%run_scoped3A_77, %dma_start3A_148] : memref<128x64xf32, #tpu.memory_space<vmem>> -> memref<1x64xf32, #tpu.memory_space<vmem>>
      %dma_start3A_150 = tpu.memref_squeeze %dma_start3A_149 : memref<1x64xf32, #tpu.memory_space<vmem>> -> memref<64xf32, #tpu.memory_space<vmem>>
      tpu.enqueue_dma source(%dma_start3A_150 : memref<64xf32, #tpu.memory_space<vmem>>) target(%dma_start3A_147 : memref<64xf32, #tpu.memory_space<vmem_shared>>) target_semaphore(%run_scoped3A_142 : memref<!tpu.dma_semaphore, #tpu.memory_space<semaphore_mem>>)
      %dma_wait3A_151 = arith.constant 0 : i32
      %dma_wait3A_152 = tpu.memref_slice %arg10[%run_scoped3A_77, %dma_wait3A_151] : memref<128x64xf32, #tpu.memory_space<vmem>> -> memref<1x64xf32, #tpu.memory_space<vmem>>
      %dma_wait3A_153 = tpu.memref_squeeze %dma_wait3A_152 : memref<1x64xf32, #tpu.memory_space<vmem>> -> memref<64xf32, #tpu.memory_space<vmem>>
      %dma_wait3A_154 = tpu.memref_slice %arg16[%add3A_76] : memref<10240xf32, #tpu.memory_space<vmem_shared>> -> memref<64xf32, #tpu.memory_space<vmem_shared>>
      %dma_wait3A_155 = tpu.memref_slice %arg16[%add3A_76] : memref<10240xf32, #tpu.memory_space<vmem_shared>> -> memref<64xf32, #tpu.memory_space<vmem_shared>>
      %dma_wait3A_156 = arith.constant 0 : i32
      %dma_wait3A_157 = tpu.memref_slice %arg10[%run_scoped3A_77, %dma_wait3A_156] : memref<128x64xf32, #tpu.memory_space<vmem>> -> memref<1x64xf32, #tpu.memory_space<vmem>>
      %dma_wait3A_158 = tpu.memref_squeeze %dma_wait3A_157 : memref<1x64xf32, #tpu.memory_space<vmem>> -> memref<64xf32, #tpu.memory_space<vmem>>
      tpu.wait_dma2 semaphore(%run_scoped3A_142 : memref<!tpu.dma_semaphore, #tpu.memory_space<semaphore_mem>>) src(%dma_wait3A_158 : memref<64xf32, #tpu.memory_space<vmem>>) dst(%dma_wait3A_155 : memref<64xf32, #tpu.memory_space<vmem_shared>>)
      tpu.yield
    }) : () -> ()
    %add3A_78 = arith.constant 384 : i32
    %add3A_79 = arith.addi %mul3A_51, %add3A_78 : i32
    %run_scoped3A_80 = arith.constant 0 : i32
    "tpu.region"() ({
      %run_scoped3A_142 = tpu.sem_alloc : memref<!tpu.dma_semaphore, #tpu.memory_space<semaphore_mem>>
      %dma_start3A_143 = arith.constant 0 : i32
      %dma_start3A_144 = tpu.memref_slice %arg10[%run_scoped3A_80, %dma_start3A_143] : memref<128x64xf32, #tpu.memory_space<vmem>> -> memref<1x64xf32, #tpu.memory_space<vmem>>
      %dma_start3A_145 = tpu.memref_squeeze %dma_start3A_144 : memref<1x64xf32, #tpu.memory_space<vmem>> -> memref<64xf32, #tpu.memory_space<vmem>>
      %dma_start3A_146 = tpu.memref_slice %arg16[%add3A_79] : memref<10240xf32, #tpu.memory_space<vmem_shared>> -> memref<64xf32, #tpu.memory_space<vmem_shared>>
      %dma_start3A_147 = tpu.memref_slice %arg16[%add3A_79] : memref<10240xf32, #tpu.memory_space<vmem_shared>> -> memref<64xf32, #tpu.memory_space<vmem_shared>>
      %dma_start3A_148 = arith.constant 0 : i32
      %dma_start3A_149 = tpu.memref_slice %arg10[%run_scoped3A_80, %dma_start3A_148] : memref<128x64xf32, #tpu.memory_space<vmem>> -> memref<1x64xf32, #tpu.memory_space<vmem>>
      %dma_start3A_150 = tpu.memref_squeeze %dma_start3A_149 : memref<1x64xf32, #tpu.memory_space<vmem>> -> memref<64xf32, #tpu.memory_space<vmem>>
      tpu.enqueue_dma source(%dma_start3A_150 : memref<64xf32, #tpu.memory_space<vmem>>) target(%dma_start3A_147 : memref<64xf32, #tpu.memory_space<vmem_shared>>) target_semaphore(%run_scoped3A_142 : memref<!tpu.dma_semaphore, #tpu.memory_space<semaphore_mem>>)
      %dma_wait3A_151 = arith.constant 0 : i32
      %dma_wait3A_152 = tpu.memref_slice %arg10[%run_scoped3A_80, %dma_wait3A_151] : memref<128x64xf32, #tpu.memory_space<vmem>> -> memref<1x64xf32, #tpu.memory_space<vmem>>
      %dma_wait3A_153 = tpu.memref_squeeze %dma_wait3A_152 : memref<1x64xf32, #tpu.memory_space<vmem>> -> memref<64xf32, #tpu.memory_space<vmem>>
      %dma_wait3A_154 = tpu.memref_slice %arg16[%add3A_79] : memref<10240xf32, #tpu.memory_space<vmem_shared>> -> memref<64xf32, #tpu.memory_space<vmem_shared>>
      %dma_wait3A_155 = tpu.memref_slice %arg16[%add3A_79] : memref<10240xf32, #tpu.memory_space<vmem_shared>> -> memref<64xf32, #tpu.memory_space<vmem_shared>>
      %dma_wait3A_156 = arith.constant 0 : i32
      %dma_wait3A_157 = tpu.memref_slice %arg10[%run_scoped3A_80, %dma_wait3A_156] : memref<128x64xf32, #tpu.memory_space<vmem>> -> memref<1x64xf32, #tpu.memory_space<vmem>>
      %dma_wait3A_158 = tpu.memref_squeeze %dma_wait3A_157 : memref<1x64xf32, #tpu.memory_space<vmem>> -> memref<64xf32, #tpu.memory_space<vmem>>
      tpu.wait_dma2 semaphore(%run_scoped3A_142 : memref<!tpu.dma_semaphore, #tpu.memory_space<semaphore_mem>>) src(%dma_wait3A_158 : memref<64xf32, #tpu.memory_space<vmem>>) dst(%dma_wait3A_155 : memref<64xf32, #tpu.memory_space<vmem_shared>>)
      tpu.yield
    }) : () -> ()
    %add3A_81 = arith.constant 448 : i32
    %add3A_82 = arith.addi %mul3A_51, %add3A_81 : i32
    %run_scoped3A_83 = arith.constant 0 : i32
    "tpu.region"() ({
      %run_scoped3A_142 = tpu.sem_alloc : memref<!tpu.dma_semaphore, #tpu.memory_space<semaphore_mem>>
      %dma_start3A_143 = arith.constant 0 : i32
      %dma_start3A_144 = tpu.memref_slice %arg10[%run_scoped3A_83, %dma_start3A_143] : memref<128x64xf32, #tpu.memory_space<vmem>> -> memref<1x64xf32, #tpu.memory_space<vmem>>
      %dma_start3A_145 = tpu.memref_squeeze %dma_start3A_144 : memref<1x64xf32, #tpu.memory_space<vmem>> -> memref<64xf32, #tpu.memory_space<vmem>>
      %dma_start3A_146 = tpu.memref_slice %arg16[%add3A_82] : memref<10240xf32, #tpu.memory_space<vmem_shared>> -> memref<64xf32, #tpu.memory_space<vmem_shared>>
      %dma_start3A_147 = tpu.memref_slice %arg16[%add3A_82] : memref<10240xf32, #tpu.memory_space<vmem_shared>> -> memref<64xf32, #tpu.memory_space<vmem_shared>>
      %dma_start3A_148 = arith.constant 0 : i32
      %dma_start3A_149 = tpu.memref_slice %arg10[%run_scoped3A_83, %dma_start3A_148] : memref<128x64xf32, #tpu.memory_space<vmem>> -> memref<1x64xf32, #tpu.memory_space<vmem>>
      %dma_start3A_150 = tpu.memref_squeeze %dma_start3A_149 : memref<1x64xf32, #tpu.memory_space<vmem>> -> memref<64xf32, #tpu.memory_space<vmem>>
      tpu.enqueue_dma source(%dma_start3A_150 : memref<64xf32, #tpu.memory_space<vmem>>) target(%dma_start3A_147 : memref<64xf32, #tpu.memory_space<vmem_shared>>) target_semaphore(%run_scoped3A_142 : memref<!tpu.dma_semaphore, #tpu.memory_space<semaphore_mem>>)
      %dma_wait3A_151 = arith.constant 0 : i32
      %dma_wait3A_152 = tpu.memref_slice %arg10[%run_scoped3A_83, %dma_wait3A_151] : memref<128x64xf32, #tpu.memory_space<vmem>> -> memref<1x64xf32, #tpu.memory_space<vmem>>
      %dma_wait3A_153 = tpu.memref_squeeze %dma_wait3A_152 : memref<1x64xf32, #tpu.memory_space<vmem>> -> memref<64xf32, #tpu.memory_space<vmem>>
      %dma_wait3A_154 = tpu.memref_slice %arg16[%add3A_82] : memref<10240xf32, #tpu.memory_space<vmem_shared>> -> memref<64xf32, #tpu.memory_space<vmem_shared>>
      %dma_wait3A_155 = tpu.memref_slice %arg16[%add3A_82] : memref<10240xf32, #tpu.memory_space<vmem_shared>> -> memref<64xf32, #tpu.memory_space<vmem_shared>>
      %dma_wait3A_156 = arith.constant 0 : i32
      %dma_wait3A_157 = tpu.memref_slice %arg10[%run_scoped3A_83, %dma_wait3A_156] : memref<128x64xf32, #tpu.memory_space<vmem>> -> memref<1x64xf32, #tpu.memory_space<vmem>>
      %dma_wait3A_158 = tpu.memref_squeeze %dma_wait3A_157 : memref<1x64xf32, #tpu.memory_space<vmem>> -> memref<64xf32, #tpu.memory_space<vmem>>
      tpu.wait_dma2 semaphore(%run_scoped3A_142 : memref<!tpu.dma_semaphore, #tpu.memory_space<semaphore_mem>>) src(%dma_wait3A_158 : memref<64xf32, #tpu.memory_space<vmem>>) dst(%dma_wait3A_155 : memref<64xf32, #tpu.memory_space<vmem_shared>>)
      tpu.yield
    }) : () -> ()
    %add3A_84 = arith.constant 512 : i32
    %add3A_85 = arith.addi %mul3A_51, %add3A_84 : i32
    %run_scoped3A_86 = arith.constant 0 : i32
    "tpu.region"() ({
      %run_scoped3A_142 = tpu.sem_alloc : memref<!tpu.dma_semaphore, #tpu.memory_space<semaphore_mem>>
      %dma_start3A_143 = arith.constant 0 : i32
      %dma_start3A_144 = tpu.memref_slice %arg10[%run_scoped3A_86, %dma_start3A_143] : memref<128x64xf32, #tpu.memory_space<vmem>> -> memref<1x64xf32, #tpu.memory_space<vmem>>
      %dma_start3A_145 = tpu.memref_squeeze %dma_start3A_144 : memref<1x64xf32, #tpu.memory_space<vmem>> -> memref<64xf32, #tpu.memory_space<vmem>>
      %dma_start3A_146 = tpu.memref_slice %arg16[%add3A_85] : memref<10240xf32, #tpu.memory_space<vmem_shared>> -> memref<64xf32, #tpu.memory_space<vmem_shared>>
      %dma_start3A_147 = tpu.memref_slice %arg16[%add3A_85] : memref<10240xf32, #tpu.memory_space<vmem_shared>> -> memref<64xf32, #tpu.memory_space<vmem_shared>>
      %dma_start3A_148 = arith.constant 0 : i32
      %dma_start3A_149 = tpu.memref_slice %arg10[%run_scoped3A_86, %dma_start3A_148] : memref<128x64xf32, #tpu.memory_space<vmem>> -> memref<1x64xf32, #tpu.memory_space<vmem>>
      %dma_start3A_150 = tpu.memref_squeeze %dma_start3A_149 : memref<1x64xf32, #tpu.memory_space<vmem>> -> memref<64xf32, #tpu.memory_space<vmem>>
      tpu.enqueue_dma source(%dma_start3A_150 : memref<64xf32, #tpu.memory_space<vmem>>) target(%dma_start3A_147 : memref<64xf32, #tpu.memory_space<vmem_shared>>) target_semaphore(%run_scoped3A_142 : memref<!tpu.dma_semaphore, #tpu.memory_space<semaphore_mem>>)
      %dma_wait3A_151 = arith.constant 0 : i32
      %dma_wait3A_152 = tpu.memref_slice %arg10[%run_scoped3A_86, %dma_wait3A_151] : memref<128x64xf32, #tpu.memory_space<vmem>> -> memref<1x64xf32, #tpu.memory_space<vmem>>
      %dma_wait3A_153 = tpu.memref_squeeze %dma_wait3A_152 : memref<1x64xf32, #tpu.memory_space<vmem>> -> memref<64xf32, #tpu.memory_space<vmem>>
      %dma_wait3A_154 = tpu.memref_slice %arg16[%add3A_85] : memref<10240xf32, #tpu.memory_space<vmem_shared>> -> memref<64xf32, #tpu.memory_space<vmem_shared>>
      %dma_wait3A_155 = tpu.memref_slice %arg16[%add3A_85] : memref<10240xf32, #tpu.memory_space<vmem_shared>> -> memref<64xf32, #tpu.memory_space<vmem_shared>>
      %dma_wait3A_156 = arith.constant 0 : i32
      %dma_wait3A_157 = tpu.memref_slice %arg10[%run_scoped3A_86, %dma_wait3A_156] : memref<128x64xf32, #tpu.memory_space<vmem>> -> memref<1x64xf32, #tpu.memory_space<vmem>>
      %dma_wait3A_158 = tpu.memref_squeeze %dma_wait3A_157 : memref<1x64xf32, #tpu.memory_space<vmem>> -> memref<64xf32, #tpu.memory_space<vmem>>
      tpu.wait_dma2 semaphore(%run_scoped3A_142 : memref<!tpu.dma_semaphore, #tpu.memory_space<semaphore_mem>>) src(%dma_wait3A_158 : memref<64xf32, #tpu.memory_space<vmem>>) dst(%dma_wait3A_155 : memref<64xf32, #tpu.memory_space<vmem_shared>>)
      tpu.yield
    }) : () -> ()
    %add3A_87 = arith.constant 576 : i32
    %add3A_88 = arith.addi %mul3A_51, %add3A_87 : i32
    %run_scoped3A_89 = arith.constant 0 : i32
    "tpu.region"() ({
      %run_scoped3A_142 = tpu.sem_alloc : memref<!tpu.dma_semaphore, #tpu.memory_space<semaphore_mem>>
      %dma_start3A_143 = arith.constant 0 : i32
      %dma_start3A_144 = tpu.memref_slice %arg10[%run_scoped3A_89, %dma_start3A_143] : memref<128x64xf32, #tpu.memory_space<vmem>> -> memref<1x64xf32, #tpu.memory_space<vmem>>
      %dma_start3A_145 = tpu.memref_squeeze %dma_start3A_144 : memref<1x64xf32, #tpu.memory_space<vmem>> -> memref<64xf32, #tpu.memory_space<vmem>>
      %dma_start3A_146 = tpu.memref_slice %arg16[%add3A_88] : memref<10240xf32, #tpu.memory_space<vmem_shared>> -> memref<64xf32, #tpu.memory_space<vmem_shared>>
      %dma_start3A_147 = tpu.memref_slice %arg16[%add3A_88] : memref<10240xf32, #tpu.memory_space<vmem_shared>> -> memref<64xf32, #tpu.memory_space<vmem_shared>>
      %dma_start3A_148 = arith.constant 0 : i32
      %dma_start3A_149 = tpu.memref_slice %arg10[%run_scoped3A_89, %dma_start3A_148] : memref<128x64xf32, #tpu.memory_space<vmem>> -> memref<1x64xf32, #tpu.memory_space<vmem>>
      %dma_start3A_150 = tpu.memref_squeeze %dma_start3A_149 : memref<1x64xf32, #tpu.memory_space<vmem>> -> memref<64xf32, #tpu.memory_space<vmem>>
      tpu.enqueue_dma source(%dma_start3A_150 : memref<64xf32, #tpu.memory_space<vmem>>) target(%dma_start3A_147 : memref<64xf32, #tpu.memory_space<vmem_shared>>) target_semaphore(%run_scoped3A_142 : memref<!tpu.dma_semaphore, #tpu.memory_space<semaphore_mem>>)
      %dma_wait3A_151 = arith.constant 0 : i32
      %dma_wait3A_152 = tpu.memref_slice %arg10[%run_scoped3A_89, %dma_wait3A_151] : memref<128x64xf32, #tpu.memory_space<vmem>> -> memref<1x64xf32, #tpu.memory_space<vmem>>
      %dma_wait3A_153 = tpu.memref_squeeze %dma_wait3A_152 : memref<1x64xf32, #tpu.memory_space<vmem>> -> memref<64xf32, #tpu.memory_space<vmem>>
      %dma_wait3A_154 = tpu.memref_slice %arg16[%add3A_88] : memref<10240xf32, #tpu.memory_space<vmem_shared>> -> memref<64xf32, #tpu.memory_space<vmem_shared>>
      %dma_wait3A_155 = tpu.memref_slice %arg16[%add3A_88] : memref<10240xf32, #tpu.memory_space<vmem_shared>> -> memref<64xf32, #tpu.memory_space<vmem_shared>>
      %dma_wait3A_156 = arith.constant 0 : i32
      %dma_wait3A_157 = tpu.memref_slice %arg10[%run_scoped3A_89, %dma_wait3A_156] : memref<128x64xf32, #tpu.memory_space<vmem>> -> memref<1x64xf32, #tpu.memory_space<vmem>>
      %dma_wait3A_158 = tpu.memref_squeeze %dma_wait3A_157 : memref<1x64xf32, #tpu.memory_space<vmem>> -> memref<64xf32, #tpu.memory_space<vmem>>
      tpu.wait_dma2 semaphore(%run_scoped3A_142 : memref<!tpu.dma_semaphore, #tpu.memory_space<semaphore_mem>>) src(%dma_wait3A_158 : memref<64xf32, #tpu.memory_space<vmem>>) dst(%dma_wait3A_155 : memref<64xf32, #tpu.memory_space<vmem_shared>>)
      tpu.yield
    }) : () -> ()
    %barrier3A = arith.constant 0 : index
    tpu.barrier barrier_id(%barrier3A)
    %eq3A = arith.constant 0 : i32
    %eq3A_90 = arith.cmpi eq, %arg0, %eq3A : i32
    %convert_element_type3A = arith.extui %eq3A_90 : i1 to i32
    %cond3A = arith.constant 0 : i32
    %cond3A_91 = arith.cmpi ne, %convert_element_type3A, %cond3A : i32
    scf.if %cond3A_91 {
      "tpu.region"() ({
        %run_scoped3A_142 = tpu.sem_alloc : memref<!tpu.dma_semaphore, #tpu.memory_space<semaphore_mem>>
        %dma_start3A_143 = arith.constant 0 : i32
        %dma_start3A_144 = arith.constant 0 : i32
        %dma_start3A_145 = tpu.memref_slice %arg3[%arg1, %dma_start3A_143, %dma_start3A_144] : memref<16x157x128xi32, #tpu.memory_space<hbm>> -> memref<1x157x128xi32, #tpu.memory_space<hbm>>
        %dma_start3A_146 = tpu.memref_squeeze %dma_start3A_145 : memref<1x157x128xi32, #tpu.memory_space<hbm>> -> memref<157x128xi32, #tpu.memory_space<hbm>>
        %dma_start3A_147 = arith.constant 0 : i32
        %dma_start3A_148 = arith.constant 0 : i32
        %dma_start3A_149 = tpu.memref_slice %arg3[%arg1, %dma_start3A_147, %dma_start3A_148] : memref<16x157x128xi32, #tpu.memory_space<hbm>> -> memref<1x157x128xi32, #tpu.memory_space<hbm>>
        %dma_start3A_150 = tpu.memref_squeeze %dma_start3A_149 : memref<1x157x128xi32, #tpu.memory_space<hbm>> -> memref<157x128xi32, #tpu.memory_space<hbm>>
        tpu.enqueue_dma source(%dma_start3A_150 : memref<157x128xi32, #tpu.memory_space<hbm>>) target(%arg8 : memref<157x128xi32, #tpu.memory_space<vmem>>) target_semaphore(%run_scoped3A_142 : memref<!tpu.dma_semaphore, #tpu.memory_space<semaphore_mem>>)
        %dma_wait3A_151 = arith.constant 0 : i32
        %dma_wait3A_152 = arith.constant 0 : i32
        %dma_wait3A_153 = tpu.memref_slice %arg3[%arg1, %dma_wait3A_151, %dma_wait3A_152] : memref<16x157x128xi32, #tpu.memory_space<hbm>> -> memref<1x157x128xi32, #tpu.memory_space<hbm>>
        %dma_wait3A_154 = tpu.memref_squeeze %dma_wait3A_153 : memref<1x157x128xi32, #tpu.memory_space<hbm>> -> memref<157x128xi32, #tpu.memory_space<hbm>>
        %dma_wait3A_155 = arith.constant 0 : i32
        %dma_wait3A_156 = arith.constant 0 : i32
        %dma_wait3A_157 = tpu.memref_slice %arg3[%arg1, %dma_wait3A_155, %dma_wait3A_156] : memref<16x157x128xi32, #tpu.memory_space<hbm>> -> memref<1x157x128xi32, #tpu.memory_space<hbm>>
        %dma_wait3A_158 = tpu.memref_squeeze %dma_wait3A_157 : memref<1x157x128xi32, #tpu.memory_space<hbm>> -> memref<157x128xi32, #tpu.memory_space<hbm>>
        tpu.wait_dma2 semaphore(%run_scoped3A_142 : memref<!tpu.dma_semaphore, #tpu.memory_space<semaphore_mem>>) src(%dma_wait3A_158 : memref<157x128xi32, #tpu.memory_space<hbm>>) dst(%arg8 : memref<157x128xi32, #tpu.memory_space<vmem>>)
        tpu.yield
      }) : () -> ()
    } else {
    }
    %eq3A_92 = arith.constant 1 : i32
    %eq3A_93 = arith.cmpi eq, %arg0, %eq3A_92 : i32
    %convert_element_type3A_94 = arith.extui %eq3A_93 : i1 to i32
    %cond3A_95 = arith.constant 0 : i32
    %cond3A_96 = arith.cmpi ne, %convert_element_type3A_94, %cond3A_95 : i32
    scf.if %cond3A_96 {
      "tpu.region"() ({
        %run_scoped3A_142 = tpu.sem_alloc : memref<!tpu.dma_semaphore, #tpu.memory_space<semaphore_mem>>
        %dma_start3A_143 = arith.constant 0 : i32
        %dma_start3A_144 = arith.constant 0 : i32
        %dma_start3A_145 = tpu.memref_slice %arg4[%arg1, %dma_start3A_143, %dma_start3A_144] : memref<16x157x128xi32, #tpu.memory_space<hbm>> -> memref<1x157x128xi32, #tpu.memory_space<hbm>>
        %dma_start3A_146 = tpu.memref_squeeze %dma_start3A_145 : memref<1x157x128xi32, #tpu.memory_space<hbm>> -> memref<157x128xi32, #tpu.memory_space<hbm>>
        %dma_start3A_147 = arith.constant 0 : i32
        %dma_start3A_148 = arith.constant 0 : i32
        %dma_start3A_149 = tpu.memref_slice %arg4[%arg1, %dma_start3A_147, %dma_start3A_148] : memref<16x157x128xi32, #tpu.memory_space<hbm>> -> memref<1x157x128xi32, #tpu.memory_space<hbm>>
        %dma_start3A_150 = tpu.memref_squeeze %dma_start3A_149 : memref<1x157x128xi32, #tpu.memory_space<hbm>> -> memref<157x128xi32, #tpu.memory_space<hbm>>
        tpu.enqueue_dma source(%dma_start3A_150 : memref<157x128xi32, #tpu.memory_space<hbm>>) target(%arg8 : memref<157x128xi32, #tpu.memory_space<vmem>>) target_semaphore(%run_scoped3A_142 : memref<!tpu.dma_semaphore, #tpu.memory_space<semaphore_mem>>)
        %dma_wait3A_151 = arith.constant 0 : i32
        %dma_wait3A_152 = arith.constant 0 : i32
        %dma_wait3A_153 = tpu.memref_slice %arg4[%arg1, %dma_wait3A_151, %dma_wait3A_152] : memref<16x157x128xi32, #tpu.memory_space<hbm>> -> memref<1x157x128xi32, #tpu.memory_space<hbm>>
        %dma_wait3A_154 = tpu.memref_squeeze %dma_wait3A_153 : memref<1x157x128xi32, #tpu.memory_space<hbm>> -> memref<157x128xi32, #tpu.memory_space<hbm>>
        %dma_wait3A_155 = arith.constant 0 : i32
        %dma_wait3A_156 = arith.constant 0 : i32
        %dma_wait3A_157 = tpu.memref_slice %arg4[%arg1, %dma_wait3A_155, %dma_wait3A_156] : memref<16x157x128xi32, #tpu.memory_space<hbm>> -> memref<1x157x128xi32, #tpu.memory_space<hbm>>
        %dma_wait3A_158 = tpu.memref_squeeze %dma_wait3A_157 : memref<1x157x128xi32, #tpu.memory_space<hbm>> -> memref<157x128xi32, #tpu.memory_space<hbm>>
        tpu.wait_dma2 semaphore(%run_scoped3A_142 : memref<!tpu.dma_semaphore, #tpu.memory_space<semaphore_mem>>) src(%dma_wait3A_158 : memref<157x128xi32, #tpu.memory_space<hbm>>) dst(%arg8 : memref<157x128xi32, #tpu.memory_space<vmem>>)
        tpu.yield
      }) : () -> ()
    } else {
    }
    "tpu.region"() ({
      %run_scoped3A_142 = tpu.sem_alloc : memref<!tpu.dma_semaphore, #tpu.memory_space<semaphore_mem>>
      %dma_start3A_143 = arith.constant 0 : i32
      %dma_start3A_144 = arith.constant 0 : i32
      %dma_start3A_145 = tpu.memref_slice %arg5[%arg1, %dma_start3A_143, %dma_start3A_144] : memref<16x157x128xi32, #tpu.memory_space<hbm>> -> memref<1x157x128xi32, #tpu.memory_space<hbm>>
      %dma_start3A_146 = tpu.memref_squeeze %dma_start3A_145 : memref<1x157x128xi32, #tpu.memory_space<hbm>> -> memref<157x128xi32, #tpu.memory_space<hbm>>
      %dma_start3A_147 = arith.constant 0 : i32
      %dma_start3A_148 = arith.constant 0 : i32
      %dma_start3A_149 = tpu.memref_slice %arg5[%arg1, %dma_start3A_147, %dma_start3A_148] : memref<16x157x128xi32, #tpu.memory_space<hbm>> -> memref<1x157x128xi32, #tpu.memory_space<hbm>>
      %dma_start3A_150 = tpu.memref_squeeze %dma_start3A_149 : memref<1x157x128xi32, #tpu.memory_space<hbm>> -> memref<157x128xi32, #tpu.memory_space<hbm>>
      tpu.enqueue_dma source(%dma_start3A_150 : memref<157x128xi32, #tpu.memory_space<hbm>>) target(%arg9 : memref<157x128xi32, #tpu.memory_space<vmem>>) target_semaphore(%run_scoped3A_142 : memref<!tpu.dma_semaphore, #tpu.memory_space<semaphore_mem>>)
      %dma_wait3A_151 = arith.constant 0 : i32
      %dma_wait3A_152 = arith.constant 0 : i32
      %dma_wait3A_153 = tpu.memref_slice %arg5[%arg1, %dma_wait3A_151, %dma_wait3A_152] : memref<16x157x128xi32, #tpu.memory_space<hbm>> -> memref<1x157x128xi32, #tpu.memory_space<hbm>>
      %dma_wait3A_154 = tpu.memref_squeeze %dma_wait3A_153 : memref<1x157x128xi32, #tpu.memory_space<hbm>> -> memref<157x128xi32, #tpu.memory_space<hbm>>
      %dma_wait3A_155 = arith.constant 0 : i32
      %dma_wait3A_156 = arith.constant 0 : i32
      %dma_wait3A_157 = tpu.memref_slice %arg5[%arg1, %dma_wait3A_155, %dma_wait3A_156] : memref<16x157x128xi32, #tpu.memory_space<hbm>> -> memref<1x157x128xi32, #tpu.memory_space<hbm>>
      %dma_wait3A_158 = tpu.memref_squeeze %dma_wait3A_157 : memref<1x157x128xi32, #tpu.memory_space<hbm>> -> memref<157x128xi32, #tpu.memory_space<hbm>>
      tpu.wait_dma2 semaphore(%run_scoped3A_142 : memref<!tpu.dma_semaphore, #tpu.memory_space<semaphore_mem>>) src(%dma_wait3A_158 : memref<157x128xi32, #tpu.memory_space<hbm>>) dst(%arg9 : memref<157x128xi32, #tpu.memory_space<vmem>>)
      tpu.yield
    }) : () -> ()
    %dma_start3A = arith.constant 0 : i32
    %dma_start3A_97 = arith.constant 0 : i32
    %dma_start3A_98 = tpu.memref_slice %arg8[%dma_start3A, %dma_start3A_97] : memref<157x128xi32, #tpu.memory_space<vmem>> -> memref<1x128xi32, #tpu.memory_space<vmem>>
    %dma_start3A_99 = tpu.memref_squeeze %dma_start3A_98 : memref<1x128xi32, #tpu.memory_space<vmem>> -> memref<128xi32, #tpu.memory_space<vmem>>
    %dma_start3A_100 = arith.constant 0 : i32
    %dma_start3A_101 = arith.constant 0 : i32
    %dma_start3A_102 = tpu.memref_slice %arg2[%dma_start3A_100, %dma_start3A_101] : memref<20000x64xf32, #tpu.memory_space<hbm>> -> memref<20000x64xf32, #tpu.memory_space<hbm>>
    tpu.enqueue_indirect_dma source(%dma_start3A_102 : memref<20000x64xf32, #tpu.memory_space<hbm>>) target(%arg10 : memref<128x64xf32, #tpu.memory_space<vmem>>) offsets(%dma_start3A_99 : memref<128xi32, #tpu.memory_space<vmem>>) semaphore(%arg17 : memref<!tpu.dma_semaphore, #tpu.memory_space<semaphore_mem>>)
    %dma_start3A_103 = arith.constant 1 : i32
    %dma_start3A_104 = arith.constant 0 : i32
    %dma_start3A_105 = tpu.memref_slice %arg8[%dma_start3A_103, %dma_start3A_104] : memref<157x128xi32, #tpu.memory_space<vmem>> -> memref<1x128xi32, #tpu.memory_space<vmem>>
    %dma_start3A_106 = tpu.memref_squeeze %dma_start3A_105 : memref<1x128xi32, #tpu.memory_space<vmem>> -> memref<128xi32, #tpu.memory_space<vmem>>
    %dma_start3A_107 = arith.constant 0 : i32
    %dma_start3A_108 = arith.constant 0 : i32
    %dma_start3A_109 = tpu.memref_slice %arg2[%dma_start3A_107, %dma_start3A_108] : memref<20000x64xf32, #tpu.memory_space<hbm>> -> memref<20000x64xf32, #tpu.memory_space<hbm>>
    tpu.enqueue_indirect_dma source(%dma_start3A_109 : memref<20000x64xf32, #tpu.memory_space<hbm>>) target(%arg11 : memref<128x64xf32, #tpu.memory_space<vmem>>) offsets(%dma_start3A_106 : memref<128xi32, #tpu.memory_space<vmem>>) semaphore(%arg18 : memref<!tpu.dma_semaphore, #tpu.memory_space<semaphore_mem>>)
    %scan3A_110 = arith.constant 0 : i32
    %scan3A_111 = arith.constant 0 : i32
    %scan3A_112 = arith.constant 157 : i32
    %scan3A_113 = arith.addi %scan3A_111, %scan3A_112 : i32
    %scan3A_114 = arith.constant 1 : i32
    scf.for %scan3A_142 = %scan3A_111 to %scan3A_113 step %scan3A_114  : i32 {
      %jit3A_143 = arith.constant 4 : i32
      %eq3A_144 = arith.constant 0 : i32
      %eq3A_145 = arith.cmpi eq, %jit3A_143, %eq3A_144 : i32
      %jit3A_146 = arith.constant 1 : i32
      %select_n3A_147 = arith.select %eq3A_145, %jit3A_146, %jit3A_143 : i32
      %rem3A = arith.remsi %scan3A_142, %select_n3A_147 : i32
      %ne3A = arith.constant 0 : i32
      %ne3A_148 = arith.cmpi ne, %rem3A, %ne3A : i32
      %lt3A = arith.constant 0 : i32
      %lt3A_149 = arith.cmpi slt, %rem3A, %lt3A : i32
      %lt3A_150 = arith.constant 0 : i32
      %lt3A_151 = arith.cmpi slt, %select_n3A_147, %lt3A_150 : i32
      %ne3A_152 = arith.xori %lt3A_149, %lt3A_151 : i1
      %and3A = arith.andi %ne3A_152, %ne3A_148 : i1
      %add3A_153 = arith.addi %rem3A, %select_n3A_147 : i32
      %select_n3A_154 = arith.select %and3A, %add3A_153, %rem3A : i32
      %eq3A_155 = arith.constant 0 : i32
      %eq3A_156 = arith.cmpi eq, %select_n3A_154, %eq3A_155 : i32
      %convert_element_type3A_157 = arith.extui %eq3A_156 : i1 to i32
      %cond3A_158 = arith.constant 0 : i32
      %cond3A_159 = arith.cmpi ne, %convert_element_type3A_157, %cond3A_158 : i32
      scf.if %cond3A_159 {
        %dma_wait3A_243 = arith.constant 0 : i32
        %dma_wait3A_244 = tpu.memref_slice %arg8[%scan3A_142, %dma_wait3A_243] : memref<157x128xi32, #tpu.memory_space<vmem>> -> memref<1x128xi32, #tpu.memory_space<vmem>>
        %dma_wait3A_245 = tpu.memref_squeeze %dma_wait3A_244 : memref<1x128xi32, #tpu.memory_space<vmem>> -> memref<128xi32, #tpu.memory_space<vmem>>
        %dma_wait3A_246 = arith.constant 0 : i32
        %dma_wait3A_247 = arith.constant 0 : i32
        %dma_wait3A_248 = tpu.memref_slice %arg2[%dma_wait3A_246, %dma_wait3A_247] : memref<20000x64xf32, #tpu.memory_space<hbm>> -> memref<20000x64xf32, #tpu.memory_space<hbm>>
        tpu.wait_indirect_dma semaphore(%arg17 : memref<!tpu.dma_semaphore, #tpu.memory_space<semaphore_mem>>) src(%dma_wait3A_248 : memref<20000x64xf32, #tpu.memory_space<hbm>>) dst(%arg10 : memref<128x64xf32, #tpu.memory_space<vmem>>)
        %dma_start3A_249 = arith.constant 0 : i32
        %dma_start3A_250 = tpu.memref_slice %arg9[%scan3A_142, %dma_start3A_249] : memref<157x128xi32, #tpu.memory_space<vmem>> -> memref<1x128xi32, #tpu.memory_space<vmem>>
        %dma_start3A_251 = tpu.memref_squeeze %dma_start3A_250 : memref<1x128xi32, #tpu.memory_space<vmem>> -> memref<128xi32, #tpu.memory_space<vmem>>
        %dma_start3A_252 = arith.constant 0 : i32
        %dma_start3A_253 = arith.constant 0 : i32
        %dma_start3A_254 = tpu.memref_slice %arg15[%dma_start3A_252, %dma_start3A_253] : memref<10240x64xf32, #tpu.memory_space<vmem_shared>> -> memref<10240x64xf32, #tpu.memory_space<vmem_shared>>
        tpu.enqueue_indirect_dma source(%arg10 : memref<128x64xf32, #tpu.memory_space<vmem>>) target(%dma_start3A_254 : memref<10240x64xf32, #tpu.memory_space<vmem_shared>>) offsets(%dma_start3A_251 : memref<128xi32, #tpu.memory_space<vmem>>) semaphore(%arg21 : memref<!tpu.dma_semaphore, #tpu.memory_space<semaphore_mem>>) {add = true}
        %ge3A = arith.constant 2 : i32
        %ge3A_255 = arith.cmpi sge, %scan3A_142, %ge3A : i32
        %convert_element_type3A_256 = arith.extui %ge3A_255 : i1 to i32
        %cond3A_257 = arith.constant 0 : i32
        %cond3A_258 = arith.cmpi ne, %convert_element_type3A_256, %cond3A_257 : i32
        scf.if %cond3A_258 {
          %dma_wait3A_266 = arith.constant 0 : i32
          %dma_wait3A_267 = arith.constant 0 : i32
          %dma_wait3A_268 = tpu.memref_slice %arg9[%dma_wait3A_266, %dma_wait3A_267] : memref<157x128xi32, #tpu.memory_space<vmem>> -> memref<1x128xi32, #tpu.memory_space<vmem>>
          %dma_wait3A_269 = tpu.memref_squeeze %dma_wait3A_268 : memref<1x128xi32, #tpu.memory_space<vmem>> -> memref<128xi32, #tpu.memory_space<vmem>>
          %dma_wait3A_270 = arith.constant 0 : i32
          %dma_wait3A_271 = arith.constant 0 : i32
          %dma_wait3A_272 = tpu.memref_slice %arg15[%dma_wait3A_270, %dma_wait3A_271] : memref<10240x64xf32, #tpu.memory_space<vmem_shared>> -> memref<10240x64xf32, #tpu.memory_space<vmem_shared>>
          tpu.wait_indirect_dma semaphore(%arg23 : memref<!tpu.dma_semaphore, #tpu.memory_space<semaphore_mem>>) src(%arg12 : memref<128x64xf32, #tpu.memory_space<vmem>>) dst(%dma_wait3A_272 : memref<10240x64xf32, #tpu.memory_space<vmem_shared>>)
        } else {
        }
        %add3A_259 = arith.constant 2 : i32
        %add3A_260 = arith.addi %scan3A_142, %add3A_259 : i32
        %lt3A_261 = arith.constant 157 : i32
        %lt3A_262 = arith.cmpi slt, %add3A_260, %lt3A_261 : i32
        %convert_element_type3A_263 = arith.extui %lt3A_262 : i1 to i32
        %cond3A_264 = arith.constant 0 : i32
        %cond3A_265 = arith.cmpi ne, %convert_element_type3A_263, %cond3A_264 : i32
        scf.if %cond3A_265 {
          %add3A_266 = arith.constant 2 : i32
          %add3A_267 = arith.addi %scan3A_142, %add3A_266 : i32
          %dma_start3A_268 = arith.constant 0 : i32
          %dma_start3A_269 = tpu.memref_slice %arg8[%add3A_267, %dma_start3A_268] : memref<157x128xi32, #tpu.memory_space<vmem>> -> memref<1x128xi32, #tpu.memory_space<vmem>>
          %dma_start3A_270 = tpu.memref_squeeze %dma_start3A_269 : memref<1x128xi32, #tpu.memory_space<vmem>> -> memref<128xi32, #tpu.memory_space<vmem>>
          %dma_start3A_271 = arith.constant 0 : i32
          %dma_start3A_272 = arith.constant 0 : i32
          %dma_start3A_273 = tpu.memref_slice %arg2[%dma_start3A_271, %dma_start3A_272] : memref<20000x64xf32, #tpu.memory_space<hbm>> -> memref<20000x64xf32, #tpu.memory_space<hbm>>
          tpu.enqueue_indirect_dma source(%dma_start3A_273 : memref<20000x64xf32, #tpu.memory_space<hbm>>) target(%arg12 : memref<128x64xf32, #tpu.memory_space<vmem>>) offsets(%dma_start3A_270 : memref<128xi32, #tpu.memory_space<vmem>>) semaphore(%arg19 : memref<!tpu.dma_semaphore, #tpu.memory_space<semaphore_mem>>)
        } else {
        }
      } else {
      }
      %jit3A_160 = arith.constant 4 : i32
      %eq3A_161 = arith.constant 0 : i32
      %eq3A_162 = arith.cmpi eq, %jit3A_160, %eq3A_161 : i32
      %jit3A_163 = arith.constant 1 : i32
      %select_n3A_164 = arith.select %eq3A_162, %jit3A_163, %jit3A_160 : i32
      %rem3A_165 = arith.remsi %scan3A_142, %select_n3A_164 : i32
      %ne3A_166 = arith.constant 0 : i32
      %ne3A_167 = arith.cmpi ne, %rem3A_165, %ne3A_166 : i32
      %lt3A_168 = arith.constant 0 : i32
      %lt3A_169 = arith.cmpi slt, %rem3A_165, %lt3A_168 : i32
      %lt3A_170 = arith.constant 0 : i32
      %lt3A_171 = arith.cmpi slt, %select_n3A_164, %lt3A_170 : i32
      %ne3A_172 = arith.xori %lt3A_169, %lt3A_171 : i1
      %and3A_173 = arith.andi %ne3A_172, %ne3A_167 : i1
      %add3A_174 = arith.addi %rem3A_165, %select_n3A_164 : i32
      %select_n3A_175 = arith.select %and3A_173, %add3A_174, %rem3A_165 : i32
      %eq3A_176 = arith.constant 1 : i32
      %eq3A_177 = arith.cmpi eq, %select_n3A_175, %eq3A_176 : i32
      %convert_element_type3A_178 = arith.extui %eq3A_177 : i1 to i32
      %cond3A_179 = arith.constant 0 : i32
      %cond3A_180 = arith.cmpi ne, %convert_element_type3A_178, %cond3A_179 : i32
      scf.if %cond3A_180 {
        %dma_wait3A_243 = arith.constant 0 : i32
        %dma_wait3A_244 = tpu.memref_slice %arg8[%scan3A_142, %dma_wait3A_243] : memref<157x128xi32, #tpu.memory_space<vmem>> -> memref<1x128xi32, #tpu.memory_space<vmem>>
        %dma_wait3A_245 = tpu.memref_squeeze %dma_wait3A_244 : memref<1x128xi32, #tpu.memory_space<vmem>> -> memref<128xi32, #tpu.memory_space<vmem>>
        %dma_wait3A_246 = arith.constant 0 : i32
        %dma_wait3A_247 = arith.constant 0 : i32
        %dma_wait3A_248 = tpu.memref_slice %arg2[%dma_wait3A_246, %dma_wait3A_247] : memref<20000x64xf32, #tpu.memory_space<hbm>> -> memref<20000x64xf32, #tpu.memory_space<hbm>>
        tpu.wait_indirect_dma semaphore(%arg18 : memref<!tpu.dma_semaphore, #tpu.memory_space<semaphore_mem>>) src(%dma_wait3A_248 : memref<20000x64xf32, #tpu.memory_space<hbm>>) dst(%arg11 : memref<128x64xf32, #tpu.memory_space<vmem>>)
        %dma_start3A_249 = arith.constant 0 : i32
        %dma_start3A_250 = tpu.memref_slice %arg9[%scan3A_142, %dma_start3A_249] : memref<157x128xi32, #tpu.memory_space<vmem>> -> memref<1x128xi32, #tpu.memory_space<vmem>>
        %dma_start3A_251 = tpu.memref_squeeze %dma_start3A_250 : memref<1x128xi32, #tpu.memory_space<vmem>> -> memref<128xi32, #tpu.memory_space<vmem>>
        %dma_start3A_252 = arith.constant 0 : i32
        %dma_start3A_253 = arith.constant 0 : i32
        %dma_start3A_254 = tpu.memref_slice %arg15[%dma_start3A_252, %dma_start3A_253] : memref<10240x64xf32, #tpu.memory_space<vmem_shared>> -> memref<10240x64xf32, #tpu.memory_space<vmem_shared>>
        tpu.enqueue_indirect_dma source(%arg11 : memref<128x64xf32, #tpu.memory_space<vmem>>) target(%dma_start3A_254 : memref<10240x64xf32, #tpu.memory_space<vmem_shared>>) offsets(%dma_start3A_251 : memref<128xi32, #tpu.memory_space<vmem>>) semaphore(%arg22 : memref<!tpu.dma_semaphore, #tpu.memory_space<semaphore_mem>>) {add = true}
        %ge3A = arith.constant 2 : i32
        %ge3A_255 = arith.cmpi sge, %scan3A_142, %ge3A : i32
        %convert_element_type3A_256 = arith.extui %ge3A_255 : i1 to i32
        %cond3A_257 = arith.constant 0 : i32
        %cond3A_258 = arith.cmpi ne, %convert_element_type3A_256, %cond3A_257 : i32
        scf.if %cond3A_258 {
          %dma_wait3A_266 = arith.constant 0 : i32
          %dma_wait3A_267 = arith.constant 0 : i32
          %dma_wait3A_268 = tpu.memref_slice %arg9[%dma_wait3A_266, %dma_wait3A_267] : memref<157x128xi32, #tpu.memory_space<vmem>> -> memref<1x128xi32, #tpu.memory_space<vmem>>
          %dma_wait3A_269 = tpu.memref_squeeze %dma_wait3A_268 : memref<1x128xi32, #tpu.memory_space<vmem>> -> memref<128xi32, #tpu.memory_space<vmem>>
          %dma_wait3A_270 = arith.constant 0 : i32
          %dma_wait3A_271 = arith.constant 0 : i32
          %dma_wait3A_272 = tpu.memref_slice %arg15[%dma_wait3A_270, %dma_wait3A_271] : memref<10240x64xf32, #tpu.memory_space<vmem_shared>> -> memref<10240x64xf32, #tpu.memory_space<vmem_shared>>
          tpu.wait_indirect_dma semaphore(%arg24 : memref<!tpu.dma_semaphore, #tpu.memory_space<semaphore_mem>>) src(%arg13 : memref<128x64xf32, #tpu.memory_space<vmem>>) dst(%dma_wait3A_272 : memref<10240x64xf32, #tpu.memory_space<vmem_shared>>)
        } else {
        }
        %add3A_259 = arith.constant 2 : i32
        %add3A_260 = arith.addi %scan3A_142, %add3A_259 : i32
        %lt3A_261 = arith.constant 157 : i32
        %lt3A_262 = arith.cmpi slt, %add3A_260, %lt3A_261 : i32
        %convert_element_type3A_263 = arith.extui %lt3A_262 : i1 to i32
        %cond3A_264 = arith.constant 0 : i32
        %cond3A_265 = arith.cmpi ne, %convert_element_type3A_263, %cond3A_264 : i32
        scf.if %cond3A_265 {
          %add3A_266 = arith.constant 2 : i32
          %add3A_267 = arith.addi %scan3A_142, %add3A_266 : i32
          %dma_start3A_268 = arith.constant 0 : i32
          %dma_start3A_269 = tpu.memref_slice %arg8[%add3A_267, %dma_start3A_268] : memref<157x128xi32, #tpu.memory_space<vmem>> -> memref<1x128xi32, #tpu.memory_space<vmem>>
          %dma_start3A_270 = tpu.memref_squeeze %dma_start3A_269 : memref<1x128xi32, #tpu.memory_space<vmem>> -> memref<128xi32, #tpu.memory_space<vmem>>
          %dma_start3A_271 = arith.constant 0 : i32
          %dma_start3A_272 = arith.constant 0 : i32
          %dma_start3A_273 = tpu.memref_slice %arg2[%dma_start3A_271, %dma_start3A_272] : memref<20000x64xf32, #tpu.memory_space<hbm>> -> memref<20000x64xf32, #tpu.memory_space<hbm>>
          tpu.enqueue_indirect_dma source(%dma_start3A_273 : memref<20000x64xf32, #tpu.memory_space<hbm>>) target(%arg13 : memref<128x64xf32, #tpu.memory_space<vmem>>) offsets(%dma_start3A_270 : memref<128xi32, #tpu.memory_space<vmem>>) semaphore(%arg20 : memref<!tpu.dma_semaphore, #tpu.memory_space<semaphore_mem>>)
        } else {
        }
      } else {
      }
      %jit3A_181 = arith.constant 4 : i32
      %eq3A_182 = arith.constant 0 : i32
      %eq3A_183 = arith.cmpi eq, %jit3A_181, %eq3A_182 : i32
      %jit3A_184 = arith.constant 1 : i32
      %select_n3A_185 = arith.select %eq3A_183, %jit3A_184, %jit3A_181 : i32
      %rem3A_186 = arith.remsi %scan3A_142, %select_n3A_185 : i32
      %ne3A_187 = arith.constant 0 : i32
      %ne3A_188 = arith.cmpi ne, %rem3A_186, %ne3A_187 : i32
      %lt3A_189 = arith.constant 0 : i32
      %lt3A_190 = arith.cmpi slt, %rem3A_186, %lt3A_189 : i32
      %lt3A_191 = arith.constant 0 : i32
      %lt3A_192 = arith.cmpi slt, %select_n3A_185, %lt3A_191 : i32
      %ne3A_193 = arith.xori %lt3A_190, %lt3A_192 : i1
      %and3A_194 = arith.andi %ne3A_193, %ne3A_188 : i1
      %add3A_195 = arith.addi %rem3A_186, %select_n3A_185 : i32
      %select_n3A_196 = arith.select %and3A_194, %add3A_195, %rem3A_186 : i32
      %eq3A_197 = arith.constant 2 : i32
      %eq3A_198 = arith.cmpi eq, %select_n3A_196, %eq3A_197 : i32
      %convert_element_type3A_199 = arith.extui %eq3A_198 : i1 to i32
      %cond3A_200 = arith.constant 0 : i32
      %cond3A_201 = arith.cmpi ne, %convert_element_type3A_199, %cond3A_200 : i32
      scf.if %cond3A_201 {
        %dma_wait3A_243 = arith.constant 0 : i32
        %dma_wait3A_244 = tpu.memref_slice %arg8[%scan3A_142, %dma_wait3A_243] : memref<157x128xi32, #tpu.memory_space<vmem>> -> memref<1x128xi32, #tpu.memory_space<vmem>>
        %dma_wait3A_245 = tpu.memref_squeeze %dma_wait3A_244 : memref<1x128xi32, #tpu.memory_space<vmem>> -> memref<128xi32, #tpu.memory_space<vmem>>
        %dma_wait3A_246 = arith.constant 0 : i32
        %dma_wait3A_247 = arith.constant 0 : i32
        %dma_wait3A_248 = tpu.memref_slice %arg2[%dma_wait3A_246, %dma_wait3A_247] : memref<20000x64xf32, #tpu.memory_space<hbm>> -> memref<20000x64xf32, #tpu.memory_space<hbm>>
        tpu.wait_indirect_dma semaphore(%arg19 : memref<!tpu.dma_semaphore, #tpu.memory_space<semaphore_mem>>) src(%dma_wait3A_248 : memref<20000x64xf32, #tpu.memory_space<hbm>>) dst(%arg12 : memref<128x64xf32, #tpu.memory_space<vmem>>)
        %dma_start3A_249 = arith.constant 0 : i32
        %dma_start3A_250 = tpu.memref_slice %arg9[%scan3A_142, %dma_start3A_249] : memref<157x128xi32, #tpu.memory_space<vmem>> -> memref<1x128xi32, #tpu.memory_space<vmem>>
        %dma_start3A_251 = tpu.memref_squeeze %dma_start3A_250 : memref<1x128xi32, #tpu.memory_space<vmem>> -> memref<128xi32, #tpu.memory_space<vmem>>
        %dma_start3A_252 = arith.constant 0 : i32
        %dma_start3A_253 = arith.constant 0 : i32
        %dma_start3A_254 = tpu.memref_slice %arg15[%dma_start3A_252, %dma_start3A_253] : memref<10240x64xf32, #tpu.memory_space<vmem_shared>> -> memref<10240x64xf32, #tpu.memory_space<vmem_shared>>
        tpu.enqueue_indirect_dma source(%arg12 : memref<128x64xf32, #tpu.memory_space<vmem>>) target(%dma_start3A_254 : memref<10240x64xf32, #tpu.memory_space<vmem_shared>>) offsets(%dma_start3A_251 : memref<128xi32, #tpu.memory_space<vmem>>) semaphore(%arg23 : memref<!tpu.dma_semaphore, #tpu.memory_space<semaphore_mem>>) {add = true}
        %ge3A = arith.constant 2 : i32
        %ge3A_255 = arith.cmpi sge, %scan3A_142, %ge3A : i32
        %convert_element_type3A_256 = arith.extui %ge3A_255 : i1 to i32
        %cond3A_257 = arith.constant 0 : i32
        %cond3A_258 = arith.cmpi ne, %convert_element_type3A_256, %cond3A_257 : i32
        scf.if %cond3A_258 {
          %dma_wait3A_266 = arith.constant 0 : i32
          %dma_wait3A_267 = arith.constant 0 : i32
          %dma_wait3A_268 = tpu.memref_slice %arg9[%dma_wait3A_266, %dma_wait3A_267] : memref<157x128xi32, #tpu.memory_space<vmem>> -> memref<1x128xi32, #tpu.memory_space<vmem>>
          %dma_wait3A_269 = tpu.memref_squeeze %dma_wait3A_268 : memref<1x128xi32, #tpu.memory_space<vmem>> -> memref<128xi32, #tpu.memory_space<vmem>>
          %dma_wait3A_270 = arith.constant 0 : i32
          %dma_wait3A_271 = arith.constant 0 : i32
          %dma_wait3A_272 = tpu.memref_slice %arg15[%dma_wait3A_270, %dma_wait3A_271] : memref<10240x64xf32, #tpu.memory_space<vmem_shared>> -> memref<10240x64xf32, #tpu.memory_space<vmem_shared>>
          tpu.wait_indirect_dma semaphore(%arg21 : memref<!tpu.dma_semaphore, #tpu.memory_space<semaphore_mem>>) src(%arg10 : memref<128x64xf32, #tpu.memory_space<vmem>>) dst(%dma_wait3A_272 : memref<10240x64xf32, #tpu.memory_space<vmem_shared>>)
        } else {
        }
        %add3A_259 = arith.constant 2 : i32
        %add3A_260 = arith.addi %scan3A_142, %add3A_259 : i32
        %lt3A_261 = arith.constant 157 : i32
        %lt3A_262 = arith.cmpi slt, %add3A_260, %lt3A_261 : i32
        %convert_element_type3A_263 = arith.extui %lt3A_262 : i1 to i32
        %cond3A_264 = arith.constant 0 : i32
        %cond3A_265 = arith.cmpi ne, %convert_element_type3A_263, %cond3A_264 : i32
        scf.if %cond3A_265 {
          %add3A_266 = arith.constant 2 : i32
          %add3A_267 = arith.addi %scan3A_142, %add3A_266 : i32
          %dma_start3A_268 = arith.constant 0 : i32
          %dma_start3A_269 = tpu.memref_slice %arg8[%add3A_267, %dma_start3A_268] : memref<157x128xi32, #tpu.memory_space<vmem>> -> memref<1x128xi32, #tpu.memory_space<vmem>>
          %dma_start3A_270 = tpu.memref_squeeze %dma_start3A_269 : memref<1x128xi32, #tpu.memory_space<vmem>> -> memref<128xi32, #tpu.memory_space<vmem>>
          %dma_start3A_271 = arith.constant 0 : i32
          %dma_start3A_272 = arith.constant 0 : i32
          %dma_start3A_273 = tpu.memref_slice %arg2[%dma_start3A_271, %dma_start3A_272] : memref<20000x64xf32, #tpu.memory_space<hbm>> -> memref<20000x64xf32, #tpu.memory_space<hbm>>
          tpu.enqueue_indirect_dma source(%dma_start3A_273 : memref<20000x64xf32, #tpu.memory_space<hbm>>) target(%arg10 : memref<128x64xf32, #tpu.memory_space<vmem>>) offsets(%dma_start3A_270 : memref<128xi32, #tpu.memory_space<vmem>>) semaphore(%arg17 : memref<!tpu.dma_semaphore, #tpu.memory_space<semaphore_mem>>)
        } else {
        }
      } else {
      }
      %jit3A_202 = arith.constant 4 : i32
      %eq3A_203 = arith.constant 0 : i32
      %eq3A_204 = arith.cmpi eq, %jit3A_202, %eq3A_203 : i32
      %jit3A_205 = arith.constant 1 : i32
      %select_n3A_206 = arith.select %eq3A_204, %jit3A_205, %jit3A_202 : i32
      %rem3A_207 = arith.remsi %scan3A_142, %select_n3A_206 : i32
      %ne3A_208 = arith.constant 0 : i32
      %ne3A_209 = arith.cmpi ne, %rem3A_207, %ne3A_208 : i32
      %lt3A_210 = arith.constant 0 : i32
      %lt3A_211 = arith.cmpi slt, %rem3A_207, %lt3A_210 : i32
      %lt3A_212 = arith.constant 0 : i32
      %lt3A_213 = arith.cmpi slt, %select_n3A_206, %lt3A_212 : i32
      %ne3A_214 = arith.xori %lt3A_211, %lt3A_213 : i1
      %and3A_215 = arith.andi %ne3A_214, %ne3A_209 : i1
      %add3A_216 = arith.addi %rem3A_207, %select_n3A_206 : i32
      %select_n3A_217 = arith.select %and3A_215, %add3A_216, %rem3A_207 : i32
      %eq3A_218 = arith.constant 3 : i32
      %eq3A_219 = arith.cmpi eq, %select_n3A_217, %eq3A_218 : i32
      %convert_element_type3A_220 = arith.extui %eq3A_219 : i1 to i32
      %cond3A_221 = arith.constant 0 : i32
      %cond3A_222 = arith.cmpi ne, %convert_element_type3A_220, %cond3A_221 : i32
      scf.if %cond3A_222 {
        %dma_wait3A_243 = arith.constant 0 : i32
        %dma_wait3A_244 = tpu.memref_slice %arg8[%scan3A_142, %dma_wait3A_243] : memref<157x128xi32, #tpu.memory_space<vmem>> -> memref<1x128xi32, #tpu.memory_space<vmem>>
        %dma_wait3A_245 = tpu.memref_squeeze %dma_wait3A_244 : memref<1x128xi32, #tpu.memory_space<vmem>> -> memref<128xi32, #tpu.memory_space<vmem>>
        %dma_wait3A_246 = arith.constant 0 : i32
        %dma_wait3A_247 = arith.constant 0 : i32
        %dma_wait3A_248 = tpu.memref_slice %arg2[%dma_wait3A_246, %dma_wait3A_247] : memref<20000x64xf32, #tpu.memory_space<hbm>> -> memref<20000x64xf32, #tpu.memory_space<hbm>>
        tpu.wait_indirect_dma semaphore(%arg20 : memref<!tpu.dma_semaphore, #tpu.memory_space<semaphore_mem>>) src(%dma_wait3A_248 : memref<20000x64xf32, #tpu.memory_space<hbm>>) dst(%arg13 : memref<128x64xf32, #tpu.memory_space<vmem>>)
        %dma_start3A_249 = arith.constant 0 : i32
        %dma_start3A_250 = tpu.memref_slice %arg9[%scan3A_142, %dma_start3A_249] : memref<157x128xi32, #tpu.memory_space<vmem>> -> memref<1x128xi32, #tpu.memory_space<vmem>>
        %dma_start3A_251 = tpu.memref_squeeze %dma_start3A_250 : memref<1x128xi32, #tpu.memory_space<vmem>> -> memref<128xi32, #tpu.memory_space<vmem>>
        %dma_start3A_252 = arith.constant 0 : i32
        %dma_start3A_253 = arith.constant 0 : i32
        %dma_start3A_254 = tpu.memref_slice %arg15[%dma_start3A_252, %dma_start3A_253] : memref<10240x64xf32, #tpu.memory_space<vmem_shared>> -> memref<10240x64xf32, #tpu.memory_space<vmem_shared>>
        tpu.enqueue_indirect_dma source(%arg13 : memref<128x64xf32, #tpu.memory_space<vmem>>) target(%dma_start3A_254 : memref<10240x64xf32, #tpu.memory_space<vmem_shared>>) offsets(%dma_start3A_251 : memref<128xi32, #tpu.memory_space<vmem>>) semaphore(%arg24 : memref<!tpu.dma_semaphore, #tpu.memory_space<semaphore_mem>>) {add = true}
        %ge3A = arith.constant 2 : i32
        %ge3A_255 = arith.cmpi sge, %scan3A_142, %ge3A : i32
        %convert_element_type3A_256 = arith.extui %ge3A_255 : i1 to i32
        %cond3A_257 = arith.constant 0 : i32
        %cond3A_258 = arith.cmpi ne, %convert_element_type3A_256, %cond3A_257 : i32
        scf.if %cond3A_258 {
          %dma_wait3A_266 = arith.constant 0 : i32
          %dma_wait3A_267 = arith.constant 0 : i32
          %dma_wait3A_268 = tpu.memref_slice %arg9[%dma_wait3A_266, %dma_wait3A_267] : memref<157x128xi32, #tpu.memory_space<vmem>> -> memref<1x128xi32, #tpu.memory_space<vmem>>
          %dma_wait3A_269 = tpu.memref_squeeze %dma_wait3A_268 : memref<1x128xi32, #tpu.memory_space<vmem>> -> memref<128xi32, #tpu.memory_space<vmem>>
          %dma_wait3A_270 = arith.constant 0 : i32
          %dma_wait3A_271 = arith.constant 0 : i32
          %dma_wait3A_272 = tpu.memref_slice %arg15[%dma_wait3A_270, %dma_wait3A_271] : memref<10240x64xf32, #tpu.memory_space<vmem_shared>> -> memref<10240x64xf32, #tpu.memory_space<vmem_shared>>
          tpu.wait_indirect_dma semaphore(%arg22 : memref<!tpu.dma_semaphore, #tpu.memory_space<semaphore_mem>>) src(%arg11 : memref<128x64xf32, #tpu.memory_space<vmem>>) dst(%dma_wait3A_272 : memref<10240x64xf32, #tpu.memory_space<vmem_shared>>)
        } else {
        }
        %add3A_259 = arith.constant 2 : i32
        %add3A_260 = arith.addi %scan3A_142, %add3A_259 : i32
        %lt3A_261 = arith.constant 157 : i32
        %lt3A_262 = arith.cmpi slt, %add3A_260, %lt3A_261 : i32
        %convert_element_type3A_263 = arith.extui %lt3A_262 : i1 to i32
        %cond3A_264 = arith.constant 0 : i32
        %cond3A_265 = arith.cmpi ne, %convert_element_type3A_263, %cond3A_264 : i32
        scf.if %cond3A_265 {
          %add3A_266 = arith.constant 2 : i32
          %add3A_267 = arith.addi %scan3A_142, %add3A_266 : i32
          %dma_start3A_268 = arith.constant 0 : i32
          %dma_start3A_269 = tpu.memref_slice %arg8[%add3A_267, %dma_start3A_268] : memref<157x128xi32, #tpu.memory_space<vmem>> -> memref<1x128xi32, #tpu.memory_space<vmem>>
          %dma_start3A_270 = tpu.memref_squeeze %dma_start3A_269 : memref<1x128xi32, #tpu.memory_space<vmem>> -> memref<128xi32, #tpu.memory_space<vmem>>
          %dma_start3A_271 = arith.constant 0 : i32
          %dma_start3A_272 = arith.constant 0 : i32
          %dma_start3A_273 = tpu.memref_slice %arg2[%dma_start3A_271, %dma_start3A_272] : memref<20000x64xf32, #tpu.memory_space<hbm>> -> memref<20000x64xf32, #tpu.memory_space<hbm>>
          tpu.enqueue_indirect_dma source(%dma_start3A_273 : memref<20000x64xf32, #tpu.memory_space<hbm>>) target(%arg11 : memref<128x64xf32, #tpu.memory_space<vmem>>) offsets(%dma_start3A_270 : memref<128xi32, #tpu.memory_space<vmem>>) semaphore(%arg18 : memref<!tpu.dma_semaphore, #tpu.memory_space<semaphore_mem>>)
        } else {
        }
      } else {
      }
      %jit3A_223 = arith.constant 2 : i32
      %eq3A_224 = arith.constant 0 : i32
      %eq3A_225 = arith.cmpi eq, %jit3A_223, %eq3A_224 : i32
      %jit3A_226 = arith.constant 1 : i32
      %select_n3A_227 = arith.select %eq3A_225, %jit3A_226, %jit3A_223 : i32
      %rem3A_228 = arith.remsi %scan3A_142, %select_n3A_227 : i32
      %ne3A_229 = arith.constant 0 : i32
      %ne3A_230 = arith.cmpi ne, %rem3A_228, %ne3A_229 : i32
      %lt3A_231 = arith.constant 0 : i32
      %lt3A_232 = arith.cmpi slt, %rem3A_228, %lt3A_231 : i32
      %lt3A_233 = arith.constant 0 : i32
      %lt3A_234 = arith.cmpi slt, %select_n3A_227, %lt3A_233 : i32
      %ne3A_235 = arith.xori %lt3A_232, %lt3A_234 : i1
      %and3A_236 = arith.andi %ne3A_235, %ne3A_230 : i1
      %add3A_237 = arith.addi %rem3A_228, %select_n3A_227 : i32
      %select_n3A_238 = arith.select %and3A_236, %add3A_237, %rem3A_228 : i32
      %eq3A_239 = arith.cmpi eq, %select_n3A_238, %arg0 : i32
      %convert_element_type3A_240 = arith.extui %eq3A_239 : i1 to i32
      %cond3A_241 = arith.constant 0 : i32
      %cond3A_242 = arith.cmpi ne, %convert_element_type3A_240, %cond3A_241 : i32
      scf.if %cond3A_242 {
        %dma_start3A_243 = arith.constant 0 : i32
        %dma_start3A_244 = tpu.memref_slice %arg9[%scan3A_142, %dma_start3A_243] : memref<157x128xi32, #tpu.memory_space<vmem>> -> memref<1x128xi32, #tpu.memory_space<vmem>>
        %dma_start3A_245 = tpu.memref_squeeze %dma_start3A_244 : memref<1x128xi32, #tpu.memory_space<vmem>> -> memref<128xi32, #tpu.memory_space<vmem>>
        %dma_start3A_246 = arith.constant 0 : i32
        %dma_start3A_247 = tpu.memref_slice %arg16[%dma_start3A_246] : memref<10240xf32, #tpu.memory_space<vmem_shared>> -> memref<10240xf32, #tpu.memory_space<vmem_shared>>
        tpu.enqueue_indirect_dma source(%arg14 : memref<128xf32, #tpu.memory_space<vmem>>) target(%dma_start3A_247 : memref<10240xf32, #tpu.memory_space<vmem_shared>>) offsets(%dma_start3A_245 : memref<128xi32, #tpu.memory_space<vmem>>) semaphore(%arg25 : memref<!tpu.dma_semaphore, #tpu.memory_space<semaphore_mem>>) {add = true}
      } else {
      }
    }
    %scan3A_115 = arith.constant 157 : i32
    %dma_wait3A = arith.constant 0 : i32
    %dma_wait3A_116 = arith.constant 0 : i32
    %dma_wait3A_117 = tpu.memref_slice %arg9[%dma_wait3A, %dma_wait3A_116] : memref<157x128xi32, #tpu.memory_space<vmem>> -> memref<1x128xi32, #tpu.memory_space<vmem>>
    %dma_wait3A_118 = tpu.memref_squeeze %dma_wait3A_117 : memref<1x128xi32, #tpu.memory_space<vmem>> -> memref<128xi32, #tpu.memory_space<vmem>>
    %dma_wait3A_119 = arith.constant 0 : i32
    %dma_wait3A_120 = arith.constant 0 : i32
    %dma_wait3A_121 = tpu.memref_slice %arg15[%dma_wait3A_119, %dma_wait3A_120] : memref<10240x64xf32, #tpu.memory_space<vmem_shared>> -> memref<10240x64xf32, #tpu.memory_space<vmem_shared>>
    tpu.wait_indirect_dma semaphore(%arg24 : memref<!tpu.dma_semaphore, #tpu.memory_space<semaphore_mem>>) src(%arg13 : memref<128x64xf32, #tpu.memory_space<vmem>>) dst(%dma_wait3A_121 : memref<10240x64xf32, #tpu.memory_space<vmem_shared>>)
    %dma_wait3A_122 = arith.constant 0 : i32
    %dma_wait3A_123 = arith.constant 0 : i32
    %dma_wait3A_124 = tpu.memref_slice %arg9[%dma_wait3A_122, %dma_wait3A_123] : memref<157x128xi32, #tpu.memory_space<vmem>> -> memref<1x128xi32, #tpu.memory_space<vmem>>
    %dma_wait3A_125 = tpu.memref_squeeze %dma_wait3A_124 : memref<1x128xi32, #tpu.memory_space<vmem>> -> memref<128xi32, #tpu.memory_space<vmem>>
    %dma_wait3A_126 = arith.constant 0 : i32
    %dma_wait3A_127 = arith.constant 0 : i32
    %dma_wait3A_128 = tpu.memref_slice %arg15[%dma_wait3A_126, %dma_wait3A_127] : memref<10240x64xf32, #tpu.memory_space<vmem_shared>> -> memref<10240x64xf32, #tpu.memory_space<vmem_shared>>
    tpu.wait_indirect_dma semaphore(%arg21 : memref<!tpu.dma_semaphore, #tpu.memory_space<semaphore_mem>>) src(%arg10 : memref<128x64xf32, #tpu.memory_space<vmem>>) dst(%dma_wait3A_128 : memref<10240x64xf32, #tpu.memory_space<vmem_shared>>)
    %eq3A_129 = arith.constant 0 : i32
    %eq3A_130 = arith.cmpi eq, %arg0, %eq3A_129 : i32
    %jit3A = arith.constant 79 : i32
    %jit3A_131 = arith.constant 78 : i32
    %select_n3A = arith.select %eq3A_130, %jit3A, %jit3A_131 : i32
    %while3A = arith.constant 0 : i32
    %while3A_132 = arith.constant 0 : i32
    %while3A_133 = arith.subi %select_n3A, %while3A_132 : i32
    %while3A_134 = arith.addi %while3A_132, %while3A_133 : i32
    %while3A_135 = arith.constant 1 : i32
    %while3A_136 = arith.divsi %while3A_133, %while3A_135 : i32
    %while3A_137 = arith.muli %while3A_136, %while3A_135 : i32
    %while3A_138 = arith.addi %while3A_132, %while3A_137 : i32
    %while3A_139 = arith.constant 1 : i32
    scf.for %while3A_142 = %while3A_132 to %while3A_138 step %while3A_139  : i32 {
      %dma_wait3A_143 = arith.constant 0 : i32
      %dma_wait3A_144 = arith.constant 0 : i32
      %dma_wait3A_145 = tpu.memref_slice %arg9[%dma_wait3A_143, %dma_wait3A_144] : memref<157x128xi32, #tpu.memory_space<vmem>> -> memref<1x128xi32, #tpu.memory_space<vmem>>
      %dma_wait3A_146 = tpu.memref_squeeze %dma_wait3A_145 : memref<1x128xi32, #tpu.memory_space<vmem>> -> memref<128xi32, #tpu.memory_space<vmem>>
      %dma_wait3A_147 = arith.constant 0 : i32
      %dma_wait3A_148 = tpu.memref_slice %arg16[%dma_wait3A_147] : memref<10240xf32, #tpu.memory_space<vmem_shared>> -> memref<10240xf32, #tpu.memory_space<vmem_shared>>
      tpu.wait_indirect_dma semaphore(%arg25 : memref<!tpu.dma_semaphore, #tpu.memory_space<semaphore_mem>>) src(%arg14 : memref<128xf32, #tpu.memory_space<vmem>>) dst(%dma_wait3A_148 : memref<10240xf32, #tpu.memory_space<vmem_shared>>)
    }
    %while3A_140 = arith.constant 1 : i32
    scf.for %while3A_142 = %while3A_138 to %while3A_134 step %while3A_140  : i32 {
      %dma_wait3A_143 = arith.constant 0 : i32
      %dma_wait3A_144 = arith.constant 0 : i32
      %dma_wait3A_145 = tpu.memref_slice %arg9[%dma_wait3A_143, %dma_wait3A_144] : memref<157x128xi32, #tpu.memory_space<vmem>> -> memref<1x128xi32, #tpu.memory_space<vmem>>
      %dma_wait3A_146 = tpu.memref_squeeze %dma_wait3A_145 : memref<1x128xi32, #tpu.memory_space<vmem>> -> memref<128xi32, #tpu.memory_space<vmem>>
      %dma_wait3A_147 = arith.constant 0 : i32
      %dma_wait3A_148 = tpu.memref_slice %arg16[%dma_wait3A_147] : memref<10240xf32, #tpu.memory_space<vmem_shared>> -> memref<10240xf32, #tpu.memory_space<vmem_shared>>
      tpu.wait_indirect_dma semaphore(%arg25 : memref<!tpu.dma_semaphore, #tpu.memory_space<semaphore_mem>>) src(%arg14 : memref<128xf32, #tpu.memory_space<vmem>>) dst(%dma_wait3A_148 : memref<10240xf32, #tpu.memory_space<vmem_shared>>)
    }
    %barrier3A_141 = arith.constant 0 : index
    tpu.barrier barrier_id(%barrier3A_141)
    "tpu.region"() ({
      %run_scoped3A_142 = tpu.sem_alloc : memref<!tpu.dma_semaphore, #tpu.memory_space<semaphore_mem>>
      %dma_start3A_143 = arith.constant 0 : i32
      %dma_start3A_144 = tpu.memref_slice %arg6[%arg0, %mul3A_51, %dma_start3A_143] : memref<2x10240x64xf32, #tpu.memory_space<hbm>> -> memref<1x640x64xf32, #tpu.memory_space<hbm>>
      %dma_start3A_145 = tpu.memref_squeeze %dma_start3A_144 : memref<1x640x64xf32, #tpu.memory_space<hbm>> -> memref<640x64xf32, #tpu.memory_space<hbm>>
      %dma_start3A_146 = arith.constant 0 : i32
      %dma_start3A_147 = tpu.memref_slice %arg15[%mul3A_51, %dma_start3A_146] : memref<10240x64xf32, #tpu.memory_space<vmem_shared>> -> memref<640x64xf32, #tpu.memory_space<vmem_shared>>
      tpu.enqueue_dma source(%dma_start3A_147 : memref<640x64xf32, #tpu.memory_space<vmem_shared>>) target(%dma_start3A_145 : memref<640x64xf32, #tpu.memory_space<hbm>>) target_semaphore(%run_scoped3A_142 : memref<!tpu.dma_semaphore, #tpu.memory_space<semaphore_mem>>)
      %dma_wait3A_148 = arith.constant 0 : i32
      %dma_wait3A_149 = tpu.memref_slice %arg6[%arg0, %mul3A_51, %dma_wait3A_148] : memref<2x10240x64xf32, #tpu.memory_space<hbm>> -> memref<1x640x64xf32, #tpu.memory_space<hbm>>
      %dma_wait3A_150 = tpu.memref_squeeze %dma_wait3A_149 : memref<1x640x64xf32, #tpu.memory_space<hbm>> -> memref<640x64xf32, #tpu.memory_space<hbm>>
      %dma_wait3A_151 = arith.constant 0 : i32
      %dma_wait3A_152 = tpu.memref_slice %arg15[%mul3A_51, %dma_wait3A_151] : memref<10240x64xf32, #tpu.memory_space<vmem_shared>> -> memref<640x64xf32, #tpu.memory_space<vmem_shared>>
      tpu.wait_dma2 semaphore(%run_scoped3A_142 : memref<!tpu.dma_semaphore, #tpu.memory_space<semaphore_mem>>) src(%dma_wait3A_152 : memref<640x64xf32, #tpu.memory_space<vmem_shared>>) dst(%dma_wait3A_150 : memref<640x64xf32, #tpu.memory_space<hbm>>)
      tpu.yield
    }) : () -> ()
    "tpu.region"() ({
      %run_scoped3A_142 = tpu.sem_alloc : memref<!tpu.dma_semaphore, #tpu.memory_space<semaphore_mem>>
      %dma_start3A_143 = tpu.memref_slice %arg7[%arg0, %mul3A_51] : memref<2x10240xf32, #tpu.memory_space<hbm>> -> memref<1x640xf32, #tpu.memory_space<hbm>>
      %dma_start3A_144 = tpu.memref_squeeze %dma_start3A_143 : memref<1x640xf32, #tpu.memory_space<hbm>> -> memref<640xf32, #tpu.memory_space<hbm>>
      %dma_start3A_145 = tpu.memref_slice %arg16[%mul3A_51] : memref<10240xf32, #tpu.memory_space<vmem_shared>> -> memref<640xf32, #tpu.memory_space<vmem_shared>>
      tpu.enqueue_dma source(%dma_start3A_145 : memref<640xf32, #tpu.memory_space<vmem_shared>>) target(%dma_start3A_144 : memref<640xf32, #tpu.memory_space<hbm>>) target_semaphore(%run_scoped3A_142 : memref<!tpu.dma_semaphore, #tpu.memory_space<semaphore_mem>>)
      %dma_wait3A_146 = tpu.memref_slice %arg7[%arg0, %mul3A_51] : memref<2x10240xf32, #tpu.memory_space<hbm>> -> memref<1x640xf32, #tpu.memory_space<hbm>>
      %dma_wait3A_147 = tpu.memref_squeeze %dma_wait3A_146 : memref<1x640xf32, #tpu.memory_space<hbm>> -> memref<640xf32, #tpu.memory_space<hbm>>
      %dma_wait3A_148 = tpu.memref_slice %arg16[%mul3A_51] : memref<10240xf32, #tpu.memory_space<vmem_shared>> -> memref<640xf32, #tpu.memory_space<vmem_shared>>
      tpu.wait_dma2 semaphore(%run_scoped3A_142 : memref<!tpu.dma_semaphore, #tpu.memory_space<semaphore_mem>>) src(%dma_wait3A_148 : memref<640xf32, #tpu.memory_space<vmem_shared>>) dst(%dma_wait3A_147 : memref<640xf32, #tpu.memory_space<hbm>>)
      tpu.yield
    }) : () -> ()
    return
  }
}

module attributes {stable_mosaic.version = 14 : i64} {
  func.func @_tc_layer1_body(%arg0: i32, %arg1: memref<2x2000x64xf32, #tpu.memory_space<vmem>>, %arg2: memref<2x2000x1xf32, #tpu.memory_space<vmem>>, %arg3: memref<2000x128xf32, #tpu.memory_space<vmem>>, %arg4: memref<128x128xf32, #tpu.memory_space<vmem>>, %arg5: memref<1x128xf32, #tpu.memory_space<vmem>>, %arg6: memref<128x128xf32, #tpu.memory_space<vmem>>, %arg7: memref<2000x128xf32, #tpu.memory_space<vmem>>) attributes {dimension_semantics = [#tpu.dimension_semantics<arbitrary>], iteration_bounds = array<i64: 5>, scalar_prefetch = 0 : i64, scratch_operands = 0 : i64, tpu.core_type = #tpu.core_type<tc>, window_params = [{transform_indices = @transform_0, window_bounds = array<i64: 2, 2000, 64>}, {transform_indices = @transform_1, window_bounds = array<i64: 2, 2000, 1>}, {transform_indices = @transform_2, window_bounds = array<i64: 2000, 128>}, {pipeline_mode = #tpu.pipeline_mode<synchronous>, transform_indices = @transform_3, window_bounds = array<i64: 128, 128>}, {pipeline_mode = #tpu.pipeline_mode<synchronous>, transform_indices = @transform_4, window_bounds = array<i64: 1, 128>}, {pipeline_mode = #tpu.pipeline_mode<synchronous>, transform_indices = @transform_5, window_bounds = array<i64: 128, 128>}, {transform_indices = @transform_6, window_bounds = array<i64: 2000, 128>}]} {
    %get3A = arith.constant 0 : index
    %get3A_0 = arith.constant 0 : index
    %get3A_1 = arith.constant 0 : index
    %get3A_2 = vector.load %arg2[%get3A, %get3A_0, %get3A_1] : memref<2x2000x1xf32, #tpu.memory_space<vmem>>, vector<1x2000x1xf32>
    %get3A_3 = vector.shape_cast %get3A_2 : vector<1x2000x1xf32> to vector<2000x1xf32>
    %get3A_4 = arith.constant 1 : index
    %get3A_5 = arith.constant 0 : index
    %get3A_6 = arith.constant 0 : index
    %get3A_7 = vector.load %arg2[%get3A_4, %get3A_5, %get3A_6] : memref<2x2000x1xf32, #tpu.memory_space<vmem>>, vector<1x2000x1xf32>
    %get3A_8 = vector.shape_cast %get3A_7 : vector<1x2000x1xf32> to vector<2000x1xf32>
    %add3A = arith.addf %get3A_3, %get3A_8 : vector<2000x1xf32>
    %max3A = arith.constant 1.000000e+00 : f32
    %max3A_9 = vector.broadcast %max3A : f32 to vector<2000x1xf32>
    %max3A_10 = arith.maximumf %add3A, %max3A_9 : vector<2000x1xf32>
    %get3A_11 = arith.constant 0 : index
    %get3A_12 = arith.constant 0 : index
    %get3A_13 = arith.constant 0 : index
    %get3A_14 = vector.load %arg1[%get3A_11, %get3A_12, %get3A_13] : memref<2x2000x64xf32, #tpu.memory_space<vmem>>, vector<1x2000x64xf32>
    %get3A_15 = vector.shape_cast %get3A_14 : vector<1x2000x64xf32> to vector<2000x64xf32>
    %get3A_16 = arith.constant 1 : index
    %get3A_17 = arith.constant 0 : index
    %get3A_18 = arith.constant 0 : index
    %get3A_19 = vector.load %arg1[%get3A_16, %get3A_17, %get3A_18] : memref<2x2000x64xf32, #tpu.memory_space<vmem>>, vector<1x2000x64xf32>
    %get3A_20 = vector.shape_cast %get3A_19 : vector<1x2000x64xf32> to vector<2000x64xf32>
    %concatenate3A = tpu.concatenate %get3A_15, %get3A_20 in 1 : vector<2000x64xf32>, vector<2000x64xf32> -> vector<2000x128xf32>
    %div3A = vector.broadcast %max3A_10 : vector<2000x1xf32> to vector<2000x128xf32>
    %div3A_21 = arith.divf %concatenate3A, %div3A : vector<2000x128xf32>
    %get3A_22 = arith.constant 0 : index
    %get3A_23 = arith.constant 0 : index
    %get3A_24 = vector.load %arg4[%get3A_22, %get3A_23] : memref<128x128xf32, #tpu.memory_space<vmem>>, vector<128x128xf32>
    %dot_general3A = arith.constant dense<0.000000e+00> : vector<2000x128xf32>
    %dot_general3A_25 = tpu.matmul %div3A_21, %get3A_24, %dot_general3A {dimension_numbers = #tpu.dot_dimension_numbers<[1], [0], [0], [1], [0, 0, 1, 1], [], []>, transpose_lhs_hint = false} : vector<2000x128xf32>, vector<128x128xf32>, vector<2000x128xf32> -> vector<2000x128xf32>
    %get3A_26 = arith.constant 0 : index
    %get3A_27 = arith.constant 0 : index
    %get3A_28 = vector.load %arg5[%get3A_26, %get3A_27] : memref<1x128xf32, #tpu.memory_space<vmem>>, vector<1x128xf32>
    %add3A_29 = vector.broadcast %get3A_28 : vector<1x128xf32> to vector<2000x128xf32>
    %add3A_30 = arith.addf %dot_general3A_25, %add3A_29 : vector<2000x128xf32>
    %get3A_31 = arith.constant 0 : index
    %get3A_32 = arith.constant 0 : index
    %get3A_33 = vector.load %arg3[%get3A_31, %get3A_32] : memref<2000x128xf32, #tpu.memory_space<vmem>>, vector<2000x128xf32>
    %get3A_34 = arith.constant 0 : index
    %get3A_35 = arith.constant 0 : index
    %get3A_36 = vector.load %arg6[%get3A_34, %get3A_35] : memref<128x128xf32, #tpu.memory_space<vmem>>, vector<128x128xf32>
    %dot_general3A_37 = arith.constant dense<0.000000e+00> : vector<2000x128xf32>
    %dot_general3A_38 = tpu.matmul %get3A_33, %get3A_36, %dot_general3A_37 {dimension_numbers = #tpu.dot_dimension_numbers<[1], [0], [0], [1], [0, 0, 1, 1], [], []>, transpose_lhs_hint = false} : vector<2000x128xf32>, vector<128x128xf32>, vector<2000x128xf32> -> vector<2000x128xf32>
    %add3A_39 = arith.addf %add3A_30, %dot_general3A_38 : vector<2000x128xf32>
    %max3A_40 = arith.constant 0.000000e+00 : f32
    %max3A_41 = vector.broadcast %max3A_40 : f32 to vector<2000x128xf32>
    %max3A_42 = arith.maximumf %add3A_39, %max3A_41 : vector<2000x128xf32>
    %swap3A = arith.constant 0 : index
    %swap3A_43 = arith.constant 0 : index
    %swap3A_44 = vector.load %arg7[%swap3A, %swap3A_43] : memref<2000x128xf32, #tpu.memory_space<vmem>>, vector<2000x128xf32>
    tpu.vector_store %arg7[%swap3A, %swap3A_43], %max3A_42 {strides = array<i32>} : memref<2000x128xf32, #tpu.memory_space<vmem>>, vector<2000x128xf32>,
    return
  }
  func.func @transform_0(%arg0: i32) -> (i32, i32, i32) {
    %c0_i32 = arith.constant 0 : i32
    %c0_i32_0 = arith.constant 0 : i32
    %c0_i32_1 = arith.constant 0 : i32
    return %c0_i32, %arg0, %c0_i32_0 : i32, i32, i32
  }
  func.func @transform_1(%arg0: i32) -> (i32, i32, i32) {
    %c0_i32 = arith.constant 0 : i32
    %c0_i32_0 = arith.constant 0 : i32
    %c0_i32_1 = arith.constant 0 : i32
    return %c0_i32, %arg0, %c0_i32_0 : i32, i32, i32
  }
  func.func @transform_2(%arg0: i32) -> (i32, i32) {
    %c0_i32 = arith.constant 0 : i32
    %c0_i32_0 = arith.constant 0 : i32
    return %arg0, %c0_i32 : i32, i32
  }
  func.func @transform_3(%arg0: i32) -> (i32, i32) {
    %c0_i32 = arith.constant 0 : i32
    %c0_i32_0 = arith.constant 0 : i32
    %c0_i32_1 = arith.constant 0 : i32
    return %c0_i32, %c0_i32_0 : i32, i32
  }
  func.func @transform_4(%arg0: i32) -> (i32, i32) {
    %c0_i32 = arith.constant 0 : i32
    %c0_i32_0 = arith.constant 0 : i32
    %c0_i32_1 = arith.constant 0 : i32
    return %c0_i32, %c0_i32_0 : i32, i32
  }
  func.func @transform_5(%arg0: i32) -> (i32, i32) {
    %c0_i32 = arith.constant 0 : i32
    %c0_i32_0 = arith.constant 0 : i32
    %c0_i32_1 = arith.constant 0 : i32
    return %c0_i32, %c0_i32_0 : i32, i32
  }
  func.func @transform_6(%arg0: i32) -> (i32, i32) {
    %c0_i32 = arith.constant 0 : i32
    %c0_i32_0 = arith.constant 0 : i32
    return %arg0, %c0_i32 : i32, i32
  }
}

module attributes {stable_mosaic.version = 14 : i64} {
  func.func @_tc_layer2_body(%arg0: i32, %arg1: memref<2x2000x64xf32, #tpu.memory_space<vmem>>, %arg2: memref<2x2000x1xf32, #tpu.memory_space<vmem>>, %arg3: memref<2000x128xf32, #tpu.memory_space<vmem>>, %arg4: memref<128x128xf32, #tpu.memory_space<vmem>>, %arg5: memref<1x128xf32, #tpu.memory_space<vmem>>, %arg6: memref<128x128xf32, #tpu.memory_space<vmem>>, %arg7: memref<128x128xf32, #tpu.memory_space<vmem>>, %arg8: memref<1x128xf32, #tpu.memory_space<vmem>>, %arg9: memref<2000x128xf32, #tpu.memory_space<vmem>>) attributes {dimension_semantics = [#tpu.dimension_semantics<arbitrary>], iteration_bounds = array<i64: 5>, scalar_prefetch = 0 : i64, scratch_operands = 0 : i64, tpu.core_type = #tpu.core_type<tc>, window_params = [{transform_indices = @transform_0, window_bounds = array<i64: 2, 2000, 64>}, {transform_indices = @transform_1, window_bounds = array<i64: 2, 2000, 1>}, {transform_indices = @transform_2, window_bounds = array<i64: 2000, 128>}, {pipeline_mode = #tpu.pipeline_mode<synchronous>, transform_indices = @transform_3, window_bounds = array<i64: 128, 128>}, {pipeline_mode = #tpu.pipeline_mode<synchronous>, transform_indices = @transform_4, window_bounds = array<i64: 1, 128>}, {pipeline_mode = #tpu.pipeline_mode<synchronous>, transform_indices = @transform_5, window_bounds = array<i64: 128, 128>}, {pipeline_mode = #tpu.pipeline_mode<synchronous>, transform_indices = @transform_6, window_bounds = array<i64: 128, 128>}, {pipeline_mode = #tpu.pipeline_mode<synchronous>, transform_indices = @transform_7, window_bounds = array<i64: 1, 128>}, {transform_indices = @transform_8, window_bounds = array<i64: 2000, 128>}]} {
    %get3A = arith.constant 0 : index
    %get3A_0 = arith.constant 0 : index
    %get3A_1 = arith.constant 0 : index
    %get3A_2 = vector.load %arg2[%get3A, %get3A_0, %get3A_1] : memref<2x2000x1xf32, #tpu.memory_space<vmem>>, vector<1x2000x1xf32>
    %get3A_3 = vector.shape_cast %get3A_2 : vector<1x2000x1xf32> to vector<2000x1xf32>
    %get3A_4 = arith.constant 1 : index
    %get3A_5 = arith.constant 0 : index
    %get3A_6 = arith.constant 0 : index
    %get3A_7 = vector.load %arg2[%get3A_4, %get3A_5, %get3A_6] : memref<2x2000x1xf32, #tpu.memory_space<vmem>>, vector<1x2000x1xf32>
    %get3A_8 = vector.shape_cast %get3A_7 : vector<1x2000x1xf32> to vector<2000x1xf32>
    %add3A = arith.addf %get3A_3, %get3A_8 : vector<2000x1xf32>
    %max3A = arith.constant 1.000000e+00 : f32
    %max3A_9 = vector.broadcast %max3A : f32 to vector<2000x1xf32>
    %max3A_10 = arith.maximumf %add3A, %max3A_9 : vector<2000x1xf32>
    %get3A_11 = arith.constant 0 : index
    %get3A_12 = arith.constant 0 : index
    %get3A_13 = arith.constant 0 : index
    %get3A_14 = vector.load %arg1[%get3A_11, %get3A_12, %get3A_13] : memref<2x2000x64xf32, #tpu.memory_space<vmem>>, vector<1x2000x64xf32>
    %get3A_15 = vector.shape_cast %get3A_14 : vector<1x2000x64xf32> to vector<2000x64xf32>
    %get3A_16 = arith.constant 1 : index
    %get3A_17 = arith.constant 0 : index
    %get3A_18 = arith.constant 0 : index
    %get3A_19 = vector.load %arg1[%get3A_16, %get3A_17, %get3A_18] : memref<2x2000x64xf32, #tpu.memory_space<vmem>>, vector<1x2000x64xf32>
    %get3A_20 = vector.shape_cast %get3A_19 : vector<1x2000x64xf32> to vector<2000x64xf32>
    %concatenate3A = tpu.concatenate %get3A_15, %get3A_20 in 1 : vector<2000x64xf32>, vector<2000x64xf32> -> vector<2000x128xf32>
    %div3A = vector.broadcast %max3A_10 : vector<2000x1xf32> to vector<2000x128xf32>
    %div3A_21 = arith.divf %concatenate3A, %div3A : vector<2000x128xf32>
    %get3A_22 = arith.constant 0 : index
    %get3A_23 = arith.constant 0 : index
    %get3A_24 = vector.load %arg4[%get3A_22, %get3A_23] : memref<128x128xf32, #tpu.memory_space<vmem>>, vector<128x128xf32>
    %dot_general3A = arith.constant dense<0.000000e+00> : vector<2000x128xf32>
    %dot_general3A_25 = tpu.matmul %div3A_21, %get3A_24, %dot_general3A {dimension_numbers = #tpu.dot_dimension_numbers<[1], [0], [0], [1], [0, 0, 1, 1], [], []>, transpose_lhs_hint = false} : vector<2000x128xf32>, vector<128x128xf32>, vector<2000x128xf32> -> vector<2000x128xf32>
    %get3A_26 = arith.constant 0 : index
    %get3A_27 = arith.constant 0 : index
    %get3A_28 = vector.load %arg5[%get3A_26, %get3A_27] : memref<1x128xf32, #tpu.memory_space<vmem>>, vector<1x128xf32>
    %add3A_29 = vector.broadcast %get3A_28 : vector<1x128xf32> to vector<2000x128xf32>
    %add3A_30 = arith.addf %dot_general3A_25, %add3A_29 : vector<2000x128xf32>
    %get3A_31 = arith.constant 0 : index
    %get3A_32 = arith.constant 0 : index
    %get3A_33 = vector.load %arg3[%get3A_31, %get3A_32] : memref<2000x128xf32, #tpu.memory_space<vmem>>, vector<2000x128xf32>
    %get3A_34 = arith.constant 0 : index
    %get3A_35 = arith.constant 0 : index
    %get3A_36 = vector.load %arg6[%get3A_34, %get3A_35] : memref<128x128xf32, #tpu.memory_space<vmem>>, vector<128x128xf32>
    %dot_general3A_37 = arith.constant dense<0.000000e+00> : vector<2000x128xf32>
    %dot_general3A_38 = tpu.matmul %get3A_33, %get3A_36, %dot_general3A_37 {dimension_numbers = #tpu.dot_dimension_numbers<[1], [0], [0], [1], [0, 0, 1, 1], [], []>, transpose_lhs_hint = false} : vector<2000x128xf32>, vector<128x128xf32>, vector<2000x128xf32> -> vector<2000x128xf32>
    %add3A_39 = arith.addf %add3A_30, %dot_general3A_38 : vector<2000x128xf32>
    %max3A_40 = arith.constant 0.000000e+00 : f32
    %max3A_41 = vector.broadcast %max3A_40 : f32 to vector<2000x128xf32>
    %max3A_42 = arith.maximumf %add3A_39, %max3A_41 : vector<2000x128xf32>
    %get3A_43 = arith.constant 0 : index
    %get3A_44 = arith.constant 0 : index
    %get3A_45 = vector.load %arg7[%get3A_43, %get3A_44] : memref<128x128xf32, #tpu.memory_space<vmem>>, vector<128x128xf32>
    %dot_general3A_46 = arith.constant dense<0.000000e+00> : vector<2000x128xf32>
    %dot_general3A_47 = tpu.matmul %max3A_42, %get3A_45, %dot_general3A_46 {dimension_numbers = #tpu.dot_dimension_numbers<[1], [0], [0], [1], [0, 0, 1, 1], [], []>, transpose_lhs_hint = false} : vector<2000x128xf32>, vector<128x128xf32>, vector<2000x128xf32> -> vector<2000x128xf32>
    %get3A_48 = arith.constant 0 : index
    %get3A_49 = arith.constant 0 : index
    %get3A_50 = vector.load %arg8[%get3A_48, %get3A_49] : memref<1x128xf32, #tpu.memory_space<vmem>>, vector<1x128xf32>
    %add3A_51 = vector.broadcast %get3A_50 : vector<1x128xf32> to vector<2000x128xf32>
    %add3A_52 = arith.addf %dot_general3A_47, %add3A_51 : vector<2000x128xf32>
    %swap3A = arith.constant 0 : index
    %swap3A_53 = arith.constant 0 : index
    %swap3A_54 = vector.load %arg9[%swap3A, %swap3A_53] : memref<2000x128xf32, #tpu.memory_space<vmem>>, vector<2000x128xf32>
    tpu.vector_store %arg9[%swap3A, %swap3A_53], %add3A_52 {strides = array<i32>} : memref<2000x128xf32, #tpu.memory_space<vmem>>, vector<2000x128xf32>,
    return
  }
  func.func @transform_0(%arg0: i32) -> (i32, i32, i32) {
    %c0_i32 = arith.constant 0 : i32
    %c0_i32_0 = arith.constant 0 : i32
    %c0_i32_1 = arith.constant 0 : i32
    return %c0_i32, %arg0, %c0_i32_0 : i32, i32, i32
  }
  func.func @transform_1(%arg0: i32) -> (i32, i32, i32) {
    %c0_i32 = arith.constant 0 : i32
    %c0_i32_0 = arith.constant 0 : i32
    %c0_i32_1 = arith.constant 0 : i32
    return %c0_i32, %arg0, %c0_i32_0 : i32, i32, i32
  }
  func.func @transform_2(%arg0: i32) -> (i32, i32) {
    %c0_i32 = arith.constant 0 : i32
    %c0_i32_0 = arith.constant 0 : i32
    return %arg0, %c0_i32 : i32, i32
  }
  func.func @transform_3(%arg0: i32) -> (i32, i32) {
    %c0_i32 = arith.constant 0 : i32
    %c0_i32_0 = arith.constant 0 : i32
    %c0_i32_1 = arith.constant 0 : i32
    return %c0_i32, %c0_i32_0 : i32, i32
  }
  func.func @transform_4(%arg0: i32) -> (i32, i32) {
    %c0_i32 = arith.constant 0 : i32
    %c0_i32_0 = arith.constant 0 : i32
    %c0_i32_1 = arith.constant 0 : i32
    return %c0_i32, %c0_i32_0 : i32, i32
  }
  func.func @transform_5(%arg0: i32) -> (i32, i32) {
    %c0_i32 = arith.constant 0 : i32
    %c0_i32_0 = arith.constant 0 : i32
    %c0_i32_1 = arith.constant 0 : i32
    return %c0_i32, %c0_i32_0 : i32, i32
  }
  func.func @transform_6(%arg0: i32) -> (i32, i32) {
    %c0_i32 = arith.constant 0 : i32
    %c0_i32_0 = arith.constant 0 : i32
    %c0_i32_1 = arith.constant 0 : i32
    return %c0_i32, %c0_i32_0 : i32, i32
  }
  func.func @transform_7(%arg0: i32) -> (i32, i32) {
    %c0_i32 = arith.constant 0 : i32
    %c0_i32_0 = arith.constant 0 : i32
    %c0_i32_1 = arith.constant 0 : i32
    return %c0_i32, %c0_i32_0 : i32, i32
  }
  func.func @transform_8(%arg0: i32) -> (i32, i32) {
    %c0_i32 = arith.constant 0 : i32
    %c0_i32_0 = arith.constant 0 : i32
    return %arg0, %c0_i32 : i32, i32
  }
}

</mosaic_0001>

<sc_bundles>
// kernel: kernel.6.cloned.1.call-start
scs
__scs_entry_jumppad:
0x0: {  	(pc) =	sbr.rel $0x88, $3  }
0x1: {  	(tag) =	ssettag $0x0;
	lr =	simm.s32 $0x1  }
0x2: {  	[smem:$0x3F97] =	sst lr;
	_ =	strace $0xD0000000  }
0x3: {  	_ = 	snop  }
0x4: {  	_ = 	snop  }
0x5: {  	_ = 	snop  }
0x6: {  	_ = 	snop  }
0x7: {  	_ = 	snop  }
__scs_overlays_trampoline_lowered:
0x8: {  	[smem:$0x3FA6] =	sst s0  }
0x9: {  	[smem:$0x3FA7] =	sst s1  }
0xa: {  	[smem:$0x3FA8] =	sst s2  }
0xb: {  	[smem:$0x3FA9] =	sst s3  }
0xc: {  	[smem:$0x3FAA] =	sst s4  }
0xd: {  	[smem:$0x3FAB] =	sst s5  }
0xe: {  	[smem:$0x3FAC] =	sst s6  }
0xf: {  	[smem:$0x3FAD] =	sst s7  }
0x10: {  	[smem:$0x3FAE] =	sst s8  }
0x11: {  	[smem:$0x3FAF] =	sst s9;
	s0 =	simm.s32 @!p0 $0x0  }
0x12: {  	s1 =	sld [smem:$0x3F95];
	s0 =	simm.s32 @p0 $0x1  }
0x13: {  	[smem:$0x3FB0] =	sst s0;
	s0 =	simm.s32 @!p1 $0x0  }
0x14: {  	s2 =	sld [smem:$0x3F94];
	s0 =	simm.s32 @p1 $0x1  }
0x15: {  	[smem:$0x3FB1] =	sst s0;
	s0 =	simm.s32 @!p2 $0x0  }
0x16: {  	s3 =	sld [smem:$0x3FDB];
	s0 =	simm.s32 @p2 $0x1  }
0x17: {  	s4 =	simm.s32 $0x1BF5;
	[smem:$0x3FB3] =	sst s0  }
0x18: {  	s0 =	sld [smem:$0x3F96];
	_ =	swait.ge [sflag:s4], $0x0  }
0x19: {  	s7 =	sld [smem:$0x3F97]  }
0x1a: {  	s8 =	sadd.s32 $0xFFFFE003, lr  }
0x1b: {  	s9 =	sadd.s32 $0xFFFFFEF7, lr;
	s5 =	simm.s32 $0xFFFFFFFF;
	p2 =	slt.u32 s8, $0xFFFFF086  }
0x1c: {  	p1 =	slt.u32 s9, $0xF7A;
	s5 =	simm.s32 @!p2 $0x0  }
0x1d: {  	s5 =	simm.s32 @p1 $0x1;
	p0 =	seq.s32 s7, s2  }
0x1e: {  	s7 =	smul.u32 @!p0 $0xF7A, s2;
	p2 =	seq.s32 @!p0 s5, $0x0  }
0x1f: {  	s9 =	smul.u32 $0xF7A, s1;
	s8 =	simm.s32 @!p0 $0x1BF5;
	p2 =	por !p2, p0  }
0x20: {  	[sflag:s8] =	ssyncset.s32 @!p0 $0xFFFFF086;
	s6 =	sadd.s32 @!p0 s3, s7;
	s7 =	simm.s32 @!p0 $0x108  }
0x21: {  	s3 =	sadd.s32 s3, s9;
	s6 =	sadd.s32 @!p0 $0x88, s6;
	s7 =	simm.s32 @p2 $0x1082  }
0x22: {  	[simem:s7], [sflag:s8] =	dma.local @!p0 [hbm:s6], $0xF7A  }
0x23: {  	s9 =	sor.u32 $0xD0000000, s2;
	s6 =	simm.s32 $0x108;
	_ =	swait.ge @!p0 [sflag:s8], $0x0  }
0x24: {  	s3 =	sadd.s32 $0x88, s3;
	s6 =	simm.s32 @!p1 $0x1082;
	[sflag:s4] =	ssyncset.s32 $0xFFFFF086  }
0x25: {  	[simem:s6], [sflag:s4] =	dma.local [hbm:s3], $0xF7A  }
0x26: {  	[smem:$0x3F97] =	sst s1;
	(tag) =	ssettag s2;
	_ =	strace s9  }
0x27: {  	s1 =	sld [smem:$0x3FA7]  }
0x28: {  	s2 =	sld [smem:$0x3FA8]  }
0x29: {  	s4 =	sld [smem:$0x3FAA]  }
0x2a: {  	p0 =	seq.s32 s5, $0x0;
	s5 =	sld [smem:$0x3FAB]  }
0x2b: {  	s6 =	sld [smem:$0x3FAC]  }
0x2c: {  	s7 =	sld [smem:$0x3FAD]  }
0x2d: {  	s3 =	simm.s32 $0x108;
	s8 =	sld [smem:$0x3FAE]  }
0x2e: {  	s3 =	simm.s32 @!p0 $0x1082;
	s9 =	sld [smem:$0x3FAF]  }
0x2f: {  	lr =	sadd.s32 s0, s3;
	s0 =	sld [smem:$0x3FA6]  }
0x30: {  	s3 =	sld [smem:$0x3FA9]  }
0x31: {  	[smem:$0x3FB2] =	sst s10  }
0x32: {  	s10 =	sld [smem:$0x3FB0];
	_ =	sdelay $0x3  }
0x33: {  	p0 =	seq.s32 s10, $0x1;
	s10 =	sld [smem:$0x3FB2];
	_ =	sdelay $0x3  }
0x34: {  	[smem:$0x3FB2] =	sst s10  }
0x35: {  	s10 =	sld [smem:$0x3FB1];
	_ =	sdelay $0x3  }
0x36: {  	p1 =	seq.s32 s10, $0x1;
	s10 =	sld [smem:$0x3FB2];
	_ =	sdelay $0x3  }
0x37: {  	[smem:$0x3FB2] =	sst s10  }
0x38: {  	s10 =	sld [smem:$0x3FB3]  }
0x39: {  	_ = 	snop;
	(pc) =	sbr.ind lr, $3  }
0x3a: {  	_ = 	snop  }
0x3b: {  	_ = 	snop  }
0x3c: {  	p2 =	seq.s32 s10, $0x1;
	s10 =	sld [smem:$0x3FB2]  }
0x3d: {  	_ =	shalt  }
0x3e: {  	_ =	shalt  }
0x3f: {  	_ =	shalt  }
0x40: {  	_ =	shalt  }
0x41: {  	_ =	shalt  }
0x42: {  	_ =	shalt  }
0x43: {  	_ =	shalt  }
0x44: {  	_ =	shalt  }
0x45: {  	_ =	shalt  }
0x46: {  	_ =	shalt  }
0x47: {  	_ =	shalt  }
0x48: {  	_ =	shalt  }
0x49: {  	_ =	shalt  }
0x4a: {  	_ =	shalt  }
0x4b: {  	_ =	shalt  }
0x4c: {  	_ =	shalt  }
0x4d: {  	_ =	shalt  }
0x4e: {  	_ =	shalt  }
0x4f: {  	_ =	shalt  }
0x50: {  	_ =	shalt  }
0x51: {  	_ =	shalt  }
0x52: {  	_ =	shalt  }
0x53: {  	_ =	shalt  }
0x54: {  	_ =	shalt  }
0x55: {  	_ =	shalt  }
0x56: {  	_ =	shalt  }
0x57: {  	_ =	shalt  }
0x58: {  	_ =	shalt  }
0x59: {  	_ =	shalt  }
0x5a: {  	_ =	shalt  }
0x5b: {  	_ =	shalt  }
0x5c: {  	_ =	shalt  }
0x5d: {  	_ =	shalt  }
0x5e: {  	_ =	shalt  }
0x5f: {  	_ =	shalt  }
0x60: {  	_ =	shalt  }
0x61: {  	_ =	shalt  }
0x62: {  	_ =	shalt  }
0x63: {  	_ =	shalt  }
0x64: {  	_ =	shalt  }
0x65: {  	_ =	shalt  }
0x66: {  	_ =	shalt  }
0x67: {  	_ =	shalt  }
0x68: {  	_ =	shalt  }
0x69: {  	_ =	shalt  }
0x6a: {  	_ =	shalt  }
0x6b: {  	_ =	shalt  }
0x6c: {  	_ =	shalt  }
0x6d: {  	_ =	shalt  }
0x6e: {  	_ =	shalt  }
0x6f: {  	_ =	shalt  }
0x70: {  	_ =	shalt  }
0x71: {  	_ =	shalt  }
0x72: {  	_ =	shalt  }
0x73: {  	_ =	shalt  }
0x74: {  	_ =	shalt  }
0x75: {  	_ =	shalt  }
0x76: {  	_ =	shalt  }
0x77: {  	_ =	shalt  }
0x78: {  	_ =	shalt  }
0x79: {  	_ =	shalt  }
0x7a: {  	_ =	shalt  }
0x7b: {  	_ =	shalt  }
0x7c: {  	_ =	shalt  }
0x7d: {  	_ =	shalt  }
0x7e: {  	_ =	shalt  }
0x7f: {  	_ =	shalt  }
0x80: {  	_ =	shalt  }
0x81: {  	_ =	shalt  }
0x82: {  	_ =	shalt  }
0x83: {  	_ =	shalt  }
0x84: {  	_ =	shalt  }
0x85: {  	_ =	shalt  }
0x86: {  	_ =	shalt  }
0x87: {  	_ =	shalt  }
.Lfunc_end0:
.L_simem_size_0:
called_computation_lowered:
.L_overlay_start_0:
0x88: {  	s2 =	sld [smem:$0x3FD9]  }
0x89: {  	s3 =	sld [smem:$0x3FFE];
	_ =	sdelay $0x1  }
0x8a: {  	s1 =	srdreg.scid  }
0x8b: {  	s0 =	sand.u32 $0x1, s1  }
0x8c: {  	s17 =	sshll.u32 s0, $0xA;
	s2 =	sadd.s32 s3, s2  }
0x8d: {  	s2 =	sadd.s32 s2, s17  }
0x8e: {  	[smem:$0x3FBE] =	sst s2  }
0x8f: {  	_ = 	snop  }
0x90: {  	s2 =	sld [smem:$0x3FC9]  }
0x91: {  	s18 =	sld [smem:$0x3FD0];
	(tm) =	ssettm $0x1  }
0x92: {  	s4 =	sld [smem:$0x3FFB];
	_ =	sdelay $0x3  }
0x93: {  	_ =	strace s4  }
0x94: {  	s4 =	sld [smem:$0x3FFC];
	_ =	sdelay $0x3  }
0x95: {  	_ =	strace s4  }
0x96: {  	s4 =	sld [smem:$0x3FFD];
	_ =	sdelay $0x3  }
0x97: {  	_ =	strace s4  }
0x98: {  	_ =	strace $0x8FFFFFFF  }
0x99: {  	s19 =	sld [smem:$0x3FDB];
	_ =	sdelay $0x1  }
0x9a: {  	s5 =	simm.s32 $_scs_section_size  }
0x9b: {  	s6 =	simm.s32 $_size__tile_overlayer_lowered;
	s7 =	simm.s32 $_tile_overlayer_lowered  }
0x9c: {  	s22 =	simm.s32 $0x1BFF;
	s21 =	sshll.u32 s7, $0x1;
	s4 =	sadd.s32 s5, s19  }
0x9d: {  	s8 =	simm.s32 $0x0;
	s20 =	sshll.u32 s6, $0x1;
	s6 =	sadd.s32 s21, s4  }
0x9e: {  	[timem:s8], [sflag:s22] =	dma.local [hbm:s6], s20  }
0x9f: {  	_ =	swait.ge [sflag:s22], s20  }
0xa0: {  	s5 =	ssub.s32 $0x0, s20;
	[sflag:s22] =	ssyncset.done $0x0  }
0xa1: {  	[sflag:s22] =	ssyncadd.s32 s5;
	_ =	sdelay $0x1  }
0xa2: {  	s23 =	simm.s32 $0x1B8B  }
0xa3: {  	_ =	swait.ge [sflag:s23], $0x1  }
0xa4: {  	[sflag:s23] =	ssyncset.done $0x0  }
0xa5: {  	s25 =	simm.s32 $0x1B8E;
	s24 =	sld [smem:$0x3FFE];
	[sflag:s23] =	ssyncadd.s32 $0xFFFFFFFF  }
0xa6: {  	s26 =	simm.s32 $execute0_lowered;
	[smem:$0x3FD2] =	sst s25  }
0xa7: {  	s6 =	sshll.u32 s26, $0x1;
	_ =	strace $0x80000046;
	[dreg:$0x1] =	wrdreg $0xFFFFFFFF  }
0xa8: {  	s28 =	simm.s32 $_size_execute0_lowered;
	s4 =	sadd.s32 s4, s6;
	[dreg:$0x0] =	wrdreg $0x0  }
0xa9: {  	s6 =	sshll.u32 s28, $0x1;
	[dreg:$0x2] =	wrdreg s4  }
0xaa: {  	[dreg:$0x3] =	wrdreg s6  }
0xab: {  	[dreg:$0x4] =	wrdreg $0xC0  }
0xac: {  	_ =	task [dreg:s8], $0x5FFFF  }
0xad: {  	[dreg:$0x1] =	wrdreg $0xFFFFFFFF  }
0xae: {  	[dreg:$0x0] =	wrdreg $0x60  }
0xaf: {  	[dreg:$0x2] =	wrdreg s2  }
0xb0: {  	[dreg:$0x3] =	wrdreg s24  }
0xb1: {  	[dreg:$0x4] =	wrdreg s18  }
0xb2: {  	[dreg:$0x5] =	wrdreg $0x11D800  }
0xb3: {  	[dreg:$0x6] =	wrdreg $0x1BD800  }
0xb4: {  	[dreg:$0x7] =	wrdreg $0x9  }
0xb5: {  	_ =	task.clear_ibuf [dreg:s8], $0x8FFFF;
	_ =	strace $0x90000046  }
0xb6: {  	s29 =	simm.s32 $0x9;
	_ =	strace $0x80000048  }
0xb7: {  	_ =	swait.ge [sflag:s29], $0x1  }
0xb8: {  	[sflag:s29] =	ssyncadd.s32 $0xFFFFFFFF  }
0xb9: {  	_ =	strace $0x90000048  }
0xba: {  	_ =	sfence  }
0xbb: {  	s30 =	sld [smem:$0x0];
	_ =	sdelay $0x2  }
0xbc: {  	s31 =	sshll.u32 s1, $0xD;
	s1 =	sshrl.u32 s1, $0x2  }
0xbd: {  	s3 =	sand.u32 $0x4000, s31;
	s1 =	sadd.s32 s1, s30  }
0xbe: {  	s0 =	sor.u32 s3, s0;
	s1 =	sshll.u32 s1, $0x11  }
0xbf: {  	s0 =	sor.u32 s1, s0  }
0xc0: {  	s0 =	sadd.s32 $0x8F2B, s0  }
0xc1: {  	[sflag:s0] =	ssyncadd.remote.s32 $0x1  }
0xc2: {  	_ =	sfence.sel $0xFFFF  }
0xc3: {  	[dreg:$0x0] =	wrdreg $0xFFFFFFFF;
	(pc) =	sbr.abs _section_cstart, $3  }
0xc4: {  	[dreg:$0x1] =	wrdreg $0xFFFFFFFF  }
0xc5: {  	_ =	task.clear_ibuf [dreg:s8], $0x2FFFF;
	_ =	strace $0x9FFFFFFF  }
0xc6: {  	(tm) =	ssettm $0x7FFFFFFF  }
0xc7: {  	_ =	shalt  }
tec
execute0_lowered:
.L_overlay_start_1:
0x0: {  	(tag) =	ssettag $0x1  }
0x1: {  	s1 =	rddreg [dreg:$0x0]  }
0x2: {  	s0 =	rddreg [dreg:$0x1]  }
0x3: {  	s2 =	rddreg [dreg:$0x2]  }
0x4: {  	s3 =	rddreg [dreg:$0x3]  }
0x5: {  	s11 =	stileid.u32;
	s5 =	srdreg.scid  }
0x6: {  	s4 =	rddreg [dreg:$0x4];
	s6 =	simm.s32 $0x0;
	s7 =	smul.u32 $0xA000, s11  }
0x7: {  	s28 =	simm.s32 $0x9D00;
	s29 =	simm.s32 $0xA;
	s9 =	smul.u32 $0x9D0, s11  }
0x8: {  	s30 =	simm.s32 $0x80;
	s5 =	sand.u32 $0x1, s5;
	s12 =	smul.u32 $0x280, s11  }
0x9: {  	s31 =	simm.s32 $0xBD00;
	[smem:$0x7FF] =	sst s6;
	s8 =	smul.u32 $0xA0000, s5  }
0xa: {  	_ =	strace $0x80000047;
	s10 =	ssub.s32 $0x2, s5;
	p0 =	seq.s32 s5, $0x0  }
0xb: {  	s9 =	sadd.s32 s9, s0;
	s25 =	sshrl.u32 s10, $0x1;
	s26 =	sadd.s32 $0x80, s12  }
0xc: {  	s13 =	sadd.s32 $0x100, s12;
	s14 =	sadd.s32 $0x180, s12;
	s19 =	sadd.s32 $0x200, s12  }
0xd: {  	s8 =	sadd.s32 s7, s8;
	s7 =	sadd.s32 s7, s3;
	s16 =	sshll.u32 s26, $0x6  }
0xe: {  	s17 =	sshll.u32 s13, $0x6;
	s15 =	sshll.u32 s14, $0x6;
	s22 =	sadd.s32 s13, s4  }
0xf: {  	s13 =	simm.s32 $0x9;
	s8 =	sshrl.u32 s8, $0x3;
	s11 =	sadd.s32 s16, s3  }
0x10: {  	s18 =	sadd.s32 s15, s3;
	s16 =	sshll.u32 s19, $0x6;
	[dreg:$0xd] =	wrdreg s22  }
0x11: {  	s15 =	simm.s32 $0x4;
	s0 =	sadd.s32 s8, s0;
	[dreg:$0x6] =	wrdreg s11  }
0x12: {  	s8 =	ssub.s32 s10, s25;
	s11 =	sadd.s32 s17, s3;
	[dreg:$0x8] =	wrdreg s18  }
0x13: {  	s17 =	smul.u32 $0x2800, s5;
	s16 =	sadd.s32 s16, s3;
	[dreg:$0x7] =	wrdreg s11  }
0x14: {  	s10 =	sadd.s32 s26, s4;
	s25 =	sadd.s32 s14, s4;
	[dreg:$0x9] =	wrdreg s16  }
0x15: {  	s14 =	simm.s32 $0x3;
	s11 =	sadd.s32 s12, s4;
	[dreg:$0xb] =	wrdreg s10  }
0x16: {  	[dreg:$0xf] =	wrdreg s25;
	s25 =	smax.u32 s8, $0x1;
	s20 =	sadd.s32 $0x40, s11  }
0x17: {  	s8 =	simm.s32 $0x2;
	s21 =	sadd.s32 $0xC0, s11;
	[dreg:$0xa] =	wrdreg s20  }
0x18: {  	s23 =	sadd.s32 s12, s17;
	s24 =	sadd.s32 $0x140, s11;
	[dreg:$0xc] =	wrdreg s21  }
0x19: {  	s26 =	sadd.s32 $0x1C0, s11;
	s12 =	simm.s32 $0x5;
	[dreg:$0xe] =	wrdreg s24  }
0x1a: {  	s10 =	sshrl.u32 s23, $0x3;
	[dreg:$0x11] =	wrdreg s26;
	s21 =	sadd.s32 s19, s4  }
0x1b: {  	s23 =	sadd.s32 $0xCA00, s9;
	s24 =	sadd.s32 $0x20600, s0;
	s2 =	sadd.s32 s2, s10  }
0x1c: {  	s26 =	sadd.s32 $0x240, s11;
	[dreg:$0x10] =	wrdreg s2;
	s2 =	simm.s32 $0x2C00  }
0x1d: {  	s0 =	simm.s32 $0xDD00;
	s10 =	simm.s32 $0x8;
	s2 =	simm.s32 @!p0 $0x16800  }
0x1e: {  	v0 =	vimm.f32 $0.0e+00;
	v1 =	vimm.f32 $1.000000000e+00;
	s22 =	sadd.s32 s2, s9;
	s2 =	simm.s32 $0x1;
	s9 =	simm.s32 $0xFD00  }
.LBB2_1:
0x1f: {  	s17 =	simm.s32 $0x100;
	s16 =	simm.s32 $0x0  }
.LBB2_2:
0x20: {  	p0 =	sne.s32 s17, $0x7F00;
	[tilespmem:s16+$0x9D30] =	vst v0;
	s18 =	smov.u32 s17;
	s17 =	sadd.s32 $0x100, s17  }
.Ltmp0:
0x21: {  	[tilespmem:s16+$0x9D20] =	vst v0;
	(pc) =	sbr.rel @p0 .LBB2_2-.Ltmp0, $3  }
0x22: {  	[tilespmem:s16+$0x9D00] =	vst v0  }
0x23: {  	[tilespmem:s16+$0x9D10] =	vst v0;
	_ =	sdelay $0x1  }
0x24: {  	s16 =	sshra.s32 s18, $0x2  }
0x25: {  	[tilespmem:s16+$0x9D30] =	vst v0  }
0x26: {  	[tilespmem:s16+$0x9D20] =	vst v0  }
0x27: {  	[tilespmem:s16+$0x9D00] =	vst v0  }
0x28: {  	[tilespmem:s16+$0x9D10] =	vst v0  }
0x29: {  	[tilespmem:$0x11D00] =	vst v1  }
0x2a: {  	[tilespmem:$0x11D10] =	vst v1  }
0x2b: {  	[tilespmem:$0x11D20] =	vst v1  }
0x2c: {  	[tilespmem:$0x11D30] =	vst v1  }
0x2d: {  	[tilespmem:$0x11D40] =	vst v1  }
0x2e: {  	[tilespmem:$0x11D50] =	vst v1  }
0x2f: {  	[tilespmem:$0x11D60] =	vst v1  }
0x30: {  	[tilespmem:$0x11D70] =	vst v1  }
0x31: {  	[spmem:s7] =	stream.linear.scatter [tilespmem:s28], [sflag:$0xA], $0x2000, $0x38;
	[tilespmem:$0x1C000] =	vst v63  }
0x32: {  	_ =	swait.ge [sflag:s29], $0x2000  }
0x33: {  	[sflag:s29] =	ssyncset.done $0x0  }
0x34: {  	s18 =	rddreg [dreg:$0x6];
	[sflag:s29] =	ssyncadd.s32 $0xFFFFE000  }
0x35: {  	[spmem:s18] =	stream.linear.scatter [tilespmem:s28], [sflag:$0xA], $0x2000, $0x38;
	[tilespmem:$0x1C000] =	vst v63  }
0x36: {  	_ =	swait.ge [sflag:s29], $0x2000  }
0x37: {  	[sflag:s29] =	ssyncset.done $0x0  }
0x38: {  	s19 =	rddreg [dreg:$0x7];
	[sflag:s29] =	ssyncadd.s32 $0xFFFFE000  }
0x39: {  	[spmem:s19] =	stream.linear.scatter [tilespmem:s28], [sflag:$0xA], $0x2000, $0x38;
	[tilespmem:$0x1C000] =	vst v63  }
0x3a: {  	_ =	swait.ge [sflag:s29], $0x2000  }
0x3b: {  	[sflag:s29] =	ssyncset.done $0x0  }
0x3c: {  	s20 =	rddreg [dreg:$0x8];
	[sflag:s29] =	ssyncadd.s32 $0xFFFFE000  }
0x3d: {  	[spmem:s20] =	stream.linear.scatter [tilespmem:s28], [sflag:$0xA], $0x2000, $0x38;
	[tilespmem:$0x1C000] =	vst v63  }
0x3e: {  	_ =	swait.ge [sflag:s29], $0x2000  }
0x3f: {  	[sflag:s29] =	ssyncset.done $0x0  }
0x40: {  	s17 =	rddreg [dreg:$0x9];
	[sflag:s29] =	ssyncadd.s32 $0xFFFFE000  }
0x41: {  	[spmem:s17] =	stream.linear.scatter [tilespmem:s28], [sflag:$0xA], $0x2000, $0x38;
	[tilespmem:$0x1C000] =	vst v63  }
0x42: {  	_ =	swait.ge [sflag:s29], $0x2000  }
0x43: {  	[sflag:s29] =	ssyncset.done $0x0  }
0x44: {  	[sflag:s29] =	ssyncadd.s32 $0xFFFFE000  }
0x45: {  	[spmem:s11] =	stream.linear.scatter [tilespmem:s28], [sflag:$0xA], $0x40, $0x38;
	[tilespmem:$0x1C000] =	vst v63  }
0x46: {  	_ =	swait.ge [sflag:s29], $0x40  }
0x47: {  	[sflag:s29] =	ssyncset.done $0x0  }
0x48: {  	s18 =	rddreg [dreg:$0xa];
	[sflag:s29] =	ssyncadd.s32 $0xFFFFFFC0  }
0x49: {  	[spmem:s18] =	stream.linear.scatter [tilespmem:s28], [sflag:$0xA], $0x40, $0x38;
	[tilespmem:$0x1C000] =	vst v63  }
0x4a: {  	_ =	swait.ge [sflag:s29], $0x40  }
0x4b: {  	[sflag:s29] =	ssyncset.done $0x0  }
0x4c: {  	s19 =	rddreg [dreg:$0xb];
	[sflag:s29] =	ssyncadd.s32 $0xFFFFFFC0  }
0x4d: {  	[spmem:s19] =	stream.linear.scatter [tilespmem:s28], [sflag:$0xA], $0x40, $0x38;
	[tilespmem:$0x1C000] =	vst v63  }
0x4e: {  	_ =	swait.ge [sflag:s29], $0x40  }
0x4f: {  	[sflag:s29] =	ssyncset.done $0x0  }
0x50: {  	s20 =	rddreg [dreg:$0xc];
	[sflag:s29] =	ssyncadd.s32 $0xFFFFFFC0  }
0x51: {  	[spmem:s20] =	stream.linear.scatter [tilespmem:s28], [sflag:$0xA], $0x40, $0x38;
	[tilespmem:$0x1C000] =	vst v63  }
0x52: {  	_ =	swait.ge [sflag:s29], $0x40  }
0x53: {  	[sflag:s29] =	ssyncset.done $0x0  }
0x54: {  	s17 =	rddreg [dreg:$0xd];
	[sflag:s29] =	ssyncadd.s32 $0xFFFFFFC0  }
0x55: {  	[spmem:s17] =	stream.linear.scatter [tilespmem:s28], [sflag:$0xA], $0x40, $0x38;
	[tilespmem:$0x1C000] =	vst v63  }
0x56: {  	_ =	swait.ge [sflag:s29], $0x40  }
0x57: {  	[sflag:s29] =	ssyncset.done $0x0  }
0x58: {  	s18 =	rddreg [dreg:$0xe];
	[sflag:s29] =	ssyncadd.s32 $0xFFFFFFC0  }
0x59: {  	[spmem:s18] =	stream.linear.scatter [tilespmem:s28], [sflag:$0xA], $0x40, $0x38;
	[tilespmem:$0x1C000] =	vst v63  }
0x5a: {  	_ =	swait.ge [sflag:s29], $0x40  }
0x5b: {  	[sflag:s29] =	ssyncset.done $0x0  }
0x5c: {  	s19 =	rddreg [dreg:$0xf];
	[sflag:s29] =	ssyncadd.s32 $0xFFFFFFC0  }
0x5d: {  	[spmem:s19] =	stream.linear.scatter [tilespmem:s28], [sflag:$0xA], $0x40, $0x38;
	[tilespmem:$0x1C000] =	vst v63  }
0x5e: {  	_ =	swait.ge [sflag:s29], $0x40  }
0x5f: {  	[sflag:s29] =	ssyncset.done $0x0  }
0x60: {  	s20 =	rddreg [dreg:$0x11];
	[sflag:s29] =	ssyncadd.s32 $0xFFFFFFC0  }
0x61: {  	[spmem:s20] =	stream.linear.scatter [tilespmem:s28], [sflag:$0xA], $0x40, $0x38;
	[tilespmem:$0x1C000] =	vst v63  }
0x62: {  	_ =	swait.ge [sflag:s29], $0x40  }
0x63: {  	[sflag:s29] =	ssyncset.done $0x0  }
0x64: {  	[sflag:s29] =	ssyncadd.s32 $0xFFFFFFC0  }
0x65: {  	[spmem:s21] =	stream.linear.scatter [tilespmem:s28], [sflag:$0xA], $0x40, $0x38;
	[tilespmem:$0x1C000] =	vst v63  }
0x66: {  	_ =	swait.ge [sflag:s29], $0x40  }
0x67: {  	[sflag:s29] =	ssyncset.done $0x0  }
0x68: {  	[sflag:s29] =	ssyncadd.s32 $0xFFFFFFC0  }
0x69: {  	[spmem:s26] =	stream.linear.scatter [tilespmem:s28], [sflag:$0xA], $0x40, $0x38;
	[tilespmem:$0x1C000] =	vst v63  }
0x6a: {  	_ =	swait.ge [sflag:s29], $0x40  }
0x6b: {  	[sflag:s29] =	ssyncset.done $0x0  }
0x6c: {  	[sflag:s29] =	ssyncadd.s32 $0xFFFFFFC0  }
0x6d: {  	s16 =	simm.s32 $0x0;
	[bflag:$0x0] =	sbarrier.arrive $0xFFFF  }
0x6e: {  	[tilespmem:s16], [sflag:$0xA] =	stream.linear.gather [hbm4b:s22+s16], $0x4E80, $0x38;
	[tilespmem:$0x1C000] =	vst v63  }
0x6f: {  	_ =	swait.ge [sflag:s29], $0x4E80  }
0x70: {  	[sflag:s29] =	ssyncset.done $0x0  }
0x71: {  	s17 =	simm.s32 $0x4E80;
	[sflag:s29] =	ssyncadd.s32 $0xFFFFB180  }
0x72: {  	[tilespmem:s17], [sflag:$0xA] =	stream.linear.gather [hbm4b:s23+s16], $0x4E80, $0x38;
	[tilespmem:$0x1C000] =	vst v63  }
0x73: {  	_ =	swait.ge [sflag:s29], $0x4E80  }
.Ltmp1:
0x74: {  	[sflag:s29] =	ssyncset.done $0x0;
	(pc) =	sbr.rel .LBB2_4-.Ltmp1, $4  }
0x75: {  	[sflag:s29] =	ssyncadd.s32 $0xFFFFB180  }
0x76: {  	[tilespmem:s28], [sflag:$0x1] =	stream.indirect.gather [hbm4b:s1+s30], $0x40, s16, s30, $0xb8;
	[tilespmem:$0x1C000] =	vst v63  }
0x77: {  	s18 =	simm.s32 $0x100  }
0x78: {  	[tilespmem:s31], [sflag:$0x2] =	stream.indirect.gather [hbm4b:s1+s30], $0x40, s30, s30, $0xb8;
	[tilespmem:$0x1C000] =	vst v63  }
.LBB2_13:
0x79: {  	_ =	swait.ge [sflag:s15], $0x2000  }
0x7a: {  	[sflag:s15] =	ssyncset.done $0x0  }
0x7b: {  	s19 =	simm.s32 @!p0 $0x6;
	[sflag:s15] =	ssyncadd.s32 $0xFFFFE000  }
0x7c: {  	[spmem:s3] =	stream.indirect.scatter.add.f32 [tilespmem:s9], [sflag:$0x8], $0x40, s17, s30, $0xb8;
	[tilespmem:$0x1C000] =	vst v63  }
0x7d: {  	_ =	swait.ge @!p0 [sflag:s19], $0x2000  }
0x7e: {  	[sflag:s19] =	ssyncset.done @!p0 $0x0  }
0x7f: {  	p1 =	por p0, !p1;
	[sflag:s19] =	ssyncadd.s32 @!p0 $0xFFFFE000  }
0x80: {  	[tilespmem:s31], [sflag:$0x2] =	stream.indirect.gather @p1 [hbm4b:s1+s30], $0x40, s18, s30, $0xb8;
	[tilespmem:$0x1C000] =	vst v63  }
.LBB2_14:
0x81: {  	s19 =	sand.u32 $0x1, s16  }
0x82: {  	p0 =	sne.s32 s19, s5  }
0x83: {  	s16 =	sadd.s32 $0x1, s16;
	s19 =	simm.s32 @!p0 $0x80;
	s20 =	simm.s32 @!p0 $0x11D00  }
0x84: {  	[spmem:s4] =	stream.indirect.scatter.add.f32 @!p0 [tilespmem:s20], [sflag:$0x9], $0x1, s17, s19, $0xb8;
	[tilespmem:$0x1C000] =	vst v63  }
0x85: {  	p0 =	sne.s32 s16, $0x9D  }
.Ltmp2:
0x86: {  	_ = 	snop;
	(pc) =	sbr.rel @!p0 .LBB2_15-.Ltmp2, $2  }
0x87: {  	_ =	sdelay $0x2  }
0x88: {  	s18 =	sadd.s32 $0x80, s18;
	s17 =	sadd.s32 $0x80, s17  }
.LBB2_4:
0x89: {  	s19 =	sand.u32 $0x3, s16  }
0x8a: {  	p0 =	sgt.s32 s19, $0x1  }
.Ltmp3:
0x8b: {  	_ = 	snop;
	(pc) =	sbr.rel @p0 .LBB2_12-.Ltmp3, $1  }
0x8c: {  	_ =	sdelay $0x3  }
0x8d: {  	p0 =	seq.s32 s19, $0x0  }
.Ltmp4:
0x8e: {  	_ = 	snop;
	(pc) =	sbr.rel @!p0 .LBB2_8-.Ltmp4, $1  }
0x8f: {  	_ =	sdelay $0x3  }
0x90: {  	p0 =	slt.u32 s16, $0x2  }
0x91: {  	_ =	swait.ge [sflag:s2], $0x2000;
	p1 =	sgt.u32 @!p0 s16, $0x9A  }
0x92: {  	[sflag:s2] =	ssyncset.done $0x0;
	p1 =	por p0, !p1  }
.Ltmp5:
0x93: {  	s19 =	simm.s32 @!p0 $0x7;
	[sflag:s2] =	ssyncadd.s32 $0xFFFFE000;
	(pc) =	sbr.rel @!p1 .LBB2_14-.Ltmp5, $4  }
0x94: {  	[spmem:s3] =	stream.indirect.scatter.add.f32 [tilespmem:s28], [sflag:$0x5], $0x40, s17, s30, $0xb8;
	[tilespmem:$0x1C000] =	vst v63  }
0x95: {  	_ =	swait.ge @!p0 [sflag:s19], $0x2000  }
0x96: {  	[sflag:s19] =	ssyncset.done @!p0 $0x0  }
0x97: {  	[sflag:s19] =	ssyncadd.s32 @!p0 $0xFFFFE000  }
.Ltmp6:
0x98: {  	(pc) =	sbr.rel .LBB2_14-.Ltmp6, $2  }
0x99: {  	_ =	sdelay $0x2  }
0x9a: {  	[tilespmem:s0], [sflag:$0x3] =	stream.indirect.gather [hbm4b:s1+s30], $0x40, s18, s30, $0xb8;
	[tilespmem:$0x1C000] =	vst v63  }
.LBB2_12:
0x9b: {  	p2 =	seq.s32 s19, $0x2  }
.Ltmp7:
0x9c: {  	_ = 	snop;
	(pc) =	sbr.rel @!p2 .LBB2_13-.Ltmp7, $3  }
0x9d: {  	_ =	sdelay $0x1  }
0x9e: {  	p0 =	slt.u32 s16, $0x2  }
0x9f: {  	p1 =	sgt.u32 @!p0 s16, $0x9A  }
0xa0: {  	_ =	swait.ge [sflag:s14], $0x2000  }
0xa1: {  	p1 =	por p0, !p1;
	[sflag:s14] =	ssyncset.done $0x0  }
.Ltmp8:
0xa2: {  	s19 =	simm.s32 @!p0 $0x5;
	[sflag:s14] =	ssyncadd.s32 $0xFFFFE000;
	(pc) =	sbr.rel @!p1 .LBB2_14-.Ltmp8, $4  }
0xa3: {  	[spmem:s3] =	stream.indirect.scatter.add.f32 [tilespmem:s0], [sflag:$0x7], $0x40, s17, s30, $0xb8;
	[tilespmem:$0x1C000] =	vst v63  }
0xa4: {  	_ =	swait.ge @!p0 [sflag:s19], $0x2000  }
0xa5: {  	[sflag:s19] =	ssyncset.done @!p0 $0x0  }
0xa6: {  	[sflag:s19] =	ssyncadd.s32 @!p0 $0xFFFFE000  }
.Ltmp9:
0xa7: {  	(pc) =	sbr.rel .LBB2_14-.Ltmp9, $2  }
0xa8: {  	_ =	sdelay $0x2  }
0xa9: {  	[tilespmem:s28], [sflag:$0x1] =	stream.indirect.gather [hbm4b:s1+s30], $0x40, s18, s30, $0xb8;
	[tilespmem:$0x1C000] =	vst v63  }
.LBB2_8:
0xaa: {  	p0 =	slt.u32 s16, $0x2  }
0xab: {  	_ =	swait.ge [sflag:s8], $0x2000;
	p1 =	sgt.u32 @!p0 s16, $0x9A  }
0xac: {  	[sflag:s8] =	ssyncset.done $0x0;
	p1 =	por p0, !p1  }
.Ltmp10:
0xad: {  	s19 =	simm.s32 @!p0 $0x8;
	[sflag:s8] =	ssyncadd.s32 $0xFFFFE000;
	(pc) =	sbr.rel @!p1 .LBB2_14-.Ltmp10, $4  }
0xae: {  	[spmem:s3] =	stream.indirect.scatter.add.f32 [tilespmem:s31], [sflag:$0x6], $0x40, s17, s30, $0xb8;
	[tilespmem:$0x1C000] =	vst v63  }
0xaf: {  	_ =	swait.ge @!p0 [sflag:s19], $0x2000  }
0xb0: {  	[sflag:s19] =	ssyncset.done @!p0 $0x0  }
0xb1: {  	[sflag:s19] =	ssyncadd.s32 @!p0 $0xFFFFE000  }
.Ltmp11:
0xb2: {  	(pc) =	sbr.rel .LBB2_14-.Ltmp11, $2  }
0xb3: {  	_ =	sdelay $0x2  }
0xb4: {  	[tilespmem:s9], [sflag:$0x4] =	stream.indirect.gather [hbm4b:s1+s30], $0x40, s18, s30, $0xb8;
	[tilespmem:$0x1C000] =	vst v63  }
.LBB2_15:
0xb5: {  	_ =	swait.ge [sflag:s10], $0x2000  }
0xb6: {  	[sflag:s10] =	ssyncset.done $0x0  }
0xb7: {  	[sflag:s10] =	ssyncadd.s32 $0xFFFFE000  }
0xb8: {  	_ =	swait.ge [sflag:s12], $0x2000  }
0xb9: {  	[sflag:s12] =	ssyncset.done $0x0  }
0xba: {  	s16 =	simm.s32 $0x1;
	[sflag:s12] =	ssyncadd.s32 $0xFFFFE000  }
.LBB2_16:
0xbb: {  	s17 =	sxor.u32 s16, s5  }
0xbc: {  	p0 =	sne.s32 s17, $0x4F  }
.Ltmp12:
0xbd: {  	_ = 	snop;
	(pc) =	sbr.rel @p0 .LBB2_16-.Ltmp12, $4  }
0xbe: {  	_ = 	snop  }
0xbf: {  	_ =	swait.ge [sflag:s13], $0x80  }
0xc0: {  	[sflag:s13] =	ssyncset.done $0x0  }
0xc1: {  	s16 =	sadd.s32 $0x1, s16;
	[sflag:s13] =	ssyncadd.s32 $0xFFFFFF80  }
0xc2: {  	s16 =	stileid.u32  }
0xc3: {  	s16 =	sshll.u32 s16, $0x6  }
0xc4: {  	[bflag:$0x0] =	sbarrier.arrive $0xFFFF;
	s17 =	sshrl.u32 s7, $0x3;
	s16 =	sor.u32 $0x1C0A, s16  }
0xc5: {  	[hbm:s24], [sflag:s16] =	dma.local [spmem:s17], $0x1400  }
0xc6: {  	s6 =	sadd.s32 $0x1, s6;
	_ =	swait.ge [sflag:s29], $0x1400  }
0xc7: {  	s20 =	sshrl.u32 s11, $0x3;
	p0 =	sne.s32 s6, s25;
	[sflag:s29] =	ssyncset.done $0x0  }
.Ltmp13:
0xc8: {  	s18 =	rddreg [dreg:$0x10];
	[sflag:s29] =	ssyncadd.s32 $0xFFFFEC00;
	(pc) =	sbr.rel @p0 .LBB2_1-.Ltmp13, $4  }
0xc9: {  	[hbm:s18], [sflag:s16] =	dma.local [spmem:s20], $0x50  }
0xca: {  	_ =	swait.ge [sflag:s29], $0x50  }
0xcb: {  	[sflag:s29] =	ssyncset.done $0x0  }
0xcc: {  	[sflag:s29] =	ssyncadd.s32 $0xFFFFFFB0  }
0xcd: {  	_ =	sfence.sel $0x180000  }
0xce: {  	[bflag:$0x0] =	sbarrier.arrive $0xFFFF  }
0xcf: {  	_ =	strace $0x90000047  }
0xd0: {  	s0 =	stileid.u32;
	[bflag:$0x2] =	sbarrier.arrive $0xFFFF  }
0xd1: {  	p0 =	sne.s32 s0, $0x0;
	s0 =	rddreg [dreg:$0x5]  }
0xd2: {  	s0 =	sadd.s32 @!p0 $0x100000, s0  }
0xd3: {  	[sflag:s0] =	ssyncadd.tile.s32 @!p0 $0x1;
	_ =	shalt  }
.Lfunc_end2:
_tile_overlayer_lowered:
.L_overlay_start_2:
0xd4: {  	(tag) =	ssettag $0x2  }
0xd5: {  	s0 =	rddreg [dreg:$0x0];
	s2 =	stileid.u32  }
0xd6: {  	s1 =	rddreg [dreg:$0x1];
	p0 =	sne.s32 s2, $0x0  }
0xd7: {  	s3 =	rddreg [dreg:$0x2];
	[bflag:$0x3] =	sbarrier.arrive $0xFFFF;
	s2 =	simm.s32 @!p0 $0x1C0A  }
0xd8: {  	[timem:s3], [sflag:s2] =	dma.local @!p0 [hbm:s0], s1  }
0xd9: {  	s0 =	simm.s32 @!p0 $0xA  }
0xda: {  	_ =	swait.ge @!p0 [sflag:s0], s1  }
0xdb: {  	s1 =	ssub.s32 @!p0 $0x0, s1;
	[sflag:s0] =	ssyncset.done @!p0 $0x0  }
0xdc: {  	[sflag:s0] =	ssyncadd.s32 @!p0 s1  }
0xdd: {  	[bflag:$0x3] =	sbarrier.arrive $0xFFFF  }
0xde: {  	_ =	shalt  }

// kernel: kernel.9.cloned.1.call-start
scs
__scs_entry_jumppad:
0x0: {  	(pc) =	sbr.rel $0x88, $3  }
0x1: {  	(tag) =	ssettag $0x0;
	lr =	simm.s32 $0x1  }
0x2: {  	[smem:$0x3F97] =	sst lr;
	_ =	strace $0xD0000000  }
0x3: {  	_ = 	snop  }
0x4: {  	_ = 	snop  }
0x5: {  	_ = 	snop  }
0x6: {  	_ = 	snop  }
0x7: {  	_ = 	snop  }
__scs_overlays_trampoline_lowered:
0x8: {  	[smem:$0x3FA6] =	sst s0  }
0x9: {  	[smem:$0x3FA7] =	sst s1  }
0xa: {  	[smem:$0x3FA8] =	sst s2  }
0xb: {  	[smem:$0x3FA9] =	sst s3  }
0xc: {  	[smem:$0x3FAA] =	sst s4  }
0xd: {  	[smem:$0x3FAB] =	sst s5  }
0xe: {  	[smem:$0x3FAC] =	sst s6  }
0xf: {  	[smem:$0x3FAD] =	sst s7  }
0x10: {  	[smem:$0x3FAE] =	sst s8  }
0x11: {  	[smem:$0x3FAF] =	sst s9;
	s0 =	simm.s32 @!p0 $0x0  }
0x12: {  	s1 =	sld [smem:$0x3F95];
	s0 =	simm.s32 @p0 $0x1  }
0x13: {  	[smem:$0x3FB0] =	sst s0;
	s0 =	simm.s32 @!p1 $0x0  }
0x14: {  	s2 =	sld [smem:$0x3F94];
	s0 =	simm.s32 @p1 $0x1  }
0x15: {  	[smem:$0x3FB1] =	sst s0;
	s0 =	simm.s32 @!p2 $0x0  }
0x16: {  	s3 =	sld [smem:$0x3FDB];
	s0 =	simm.s32 @p2 $0x1  }
0x17: {  	s4 =	simm.s32 $0x1BF5;
	[smem:$0x3FB3] =	sst s0  }
0x18: {  	s0 =	sld [smem:$0x3F96];
	_ =	swait.ge [sflag:s4], $0x0  }
0x19: {  	s7 =	sld [smem:$0x3F97]  }
0x1a: {  	s8 =	sadd.s32 $0xFFFFE003, lr  }
0x1b: {  	s9 =	sadd.s32 $0xFFFFFEF7, lr;
	s5 =	simm.s32 $0xFFFFFFFF;
	p2 =	slt.u32 s8, $0xFFFFF086  }
0x1c: {  	p1 =	slt.u32 s9, $0xF7A;
	s5 =	simm.s32 @!p2 $0x0  }
0x1d: {  	s5 =	simm.s32 @p1 $0x1;
	p0 =	seq.s32 s7, s2  }
0x1e: {  	s7 =	smul.u32 @!p0 $0xF7A, s2;
	p2 =	seq.s32 @!p0 s5, $0x0  }
0x1f: {  	s9 =	smul.u32 $0xF7A, s1;
	s8 =	simm.s32 @!p0 $0x1BF5;
	p2 =	por !p2, p0  }
0x20: {  	[sflag:s8] =	ssyncset.s32 @!p0 $0xFFFFF086;
	s6 =	sadd.s32 @!p0 s3, s7;
	s7 =	simm.s32 @!p0 $0x108  }
0x21: {  	s3 =	sadd.s32 s3, s9;
	s6 =	sadd.s32 @!p0 $0x88, s6;
	s7 =	simm.s32 @p2 $0x1082  }
0x22: {  	[simem:s7], [sflag:s8] =	dma.local @!p0 [hbm:s6], $0xF7A  }
0x23: {  	s9 =	sor.u32 $0xD0000000, s2;
	s6 =	simm.s32 $0x108;
	_ =	swait.ge @!p0 [sflag:s8], $0x0  }
0x24: {  	s3 =	sadd.s32 $0x88, s3;
	s6 =	simm.s32 @!p1 $0x1082;
	[sflag:s4] =	ssyncset.s32 $0xFFFFF086  }
0x25: {  	[simem:s6], [sflag:s4] =	dma.local [hbm:s3], $0xF7A  }
0x26: {  	[smem:$0x3F97] =	sst s1;
	(tag) =	ssettag s2;
	_ =	strace s9  }
0x27: {  	s1 =	sld [smem:$0x3FA7]  }
0x28: {  	s2 =	sld [smem:$0x3FA8]  }
0x29: {  	s4 =	sld [smem:$0x3FAA]  }
0x2a: {  	p0 =	seq.s32 s5, $0x0;
	s5 =	sld [smem:$0x3FAB]  }
0x2b: {  	s6 =	sld [smem:$0x3FAC]  }
0x2c: {  	s7 =	sld [smem:$0x3FAD]  }
0x2d: {  	s3 =	simm.s32 $0x108;
	s8 =	sld [smem:$0x3FAE]  }
0x2e: {  	s3 =	simm.s32 @!p0 $0x1082;
	s9 =	sld [smem:$0x3FAF]  }
0x2f: {  	lr =	sadd.s32 s0, s3;
	s0 =	sld [smem:$0x3FA6]  }
0x30: {  	s3 =	sld [smem:$0x3FA9]  }
0x31: {  	[smem:$0x3FB2] =	sst s10  }
0x32: {  	s10 =	sld [smem:$0x3FB0];
	_ =	sdelay $0x3  }
0x33: {  	p0 =	seq.s32 s10, $0x1;
	s10 =	sld [smem:$0x3FB2];
	_ =	sdelay $0x3  }
0x34: {  	[smem:$0x3FB2] =	sst s10  }
0x35: {  	s10 =	sld [smem:$0x3FB1];
	_ =	sdelay $0x3  }
0x36: {  	p1 =	seq.s32 s10, $0x1;
	s10 =	sld [smem:$0x3FB2];
	_ =	sdelay $0x3  }
0x37: {  	[smem:$0x3FB2] =	sst s10  }
0x38: {  	s10 =	sld [smem:$0x3FB3]  }
0x39: {  	_ = 	snop;
	(pc) =	sbr.ind lr, $3  }
0x3a: {  	_ = 	snop  }
0x3b: {  	_ = 	snop  }
0x3c: {  	p2 =	seq.s32 s10, $0x1;
	s10 =	sld [smem:$0x3FB2]  }
0x3d: {  	_ =	shalt  }
0x3e: {  	_ =	shalt  }
0x3f: {  	_ =	shalt  }
0x40: {  	_ =	shalt  }
0x41: {  	_ =	shalt  }
0x42: {  	_ =	shalt  }
0x43: {  	_ =	shalt  }
0x44: {  	_ =	shalt  }
0x45: {  	_ =	shalt  }
0x46: {  	_ =	shalt  }
0x47: {  	_ =	shalt  }
0x48: {  	_ =	shalt  }
0x49: {  	_ =	shalt  }
0x4a: {  	_ =	shalt  }
0x4b: {  	_ =	shalt  }
0x4c: {  	_ =	shalt  }
0x4d: {  	_ =	shalt  }
0x4e: {  	_ =	shalt  }
0x4f: {  	_ =	shalt  }
0x50: {  	_ =	shalt  }
0x51: {  	_ =	shalt  }
0x52: {  	_ =	shalt  }
0x53: {  	_ =	shalt  }
0x54: {  	_ =	shalt  }
0x55: {  	_ =	shalt  }
0x56: {  	_ =	shalt  }
0x57: {  	_ =	shalt  }
0x58: {  	_ =	shalt  }
0x59: {  	_ =	shalt  }
0x5a: {  	_ =	shalt  }
0x5b: {  	_ =	shalt  }
0x5c: {  	_ =	shalt  }
0x5d: {  	_ =	shalt  }
0x5e: {  	_ =	shalt  }
0x5f: {  	_ =	shalt  }
0x60: {  	_ =	shalt  }
0x61: {  	_ =	shalt  }
0x62: {  	_ =	shalt  }
0x63: {  	_ =	shalt  }
0x64: {  	_ =	shalt  }
0x65: {  	_ =	shalt  }
0x66: {  	_ =	shalt  }
0x67: {  	_ =	shalt  }
0x68: {  	_ =	shalt  }
0x69: {  	_ =	shalt  }
0x6a: {  	_ =	shalt  }
0x6b: {  	_ =	shalt  }
0x6c: {  	_ =	shalt  }
0x6d: {  	_ =	shalt  }
0x6e: {  	_ =	shalt  }
0x6f: {  	_ =	shalt  }
0x70: {  	_ =	shalt  }
0x71: {  	_ =	shalt  }
0x72: {  	_ =	shalt  }
0x73: {  	_ =	shalt  }
0x74: {  	_ =	shalt  }
0x75: {  	_ =	shalt  }
0x76: {  	_ =	shalt  }
0x77: {  	_ =	shalt  }
0x78: {  	_ =	shalt  }
0x79: {  	_ =	shalt  }
0x7a: {  	_ =	shalt  }
0x7b: {  	_ =	shalt  }
0x7c: {  	_ =	shalt  }
0x7d: {  	_ =	shalt  }
0x7e: {  	_ =	shalt  }
0x7f: {  	_ =	shalt  }
0x80: {  	_ =	shalt  }
0x81: {  	_ =	shalt  }
0x82: {  	_ =	shalt  }
0x83: {  	_ =	shalt  }
0x84: {  	_ =	shalt  }
0x85: {  	_ =	shalt  }
0x86: {  	_ =	shalt  }
0x87: {  	_ =	shalt  }
.Lfunc_end0:
.L_simem_size_0:
called_computation.1_lowered:
.L_overlay_start_0:
0x88: {  	s2 =	sld [smem:$0x3FD9]  }
0x89: {  	s3 =	sld [smem:$0x3FFE];
	_ =	sdelay $0x1  }
0x8a: {  	s1 =	srdreg.scid  }
0x8b: {  	s0 =	sand.u32 $0x1, s1  }
0x8c: {  	s17 =	sshll.u32 s0, $0xA;
	s2 =	sadd.s32 s3, s2  }
0x8d: {  	s2 =	sadd.s32 s2, s17  }
0x8e: {  	[smem:$0x3FBE] =	sst s2  }
0x8f: {  	_ = 	snop  }
0x90: {  	s2 =	sld [smem:$0x3FD0];
	(tm) =	ssettm $0x1  }
0x91: {  	s18 =	sld [smem:$0x3FFB];
	_ =	sdelay $0x3  }
0x92: {  	_ =	strace s18  }
0x93: {  	s3 =	sld [smem:$0x3FFC];
	_ =	sdelay $0x3  }
0x94: {  	_ =	strace s3  }
0x95: {  	s3 =	sld [smem:$0x3FFD];
	_ =	sdelay $0x3  }
0x96: {  	_ =	strace s3  }
0x97: {  	_ =	strace $0x8FFFFFFF  }
0x98: {  	s19 =	sld [smem:$0x3FDB];
	_ =	sdelay $0x1  }
0x99: {  	s4 =	simm.s32 $_scs_section_size  }
0x9a: {  	s5 =	simm.s32 $_size__tile_overlayer_lowered;
	s6 =	simm.s32 $_tile_overlayer_lowered  }
0x9b: {  	s22 =	simm.s32 $0x1BFF;
	s21 =	sshll.u32 s6, $0x1;
	s3 =	sadd.s32 s4, s19  }
0x9c: {  	s7 =	simm.s32 $0x0;
	s20 =	sshll.u32 s5, $0x1;
	s5 =	sadd.s32 s21, s3  }
0x9d: {  	[timem:s7], [sflag:s22] =	dma.local [hbm:s5], s20  }
0x9e: {  	_ =	swait.ge [sflag:s22], s20  }
0x9f: {  	s4 =	ssub.s32 $0x0, s20;
	[sflag:s22] =	ssyncset.done $0x0  }
0xa0: {  	[sflag:s22] =	ssyncadd.s32 s4;
	_ =	sdelay $0x1  }
0xa1: {  	s23 =	simm.s32 $0x1B8B  }
0xa2: {  	_ =	swait.ge [sflag:s23], $0x1  }
0xa3: {  	[sflag:s23] =	ssyncset.done $0x0  }
0xa4: {  	s25 =	simm.s32 $0x1B8E;
	s24 =	sld [smem:$0x3FFE];
	[sflag:s23] =	ssyncadd.s32 $0xFFFFFFFF  }
0xa5: {  	s26 =	simm.s32 $execute0_lowered;
	[smem:$0x3FD2] =	sst s25  }
0xa6: {  	s5 =	sshll.u32 s26, $0x1;
	_ =	strace $0x80000049;
	[dreg:$0x1] =	wrdreg $0xFFFFFFFF  }
0xa7: {  	s28 =	simm.s32 $_size_execute0_lowered;
	s3 =	sadd.s32 s3, s5;
	[dreg:$0x0] =	wrdreg $0x0  }
0xa8: {  	s5 =	sshll.u32 s28, $0x1;
	[dreg:$0x2] =	wrdreg s3  }
0xa9: {  	[dreg:$0x3] =	wrdreg s5  }
0xaa: {  	[dreg:$0x4] =	wrdreg $0xC0  }
0xab: {  	_ =	task [dreg:s7], $0x5FFFF  }
0xac: {  	[dreg:$0x1] =	wrdreg $0xFFFFFFFF  }
0xad: {  	[dreg:$0x0] =	wrdreg $0x60  }
0xae: {  	[dreg:$0x2] =	wrdreg s2  }
0xaf: {  	[dreg:$0x3] =	wrdreg s24  }
0xb0: {  	[dreg:$0x4] =	wrdreg $0x11D800  }
0xb1: {  	[dreg:$0x5] =	wrdreg $0x1BD800  }
0xb2: {  	[dreg:$0x6] =	wrdreg $0x9  }
0xb3: {  	_ =	task.clear_ibuf [dreg:s7], $0x7FFFF;
	_ =	strace $0x90000049  }
0xb4: {  	s29 =	simm.s32 $0x9;
	_ =	strace $0x8000004B  }
0xb5: {  	_ =	swait.ge [sflag:s29], $0x1  }
0xb6: {  	[sflag:s29] =	ssyncadd.s32 $0xFFFFFFFF  }
0xb7: {  	_ =	strace $0x9000004B  }
0xb8: {  	_ =	sfence  }
0xb9: {  	s30 =	sld [smem:$0x0];
	_ =	sdelay $0x2  }
0xba: {  	s31 =	sshll.u32 s1, $0xD;
	s1 =	sshrl.u32 s1, $0x2  }
0xbb: {  	s3 =	sand.u32 $0x4000, s31;
	s1 =	sadd.s32 s1, s30  }
0xbc: {  	s0 =	sor.u32 s3, s0;
	s1 =	sshll.u32 s1, $0x11  }
0xbd: {  	s0 =	sor.u32 s1, s0  }
0xbe: {  	s0 =	sadd.s32 $0x8F2B, s0  }
0xbf: {  	[sflag:s0] =	ssyncadd.remote.s32 $0x1  }
0xc0: {  	_ =	sfence.sel $0xFFFF  }
0xc1: {  	[dreg:$0x0] =	wrdreg $0xFFFFFFFF;
	(pc) =	sbr.abs _section_cstart, $3  }
0xc2: {  	[dreg:$0x1] =	wrdreg $0xFFFFFFFF  }
0xc3: {  	_ =	task.clear_ibuf [dreg:s7], $0x2FFFF;
	_ =	strace $0x9FFFFFFF  }
0xc4: {  	(tm) =	ssettm $0x7FFFFFFF  }
0xc5: {  	_ =	shalt  }
tec
execute0_lowered:
.L_overlay_start_1:
0x0: {  	(tag) =	ssettag $0x1  }
0x1: {  	s1 =	rddreg [dreg:$0x0]  }
0x2: {  	s0 =	rddreg [dreg:$0x1]  }
0x3: {  	s9 =	stileid.u32;
	s4 =	srdreg.scid  }
0x4: {  	s3 =	rddreg [dreg:$0x2];
	s2 =	smul.u32 $0x9D0, s9  }
0x5: {  	s5 =	rddreg [dreg:$0x3];
	s6 =	simm.s32 $0x0;
	s7 =	smul.u32 $0xA000, s9  }
0x6: {  	s28 =	simm.s32 $0x9D00;
	s4 =	sand.u32 $0x1, s4;
	s9 =	smul.u32 $0x280, s9  }
0x7: {  	s29 =	simm.s32 $0xA;
	s30 =	simm.s32 $0x80;
	s8 =	smul.u32 $0xA0000, s4  }
0x8: {  	s31 =	simm.s32 $0xBD00;
	[smem:$0x7FF] =	sst s6;
	s10 =	smul.u32 $0x2800, s4  }
0x9: {  	_ =	strace $0x8000004A;
	s11 =	ssub.s32 $0x2, s4;
	p0 =	seq.s32 s4, $0x0  }
0xa: {  	s2 =	sadd.s32 s2, s0;
	s12 =	sshrl.u32 s11, $0x1;
	s13 =	sadd.s32 $0x80, s9  }
0xb: {  	s26 =	sadd.s32 $0x100, s9;
	s14 =	sadd.s32 $0x180, s9;
	s15 =	sadd.s32 $0x200, s9  }
0xc: {  	s8 =	sadd.s32 s7, s8;
	s10 =	sadd.s32 s9, s10;
	s25 =	sshll.u32 s13, $0x6  }
0xd: {  	s7 =	sadd.s32 s7, s3;
	s17 =	sshll.u32 s26, $0x6;
	s18 =	sshll.u32 s14, $0x6  }
0xe: {  	s16 =	sshll.u32 s15, $0x6;
	s20 =	sadd.s32 s13, s5;
	s22 =	sadd.s32 s26, s5  }
0xf: {  	s24 =	sadd.s32 s14, s5;
	s26 =	sadd.s32 s15, s5;
	[dreg:$0xa] =	wrdreg s20  }
0x10: {  	s13 =	simm.s32 $0x9;
	s8 =	sshrl.u32 s8, $0x3;
	[dreg:$0xc] =	wrdreg s22  }
0x11: {  	s10 =	sshrl.u32 s10, $0x3;
	s19 =	sadd.s32 s16, s3;
	[dreg:$0xe] =	wrdreg s24  }
0x12: {  	[dreg:$0x10] =	wrdreg s26;
	s8 =	sadd.s32 s8, s0;
	s0 =	sadd.s32 s10, s0  }
0x13: {  	s10 =	ssub.s32 s11, s12;
	s11 =	sadd.s32 s25, s3;
	[dreg:$0x8] =	wrdreg s19  }
0x14: {  	s14 =	simm.s32 $0x3;
	s12 =	sadd.s32 s17, s3;
	[dreg:$0x5] =	wrdreg s11  }
0x15: {  	s15 =	simm.s32 $0x4;
	[dreg:$0x6] =	wrdreg s12;
	s12 =	sadd.s32 s18, s3  }
0x16: {  	s22 =	sadd.s32 $0xCA00, s2;
	[dreg:$0x7] =	wrdreg s12;
	s12 =	sadd.s32 s9, s5  }
0x17: {  	s24 =	sadd.s32 $0x70600, s0;
	s0 =	simm.s32 $0xDD00;
	s9 =	sadd.s32 $0x40, s12  }
0x18: {  	s11 =	simm.s32 $0x5;
	s21 =	sadd.s32 $0xC0, s12;
	[dreg:$0x9] =	wrdreg s9  }
0x19: {  	s23 =	sadd.s32 $0x140, s12;
	s25 =	sadd.s32 $0x1C0, s12;
	[dreg:$0xb] =	wrdreg s21  }
0x1a: {  	s26 =	sadd.s32 $0x240, s12;
	s9 =	simm.s32 $0x2C00;
	[dreg:$0xd] =	wrdreg s23  }
0x1b: {  	[dreg:$0xf] =	wrdreg s25;
	s23 =	sadd.s32 $0x71000, s8;
	s25 =	smax.u32 s10, $0x1  }
0x1c: {  	s8 =	simm.s32 $0x2;
	s10 =	simm.s32 $0x8;
	s9 =	simm.s32 @!p0 $0x16800  }
0x1d: {  	v0 =	vimm.f32 $0.0e+00;
	v1 =	vimm.f32 $1.000000000e+00;
	s21 =	sadd.s32 s9, s2;
	s2 =	simm.s32 $0x1;
	s9 =	simm.s32 $0xFD00  }
.LBB2_1:
0x1e: {  	s17 =	simm.s32 $0x100;
	s16 =	simm.s32 $0x0  }
.LBB2_2:
0x1f: {  	p0 =	sne.s32 s17, $0x7F00;
	[tilespmem:s16+$0x9D30] =	vst v0;
	s18 =	smov.u32 s17;
	s17 =	sadd.s32 $0x100, s17  }
.Ltmp0:
0x20: {  	[tilespmem:s16+$0x9D20] =	vst v0;
	(pc) =	sbr.rel @p0 .LBB2_2-.Ltmp0, $3  }
0x21: {  	[tilespmem:s16+$0x9D00] =	vst v0  }
0x22: {  	[tilespmem:s16+$0x9D10] =	vst v0;
	_ =	sdelay $0x1  }
0x23: {  	s16 =	sshra.s32 s18, $0x2  }
0x24: {  	[tilespmem:s16+$0x9D30] =	vst v0  }
0x25: {  	[tilespmem:s16+$0x9D20] =	vst v0  }
0x26: {  	[tilespmem:s16+$0x9D00] =	vst v0  }
0x27: {  	[tilespmem:s16+$0x9D10] =	vst v0  }
0x28: {  	[tilespmem:$0x11D00] =	vst v1  }
0x29: {  	[tilespmem:$0x11D10] =	vst v1  }
0x2a: {  	[tilespmem:$0x11D20] =	vst v1  }
0x2b: {  	[tilespmem:$0x11D30] =	vst v1  }
0x2c: {  	[tilespmem:$0x11D40] =	vst v1  }
0x2d: {  	[tilespmem:$0x11D50] =	vst v1  }
0x2e: {  	[tilespmem:$0x11D60] =	vst v1  }
0x2f: {  	[tilespmem:$0x11D70] =	vst v1  }
0x30: {  	[spmem:s7] =	stream.linear.scatter [tilespmem:s28], [sflag:$0xA], $0x2000, $0x38;
	[tilespmem:$0x1C000] =	vst v63  }
0x31: {  	_ =	swait.ge [sflag:s29], $0x2000  }
0x32: {  	[sflag:s29] =	ssyncset.done $0x0  }
0x33: {  	s17 =	rddreg [dreg:$0x5];
	[sflag:s29] =	ssyncadd.s32 $0xFFFFE000  }
0x34: {  	[spmem:s17] =	stream.linear.scatter [tilespmem:s28], [sflag:$0xA], $0x2000, $0x38;
	[tilespmem:$0x1C000] =	vst v63  }
0x35: {  	_ =	swait.ge [sflag:s29], $0x2000  }
0x36: {  	[sflag:s29] =	ssyncset.done $0x0  }
0x37: {  	s18 =	rddreg [dreg:$0x6];
	[sflag:s29] =	ssyncadd.s32 $0xFFFFE000  }
0x38: {  	[spmem:s18] =	stream.linear.scatter [tilespmem:s28], [sflag:$0xA], $0x2000, $0x38;
	[tilespmem:$0x1C000] =	vst v63  }
0x39: {  	_ =	swait.ge [sflag:s29], $0x2000  }
0x3a: {  	[sflag:s29] =	ssyncset.done $0x0  }
0x3b: {  	s19 =	rddreg [dreg:$0x7];
	[sflag:s29] =	ssyncadd.s32 $0xFFFFE000  }
0x3c: {  	[spmem:s19] =	stream.linear.scatter [tilespmem:s28], [sflag:$0xA], $0x2000, $0x38;
	[tilespmem:$0x1C000] =	vst v63  }
0x3d: {  	_ =	swait.ge [sflag:s29], $0x2000  }
0x3e: {  	[sflag:s29] =	ssyncset.done $0x0  }
0x3f: {  	s20 =	rddreg [dreg:$0x8];
	[sflag:s29] =	ssyncadd.s32 $0xFFFFE000  }
0x40: {  	[spmem:s20] =	stream.linear.scatter [tilespmem:s28], [sflag:$0xA], $0x2000, $0x38;
	[tilespmem:$0x1C000] =	vst v63  }
0x41: {  	_ =	swait.ge [sflag:s29], $0x2000  }
0x42: {  	[sflag:s29] =	ssyncset.done $0x0  }
0x43: {  	[sflag:s29] =	ssyncadd.s32 $0xFFFFE000  }
0x44: {  	[spmem:s12] =	stream.linear.scatter [tilespmem:s28], [sflag:$0xA], $0x40, $0x38;
	[tilespmem:$0x1C000] =	vst v63  }
0x45: {  	_ =	swait.ge [sflag:s29], $0x40  }
0x46: {  	[sflag:s29] =	ssyncset.done $0x0  }
0x47: {  	s17 =	rddreg [dreg:$0x9];
	[sflag:s29] =	ssyncadd.s32 $0xFFFFFFC0  }
0x48: {  	[spmem:s17] =	stream.linear.scatter [tilespmem:s28], [sflag:$0xA], $0x40, $0x38;
	[tilespmem:$0x1C000] =	vst v63  }
0x49: {  	_ =	swait.ge [sflag:s29], $0x40  }
0x4a: {  	[sflag:s29] =	ssyncset.done $0x0  }
0x4b: {  	s18 =	rddreg [dreg:$0xa];
	[sflag:s29] =	ssyncadd.s32 $0xFFFFFFC0  }
0x4c: {  	[spmem:s18] =	stream.linear.scatter [tilespmem:s28], [sflag:$0xA], $0x40, $0x38;
	[tilespmem:$0x1C000] =	vst v63  }
0x4d: {  	_ =	swait.ge [sflag:s29], $0x40  }
0x4e: {  	[sflag:s29] =	ssyncset.done $0x0  }
0x4f: {  	s19 =	rddreg [dreg:$0xb];
	[sflag:s29] =	ssyncadd.s32 $0xFFFFFFC0  }
0x50: {  	[spmem:s19] =	stream.linear.scatter [tilespmem:s28], [sflag:$0xA], $0x40, $0x38;
	[tilespmem:$0x1C000] =	vst v63  }
0x51: {  	_ =	swait.ge [sflag:s29], $0x40  }
0x52: {  	[sflag:s29] =	ssyncset.done $0x0  }
0x53: {  	s20 =	rddreg [dreg:$0xc];
	[sflag:s29] =	ssyncadd.s32 $0xFFFFFFC0  }
0x54: {  	[spmem:s20] =	stream.linear.scatter [tilespmem:s28], [sflag:$0xA], $0x40, $0x38;
	[tilespmem:$0x1C000] =	vst v63  }
0x55: {  	_ =	swait.ge [sflag:s29], $0x40  }
0x56: {  	[sflag:s29] =	ssyncset.done $0x0  }
0x57: {  	s17 =	rddreg [dreg:$0xd];
	[sflag:s29] =	ssyncadd.s32 $0xFFFFFFC0  }
0x58: {  	[spmem:s17] =	stream.linear.scatter [tilespmem:s28], [sflag:$0xA], $0x40, $0x38;
	[tilespmem:$0x1C000] =	vst v63  }
0x59: {  	_ =	swait.ge [sflag:s29], $0x40  }
0x5a: {  	[sflag:s29] =	ssyncset.done $0x0  }
0x5b: {  	s18 =	rddreg [dreg:$0xe];
	[sflag:s29] =	ssyncadd.s32 $0xFFFFFFC0  }
0x5c: {  	[spmem:s18] =	stream.linear.scatter [tilespmem:s28], [sflag:$0xA], $0x40, $0x38;
	[tilespmem:$0x1C000] =	vst v63  }
0x5d: {  	_ =	swait.ge [sflag:s29], $0x40  }
0x5e: {  	[sflag:s29] =	ssyncset.done $0x0  }
0x5f: {  	s19 =	rddreg [dreg:$0xf];
	[sflag:s29] =	ssyncadd.s32 $0xFFFFFFC0  }
0x60: {  	[spmem:s19] =	stream.linear.scatter [tilespmem:s28], [sflag:$0xA], $0x40, $0x38;
	[tilespmem:$0x1C000] =	vst v63  }
0x61: {  	_ =	swait.ge [sflag:s29], $0x40  }
0x62: {  	[sflag:s29] =	ssyncset.done $0x0  }
0x63: {  	s20 =	rddreg [dreg:$0x10];
	[sflag:s29] =	ssyncadd.s32 $0xFFFFFFC0  }
0x64: {  	[spmem:s20] =	stream.linear.scatter [tilespmem:s28], [sflag:$0xA], $0x40, $0x38;
	[tilespmem:$0x1C000] =	vst v63  }
0x65: {  	_ =	swait.ge [sflag:s29], $0x40  }
0x66: {  	[sflag:s29] =	ssyncset.done $0x0  }
0x67: {  	[sflag:s29] =	ssyncadd.s32 $0xFFFFFFC0  }
0x68: {  	[spmem:s26] =	stream.linear.scatter [tilespmem:s28], [sflag:$0xA], $0x40, $0x38;
	[tilespmem:$0x1C000] =	vst v63  }
0x69: {  	_ =	swait.ge [sflag:s29], $0x40  }
0x6a: {  	[sflag:s29] =	ssyncset.done $0x0  }
0x6b: {  	[sflag:s29] =	ssyncadd.s32 $0xFFFFFFC0  }
0x6c: {  	s16 =	simm.s32 $0x0;
	[bflag:$0x0] =	sbarrier.arrive $0xFFFF  }
0x6d: {  	[tilespmem:s16], [sflag:$0xA] =	stream.linear.gather [hbm4b:s21+s16], $0x4E80, $0x38;
	[tilespmem:$0x1C000] =	vst v63  }
0x6e: {  	_ =	swait.ge [sflag:s29], $0x4E80  }
0x6f: {  	[sflag:s29] =	ssyncset.done $0x0  }
0x70: {  	s17 =	simm.s32 $0x4E80;
	[sflag:s29] =	ssyncadd.s32 $0xFFFFB180  }
0x71: {  	[tilespmem:s17], [sflag:$0xA] =	stream.linear.gather [hbm4b:s22+s16], $0x4E80, $0x38;
	[tilespmem:$0x1C000] =	vst v63  }
0x72: {  	_ =	swait.ge [sflag:s29], $0x4E80  }
.Ltmp1:
0x73: {  	[sflag:s29] =	ssyncset.done $0x0;
	(pc) =	sbr.rel .LBB2_4-.Ltmp1, $4  }
0x74: {  	[sflag:s29] =	ssyncadd.s32 $0xFFFFB180  }
0x75: {  	[tilespmem:s28], [sflag:$0x1] =	stream.indirect.gather [hbm4b:s1+s30], $0x40, s16, s30, $0xb8;
	[tilespmem:$0x1C000] =	vst v63  }
0x76: {  	s18 =	simm.s32 $0x100  }
0x77: {  	[tilespmem:s31], [sflag:$0x2] =	stream.indirect.gather [hbm4b:s1+s30], $0x40, s30, s30, $0xb8;
	[tilespmem:$0x1C000] =	vst v63  }
.LBB2_13:
0x78: {  	_ =	swait.ge [sflag:s15], $0x2000  }
0x79: {  	[sflag:s15] =	ssyncset.done $0x0  }
0x7a: {  	s19 =	simm.s32 @!p0 $0x6;
	[sflag:s15] =	ssyncadd.s32 $0xFFFFE000  }
0x7b: {  	[spmem:s3] =	stream.indirect.scatter.add.f32 [tilespmem:s9], [sflag:$0x8], $0x40, s17, s30, $0xb8;
	[tilespmem:$0x1C000] =	vst v63  }
0x7c: {  	_ =	swait.ge @!p0 [sflag:s19], $0x2000  }
0x7d: {  	[sflag:s19] =	ssyncset.done @!p0 $0x0  }
0x7e: {  	p1 =	por p0, !p1;
	[sflag:s19] =	ssyncadd.s32 @!p0 $0xFFFFE000  }
0x7f: {  	[tilespmem:s31], [sflag:$0x2] =	stream.indirect.gather @p1 [hbm4b:s1+s30], $0x40, s18, s30, $0xb8;
	[tilespmem:$0x1C000] =	vst v63  }
.LBB2_14:
0x80: {  	s19 =	sand.u32 $0x1, s16  }
0x81: {  	p0 =	sne.s32 s19, s4  }
0x82: {  	s16 =	sadd.s32 $0x1, s16;
	s19 =	simm.s32 @!p0 $0x80;
	s20 =	simm.s32 @!p0 $0x11D00  }
0x83: {  	[spmem:s5] =	stream.indirect.scatter.add.f32 @!p0 [tilespmem:s20], [sflag:$0x9], $0x1, s17, s19, $0xb8;
	[tilespmem:$0x1C000] =	vst v63  }
0x84: {  	p0 =	sne.s32 s16, $0x9D  }
.Ltmp2:
0x85: {  	_ = 	snop;
	(pc) =	sbr.rel @!p0 .LBB2_15-.Ltmp2, $2  }
0x86: {  	_ =	sdelay $0x2  }
0x87: {  	s18 =	sadd.s32 $0x80, s18;
	s17 =	sadd.s32 $0x80, s17  }
.LBB2_4:
0x88: {  	s19 =	sand.u32 $0x3, s16  }
0x89: {  	p0 =	sgt.s32 s19, $0x1  }
.Ltmp3:
0x8a: {  	_ = 	snop;
	(pc) =	sbr.rel @p0 .LBB2_12-.Ltmp3, $1  }
0x8b: {  	_ =	sdelay $0x3  }
0x8c: {  	p0 =	seq.s32 s19, $0x0  }
.Ltmp4:
0x8d: {  	_ = 	snop;
	(pc) =	sbr.rel @!p0 .LBB2_8-.Ltmp4, $1  }
0x8e: {  	_ =	sdelay $0x3  }
0x8f: {  	p0 =	slt.u32 s16, $0x2  }
0x90: {  	_ =	swait.ge [sflag:s2], $0x2000;
	p1 =	sgt.u32 @!p0 s16, $0x9A  }
0x91: {  	[sflag:s2] =	ssyncset.done $0x0;
	p1 =	por p0, !p1  }
.Ltmp5:
0x92: {  	s19 =	simm.s32 @!p0 $0x7;
	[sflag:s2] =	ssyncadd.s32 $0xFFFFE000;
	(pc) =	sbr.rel @!p1 .LBB2_14-.Ltmp5, $4  }
0x93: {  	[spmem:s3] =	stream.indirect.scatter.add.f32 [tilespmem:s28], [sflag:$0x5], $0x40, s17, s30, $0xb8;
	[tilespmem:$0x1C000] =	vst v63  }
0x94: {  	_ =	swait.ge @!p0 [sflag:s19], $0x2000  }
0x95: {  	[sflag:s19] =	ssyncset.done @!p0 $0x0  }
0x96: {  	[sflag:s19] =	ssyncadd.s32 @!p0 $0xFFFFE000  }
.Ltmp6:
0x97: {  	(pc) =	sbr.rel .LBB2_14-.Ltmp6, $2  }
0x98: {  	_ =	sdelay $0x2  }
0x99: {  	[tilespmem:s0], [sflag:$0x3] =	stream.indirect.gather [hbm4b:s1+s30], $0x40, s18, s30, $0xb8;
	[tilespmem:$0x1C000] =	vst v63  }
.LBB2_12:
0x9a: {  	p2 =	seq.s32 s19, $0x2  }
.Ltmp7:
0x9b: {  	_ = 	snop;
	(pc) =	sbr.rel @!p2 .LBB2_13-.Ltmp7, $3  }
0x9c: {  	_ =	sdelay $0x1  }
0x9d: {  	p0 =	slt.u32 s16, $0x2  }
0x9e: {  	p1 =	sgt.u32 @!p0 s16, $0x9A  }
0x9f: {  	_ =	swait.ge [sflag:s14], $0x2000  }
0xa0: {  	p1 =	por p0, !p1;
	[sflag:s14] =	ssyncset.done $0x0  }
.Ltmp8:
0xa1: {  	s19 =	simm.s32 @!p0 $0x5;
	[sflag:s14] =	ssyncadd.s32 $0xFFFFE000;
	(pc) =	sbr.rel @!p1 .LBB2_14-.Ltmp8, $4  }
0xa2: {  	[spmem:s3] =	stream.indirect.scatter.add.f32 [tilespmem:s0], [sflag:$0x7], $0x40, s17, s30, $0xb8;
	[tilespmem:$0x1C000] =	vst v63  }
0xa3: {  	_ =	swait.ge @!p0 [sflag:s19], $0x2000  }
0xa4: {  	[sflag:s19] =	ssyncset.done @!p0 $0x0  }
0xa5: {  	[sflag:s19] =	ssyncadd.s32 @!p0 $0xFFFFE000  }
.Ltmp9:
0xa6: {  	(pc) =	sbr.rel .LBB2_14-.Ltmp9, $2  }
0xa7: {  	_ =	sdelay $0x2  }
0xa8: {  	[tilespmem:s28], [sflag:$0x1] =	stream.indirect.gather [hbm4b:s1+s30], $0x40, s18, s30, $0xb8;
	[tilespmem:$0x1C000] =	vst v63  }
.LBB2_8:
0xa9: {  	p0 =	slt.u32 s16, $0x2  }
0xaa: {  	_ =	swait.ge [sflag:s8], $0x2000;
	p1 =	sgt.u32 @!p0 s16, $0x9A  }
0xab: {  	[sflag:s8] =	ssyncset.done $0x0;
	p1 =	por p0, !p1  }
.Ltmp10:
0xac: {  	s19 =	simm.s32 @!p0 $0x8;
	[sflag:s8] =	ssyncadd.s32 $0xFFFFE000;
	(pc) =	sbr.rel @!p1 .LBB2_14-.Ltmp10, $4  }
0xad: {  	[spmem:s3] =	stream.indirect.scatter.add.f32 [tilespmem:s31], [sflag:$0x6], $0x40, s17, s30, $0xb8;
	[tilespmem:$0x1C000] =	vst v63  }
0xae: {  	_ =	swait.ge @!p0 [sflag:s19], $0x2000  }
0xaf: {  	[sflag:s19] =	ssyncset.done @!p0 $0x0  }
0xb0: {  	[sflag:s19] =	ssyncadd.s32 @!p0 $0xFFFFE000  }
.Ltmp11:
0xb1: {  	(pc) =	sbr.rel .LBB2_14-.Ltmp11, $2  }
0xb2: {  	_ =	sdelay $0x2  }
0xb3: {  	[tilespmem:s9], [sflag:$0x4] =	stream.indirect.gather [hbm4b:s1+s30], $0x40, s18, s30, $0xb8;
	[tilespmem:$0x1C000] =	vst v63  }
.LBB2_15:
0xb4: {  	_ =	swait.ge [sflag:s10], $0x2000  }
0xb5: {  	[sflag:s10] =	ssyncset.done $0x0  }
0xb6: {  	[sflag:s10] =	ssyncadd.s32 $0xFFFFE000  }
0xb7: {  	_ =	swait.ge [sflag:s11], $0x2000  }
0xb8: {  	[sflag:s11] =	ssyncset.done $0x0  }
0xb9: {  	s16 =	simm.s32 $0x1;
	[sflag:s11] =	ssyncadd.s32 $0xFFFFE000  }
.LBB2_16:
0xba: {  	s17 =	sxor.u32 s16, s4  }
0xbb: {  	p0 =	sne.s32 s17, $0x4F  }
.Ltmp12:
0xbc: {  	_ = 	snop;
	(pc) =	sbr.rel @p0 .LBB2_16-.Ltmp12, $4  }
0xbd: {  	_ = 	snop  }
0xbe: {  	_ =	swait.ge [sflag:s13], $0x80  }
0xbf: {  	[sflag:s13] =	ssyncset.done $0x0  }
0xc0: {  	s16 =	sadd.s32 $0x1, s16;
	[sflag:s13] =	ssyncadd.s32 $0xFFFFFF80  }
0xc1: {  	s16 =	stileid.u32  }
0xc2: {  	s16 =	sshll.u32 s16, $0x6  }
0xc3: {  	[bflag:$0x0] =	sbarrier.arrive $0xFFFF;
	s17 =	sshrl.u32 s7, $0x3;
	s16 =	sor.u32 $0x1C0A, s16  }
0xc4: {  	[hbm:s23], [sflag:s16] =	dma.local [spmem:s17], $0x1400  }
0xc5: {  	s6 =	sadd.s32 $0x1, s6;
	_ =	swait.ge [sflag:s29], $0x1400  }
0xc6: {  	p0 =	sne.s32 s6, s25;
	[sflag:s29] =	ssyncset.done $0x0  }
.Ltmp13:
0xc7: {  	s20 =	sshrl.u32 s12, $0x3;
	[sflag:s29] =	ssyncadd.s32 $0xFFFFEC00;
	(pc) =	sbr.rel @p0 .LBB2_1-.Ltmp13, $4  }
0xc8: {  	[hbm:s24], [sflag:s16] =	dma.local [spmem:s20], $0x50  }
0xc9: {  	_ =	swait.ge [sflag:s29], $0x50  }
0xca: {  	[sflag:s29] =	ssyncset.done $0x0  }
0xcb: {  	[sflag:s29] =	ssyncadd.s32 $0xFFFFFFB0  }
0xcc: {  	_ =	sfence.sel $0x180000  }
0xcd: {  	[bflag:$0x0] =	sbarrier.arrive $0xFFFF  }
0xce: {  	_ =	strace $0x9000004A  }
0xcf: {  	s0 =	stileid.u32;
	[bflag:$0x2] =	sbarrier.arrive $0xFFFF  }
0xd0: {  	p0 =	sne.s32 s0, $0x0;
	s0 =	rddreg [dreg:$0x4]  }
0xd1: {  	s0 =	sadd.s32 @!p0 $0x100000, s0  }
0xd2: {  	[sflag:s0] =	ssyncadd.tile.s32 @!p0 $0x1;
	_ =	shalt  }
.Lfunc_end2:
_tile_overlayer_lowered:
.L_overlay_start_2:
0xd3: {  	(tag) =	ssettag $0x2  }
0xd4: {  	s0 =	rddreg [dreg:$0x0];
	s2 =	stileid.u32  }
0xd5: {  	s1 =	rddreg [dreg:$0x1];
	p0 =	sne.s32 s2, $0x0  }
0xd6: {  	s3 =	rddreg [dreg:$0x2];
	[bflag:$0x3] =	sbarrier.arrive $0xFFFF;
	s2 =	simm.s32 @!p0 $0x1C0A  }
0xd7: {  	[timem:s3], [sflag:s2] =	dma.local @!p0 [hbm:s0], s1  }
0xd8: {  	s0 =	simm.s32 @!p0 $0xA  }
0xd9: {  	_ =	swait.ge @!p0 [sflag:s0], s1  }
0xda: {  	s1 =	ssub.s32 @!p0 $0x0, s1;
	[sflag:s0] =	ssyncset.done @!p0 $0x0  }
0xdb: {  	[sflag:s0] =	ssyncadd.s32 @!p0 s1  }
0xdc: {  	[bflag:$0x3] =	sbarrier.arrive $0xFFFF  }
0xdd: {  	_ =	shalt  }

</sc_bundles>
